<compile_context>
chip_gen: v7x
topology: tpu7x:2x2x1
jax: 0.10.2.dev20260603
libtpu: 0.0.44.dev20260713+nightly
codegen_flags: <defaults>
</compile_context>

<pallas_src>
import functools

import jax
import jax.numpy as jnp
from jax import lax
from jax.experimental import pallas as pl
from jax.experimental.pallas import tpu as pltpu
from jax.experimental.pallas import tpu_sc as plsc

NC = 2
NS = 16
L = 16
NW = NC * NS

NROWS = 1000000
BATCH_ = 16384
EMB_ = 64
BPW = BATCH_ // NW
NCOL = (NROWS + 127) // 128
BW = 512
BWS = BW.bit_length() - 1
NRING = 2
NCB = (NCOL * 128 + BW - 1) // BW
CBW = 62
MAXOFF = NCOL * 128 - BW
SLOTS = 12
NDROWS = BATCH_ + NW


def _extract_body(ids_hbm, tblT, rows_out,
                  allids, cnt, cand_id, cand_pos, ring, rowring,
                  sem_s0, sem_s1, sem_w):
    wid = lax.axis_index("s") * NC + lax.axis_index("c")
    base_blk = wid * CBW
    myblocks = jnp.clip(NCB - base_blk, 0, CBW)

    pltpu.sync_copy(ids_hbm, allids)

    lane = lax.iota(jnp.int32, L)
    zeros = jnp.zeros((L,), jnp.int32)
    ones = jnp.full((L,), 1, jnp.int32)

    def zcnt(i, _):
        cnt[pl.ds(i * L, L)] = zeros
        return 0
    lax.fori_loop(0, CBW + 1, zcnt, 0)

    def filt(c, _):
        v = allids[pl.ds(c * L, L)]
        blk = lax.shift_right_logical(v, BWS) - base_blk
        mask = (blk >= 0) & (blk < myblocks)
        b = jnp.clip(blk, 0, CBW - 1)
        key = b * L + lane
        o = jnp.minimum(plsc.load_gather(cnt, [key]), SLOTS - 1)
        flat = (b * SLOTS + o) * L + lane
        plsc.store_scatter(cand_id, [flat], v, mask=mask)
        plsc.store_scatter(cand_pos, [flat], c * L + lane, mask=mask)
        plsc.addupdate_scatter(cnt, [key], ones, mask=mask)
        return 0
    lax.fori_loop(0, BATCH_ // L, filt, 0)

    def blk_off(t):
        return jnp.minimum((base_blk + t) * BW, MAXOFF)

    sems = (sem_s0, sem_s1)

    def fire_block(t, b):
        pltpu.async_copy(tblT.at[:, pl.ds(blk_off(t), BW)],
                         ring.at[b], sems[b])

    for b in range(NRING):
        @pl.when(myblocks > b)
        def _(b=b):
            fire_block(b, b)

    def drain_rows(i, _):
        pltpu.make_async_copy(rowring.at[0], rows_out.at[pl.ds(0, L)],
                              sem_w).wait()
        return 0

    def bcast(vec, k):
        return lax.gather(
            vec, jnp.full((L, 1), k, jnp.int32),
            lax.GatherDimensionNumbers(
                offset_dims=(), collapsed_slice_dims=(0,),
                start_index_map=(0,)),
            (1,), mode=lax.GatherScatterMode.PROMISE_IN_BOUNDS)

    def scan_one(t, hcnt, b):
        cvec = cnt[pl.ds(t * L, L)]
        jmax = jnp.max(cvec)
        slot = jnp.full((L,), b, jnp.int32)
        off = blk_off(t)

        def scan_slot(j, hcnt):
            row = cand_id[pl.ds((t * SLOTS + j) * L, L)]
            pvec = cand_pos[pl.ds((t * SLOTS + j) * L, L)]
            hit = cvec > j
            key = jnp.where(hit, zeros, ones)
            _, ids_s = plsc.sort_key_val(key, row)
            _, pos_s = plsc.sort_key_val(key, pvec)
            nh = jnp.sum(jnp.where(hit, ones, zeros))
            cv_all = jnp.clip(ids_s - off, 0, BW - 1)
            hs = hcnt & 7

            def perhit(k, _):
                ck = bcast(cv_all, k)
                for j4 in range(EMB_ // L):
                    dv = j4 * L + lane
                    vals = plsc.load_gather(ring, [slot, dv, ck])
                    rowring[hs, k, pl.ds(j4 * L, L)] = vals
                return 0
            lax.fori_loop(0, nh, perhit, 0)

            posv = jnp.where(lane < nh, pos_s, BATCH_ + wid)
            pltpu.async_copy(rowring.at[hs], rows_out.at[posv], sem_w)
            @pl.when((hcnt & 7) == 7)
            def _():
                lax.fori_loop(0, 8, drain_rows, 0)

            return hcnt + 1

        return lax.fori_loop(0, jmax, scan_slot, hcnt)

    def scan_quad(t4, hcnt):
        for b in range(NRING):
            t = t4 * NRING + b

            @pl.when(t < myblocks)
            def _(b=b):
                pltpu.make_async_copy(tblT.at[:, pl.ds(0, BW)],
                                      ring.at[b], sems[b]).wait()

            hcnt = scan_one(t, hcnt, b)

            @pl.when(t + NRING < myblocks)
            def _(t=t, b=b):
                fire_block(t + NRING, b)
        return hcnt

    hcnt = lax.fori_loop(0, (CBW + NRING - 1) // NRING, scan_quad, 0)
    lax.fori_loop(0, hcnt & 7, drain_rows, 0)


def _dot_body(urows, mrows, out_hbm, ubuf, mbuf, outv, sem_u, sem_m):
    wid = lax.axis_index("s") * NC + lax.axis_index("c")
    lane = lax.iota(jnp.int32, L)

    def chunk(q, _):
        cb = wid * BPW + q * 128
        cu = pltpu.async_copy(urows.at[pl.ds(cb, 128), :], ubuf, sem_u)
        cm = pltpu.async_copy(mrows.at[pl.ds(cb, 128), :], mbuf, sem_m)
        cu.wait()
        cm.wait()

        def grp(g, _):
            rows = g * L + lane
            def dloop(d, acc):
                dv = jnp.full((L,), d, jnp.int32)
                u = plsc.load_gather(ubuf, [rows, dv])
                m = plsc.load_gather(mbuf, [rows, dv])
                return acc + u * m
            acc = lax.fori_loop(0, EMB_, dloop,
                                jnp.zeros((L,), jnp.float32))
            outv[pl.ds(q * 128 + g * L, L)] = acc
            return 0
        lax.fori_loop(0, 128 // L, grp, 0)
        return 0

    lax.fori_loop(0, BPW // 128, chunk, 0)
    pltpu.sync_copy(outv, out_hbm.at[wid])


@jax.jit
def _mf_dot(user_id, movie_id, user_table, movie_table):
    mesh = plsc.VectorSubcoreMesh(core_axis_name="c", subcore_axis_name="s")
    cp = pltpu.CompilerParams(needs_layout_passes=False)

    extract = pl.kernel(
        _extract_body,
        out_type=jax.ShapeDtypeStruct((NDROWS, 128), jnp.float32),
        mesh=mesh,
        compiler_params=cp,
        scratch_types=[
            pltpu.VMEM((BATCH_,), jnp.int32),
            pltpu.VMEM(((CBW + 1) * L,), jnp.int32),
            pltpu.VMEM((CBW * SLOTS * L,), jnp.int32),
            pltpu.VMEM((CBW * SLOTS * L,), jnp.int32),
            pltpu.VMEM((NRING, EMB_, BW), jnp.float32),
            pltpu.VMEM((8, L, 128), jnp.float32),
            pltpu.SemaphoreType.DMA,
            pltpu.SemaphoreType.DMA,
            pltpu.SemaphoreType.DMA,
        ],
    )

    dot = pl.kernel(
        _dot_body,
        out_type=jax.ShapeDtypeStruct((NW, BPW), jnp.float32),
        mesh=mesh,
        compiler_params=cp,
        scratch_types=[
            pltpu.VMEM((128, 128), jnp.float32),
            pltpu.VMEM((128, 128), jnp.float32),
            pltpu.VMEM((BPW,), jnp.float32),
            pltpu.SemaphoreType.DMA,
            pltpu.SemaphoreType.DMA,
        ],
    )

    uid = user_id.astype(jnp.int32)
    mid = movie_id.astype(jnp.int32)
    u_rows = extract(uid, user_table.T)
    m_rows = extract(mid, movie_table.T)
    out = dot(u_rows, m_rows)
    return out.reshape(BATCH_)


def kernel(user_id, movie_id, user_table, movie_table):
    return _mf_dot(user_id, movie_id, user_table, movie_table)

# --- scband reference (transcript-rebuilt; emitter-appended) ---
"""Pipeline reference for scband-matrix-factorization-model-49512382988702 (READ-ONLY COPY).

The authoritative reference and input builder live on the scoring server;
editing this copy changes nothing except your own understanding.
"""

import jax, jax.numpy as jnp
import numpy as np

NUM_USERS = 1000000
NUM_MOVIES = 1000000
EMB = 64
BATCH = 16384

def setup_inputs(seed: int = 0) -> dict:
    key = jax.random.key(seed)
    k1, k2, k3, k4 = jax.random.split(key, 4)
    user_id = jax.random.randint(k1, (BATCH,), 0, NUM_USERS, dtype=jnp.int64 if jax.config.jax_enable_x64 else jnp.int32)
    movie_id = jax.random.randint(k2, (BATCH,), 0, NUM_MOVIES, dtype=jnp.int64 if jax.config.jax_enable_x64 else jnp.int32)
    user_table = jax.random.normal(k3, (NUM_USERS, EMB), dtype=jnp.float32)
    movie_table = jax.random.normal(k4, (NUM_MOVIES, EMB), dtype=jnp.float32)
    return {"user_id": user_id, "movie_id": movie_id, "user_table": user_table, "movie_table": movie_table}

def reference(user_id, movie_id, user_table, movie_table):
    user_embedding = jnp.take(user_table, user_id, axis=0)
    movie_embedding = jnp.take(movie_table, movie_id, axis=0)
    interaction = jnp.sum(user_embedding * movie_embedding, axis=1)
    return interaction

if __name__ == "__main__":
    import jax
    _d = setup_inputs()
    print(jax.jit(kernel)(*tuple(_d.values())))

</pallas_src>

<mosaic_0001>
#map = affine_map<(d0, d1) -> (0)>
#map1 = affine_map<(d0, d1) -> (0, 0)>
module attributes {stable_mosaic.version = 14 : i64} {
  func.func @_extract_body(%arg0: i32, %arg1: i32, %arg2: memref<16384xi32, #tpu.memory_space<hbm>>, %arg3: memref<64x1000000xf32, #tpu.memory_space<hbm>>, %arg4: memref<16416x128xf32, #tpu.memory_space<hbm>>, %arg5: memref<16384xi32, #tpu.memory_space<vmem>>, %arg6: memref<1008xi32, #tpu.memory_space<vmem>>, %arg7: memref<11904xi32, #tpu.memory_space<vmem>>, %arg8: memref<11904xi32, #tpu.memory_space<vmem>>, %arg9: memref<2x64x512xf32, #tpu.memory_space<vmem>>, %arg10: memref<8x16x128xf32, #tpu.memory_space<vmem>>, %arg11: memref<!tpu.dma_semaphore, #tpu.memory_space<semaphore_mem>>, %arg12: memref<!tpu.dma_semaphore, #tpu.memory_space<semaphore_mem>>, %arg13: memref<!tpu.dma_semaphore, #tpu.memory_space<semaphore_mem>>) attributes {dimension_semantics = [#tpu.dimension_semantics<core_parallel>, #tpu.dimension_semantics<subcore_parallel>], iteration_bounds = array<i64: 2, 16>, scalar_prefetch = 0 : i64, scratch_operands = 9 : i64, tpu.core_type = #tpu.core_type<sc_vector_subcore>, window_params = [{transform_indices = #map}, {transform_indices = #map1}, {transform_indices = #map1}]} {
    %mul3A = arith.constant 2 : i32
    %mul3A_0 = arith.muli %arg1, %mul3A : i32
    %add3A = arith.addi %mul3A_0, %arg0 : i32
    %mul3A_1 = arith.constant 62 : i32
    %mul3A_2 = arith.muli %add3A, %mul3A_1 : i32
    %sub3A = arith.constant 1954 : i32
    %sub3A_3 = arith.subi %sub3A, %mul3A_2 : i32
    %jit3A = arith.constant 0 : i32
    %jit3A_4 = arith.constant 62 : i32
    %max3A = arith.maxsi %jit3A, %sub3A_3 : i32
    %min3A = arith.minsi %jit3A_4, %max3A : i32
    "tpu.region"() ({
      %run_scoped3A = tpu.sem_alloc : memref<!tpu.dma_semaphore, #tpu.memory_space<semaphore_mem>>
      tpu.enqueue_dma source(%arg2 : memref<16384xi32, #tpu.memory_space<hbm>>) target(%arg5 : memref<16384xi32, #tpu.memory_space<vmem>>) target_semaphore(%run_scoped3A : memref<!tpu.dma_semaphore, #tpu.memory_space<semaphore_mem>>)
      tpu.wait_dma2 semaphore(%run_scoped3A : memref<!tpu.dma_semaphore, #tpu.memory_space<semaphore_mem>>) src(%arg2 : memref<16384xi32, #tpu.memory_space<hbm>>) dst(%arg5 : memref<16384xi32, #tpu.memory_space<vmem>>)
      tpu.yield
    }) : () -> ()
    %iota3A = tpu.iota {dimensions = array<i32: 0>} : vector<16xi32>
    %broadcast_in_dim3A = arith.constant 0 : i32
    %broadcast_in_dim3A_5 = vector.broadcast %broadcast_in_dim3A : i32 to vector<16xi32>
    %broadcast_in_dim3A_6 = arith.constant 1 : i32
    %broadcast_in_dim3A_7 = vector.broadcast %broadcast_in_dim3A_6 : i32 to vector<16xi32>
    %scan3A = arith.constant 0 : i32
    %scan3A_8 = arith.constant 0 : i32
    %scan3A_9 = arith.constant 63 : i32
    %scan3A_10 = arith.addi %scan3A_8, %scan3A_9 : i32
    %scan3A_11 = arith.constant 1 : i32
    %scan3A_12 = scf.for %scan3A_47 = %scan3A_8 to %scan3A_10 step %scan3A_11 iter_args(%scan3A_48 = %scan3A) -> (i32)  : i32 {
      %mul3A_49 = arith.constant 16 : i32
      %mul3A_50 = arith.muli %scan3A_47, %mul3A_49 : i32
      %swap3A = arith.index_cast %mul3A_50 : i32 to index
      %swap3A_51 = tpu.vector_load %arg6[%swap3A] {strides = array<i32>} : memref<1008xi32, #tpu.memory_space<vmem>>, vector<16xi32>,
      tpu.vector_store %arg6[%swap3A], %broadcast_in_dim3A_5 {strides = array<i32>} : memref<1008xi32, #tpu.memory_space<vmem>>, vector<16xi32>,
      %scan3A_52 = arith.constant 0 : i32
      scf.yield %scan3A_52 : i32
    }
    %scan3A_13 = arith.constant 63 : i32
    %scan3A_14 = arith.constant 0 : i32
    %scan3A_15 = arith.constant 0 : i32
    %scan3A_16 = arith.constant 1024 : i32
    %scan3A_17 = arith.addi %scan3A_15, %scan3A_16 : i32
    %scan3A_18 = arith.constant 1 : i32
    %scan3A_19 = scf.for %scan3A_47 = %scan3A_15 to %scan3A_17 step %scan3A_18 iter_args(%scan3A_48 = %scan3A_14) -> (i32)  : i32 {
      %mul3A_49 = arith.constant 16 : i32
      %mul3A_50 = arith.muli %scan3A_47, %mul3A_49 : i32
      %get3A = arith.index_cast %mul3A_50 : i32 to index
      %get3A_51 = tpu.vector_load %arg5[%get3A] {strides = array<i32>} : memref<16384xi32, #tpu.memory_space<vmem>>, vector<16xi32>,
      %shift_right_logical3A = arith.constant 9 : i32
      %shift_right_logical3A_52 = vector.broadcast %shift_right_logical3A : i32 to vector<16xi32>
      %shift_right_logical3A_53 = arith.shrui %get3A_51, %shift_right_logical3A_52 : vector<16xi32>
      %sub3A_54 = vector.broadcast %mul3A_2 : i32 to vector<16xi32>
      %sub3A_55 = arith.subi %shift_right_logical3A_53, %sub3A_54 : vector<16xi32>
      %ge3A = arith.constant 0 : i32
      %ge3A_56 = vector.broadcast %ge3A : i32 to vector<16xi32>
      %ge3A_57 = arith.cmpi sge, %sub3A_55, %ge3A_56 : vector<16xi32>
      %lt3A = vector.broadcast %min3A : i32 to vector<16xi32>
      %lt3A_58 = arith.cmpi slt, %sub3A_55, %lt3A : vector<16xi32>
      %and3A_59 = arith.andi %ge3A_57, %lt3A_58 : vector<16xi1>
      %jit3A_60 = arith.constant 0 : i32
      %jit3A_61 = arith.constant 61 : i32
      %max3A_62 = vector.broadcast %jit3A_60 : i32 to vector<16xi32>
      %max3A_63 = arith.maxsi %max3A_62, %sub3A_55 : vector<16xi32>
      %min3A_64 = vector.broadcast %jit3A_61 : i32 to vector<16xi32>
      %min3A_65 = arith.minsi %min3A_64, %max3A_63 : vector<16xi32>
      %mul3A_66 = arith.constant 16 : i32
      %mul3A_67 = vector.broadcast %mul3A_66 : i32 to vector<16xi32>
      %mul3A_68 = arith.muli %min3A_65, %mul3A_67 : vector<16xi32>
      %add3A_69 = arith.addi %mul3A_68, %iota3A : vector<16xi32>
      %gather3A = tpu.vector_load_idx %arg6[%add3A_69] : memref<1008xi32, #tpu.memory_space<vmem>>[vector<16xi32>], vector<16xi32>,
      %min3A_70 = arith.constant 11 : i32
      %min3A_71 = vector.broadcast %min3A_70 : i32 to vector<16xi32>
      %min3A_72 = arith.minsi %gather3A, %min3A_71 : vector<16xi32>
      %mul3A_73 = arith.constant 12 : i32
      %mul3A_74 = vector.broadcast %mul3A_73 : i32 to vector<16xi32>
      %mul3A_75 = arith.muli %min3A_65, %mul3A_74 : vector<16xi32>
      %add3A_76 = arith.addi %mul3A_75, %min3A_72 : vector<16xi32>
      %mul3A_77 = arith.constant 16 : i32
      %mul3A_78 = vector.broadcast %mul3A_77 : i32 to vector<16xi32>
      %mul3A_79 = arith.muli %add3A_76, %mul3A_78 : vector<16xi32>
      %add3A_80 = arith.addi %mul3A_79, %iota3A : vector<16xi32>
      tpu.vector_store_idx %arg7[%add3A_80], %get3A_51 masked %and3A_59 : memref<11904xi32, #tpu.memory_space<vmem>>[vector<16xi32>], vector<16xi32>, vector<16xi1>
      %mul3A_81 = arith.constant 16 : i32
      %mul3A_82 = arith.muli %scan3A_47, %mul3A_81 : i32
      %add3A_83 = vector.broadcast %mul3A_82 : i32 to vector<16xi32>
      %add3A_84 = arith.addi %add3A_83, %iota3A : vector<16xi32>
      tpu.vector_store_idx %arg8[%add3A_80], %add3A_84 masked %and3A_59 : memref<11904xi32, #tpu.memory_space<vmem>>[vector<16xi32>], vector<16xi32>, vector<16xi1>
      tpu.vector_store_idx %arg6[%add3A_69], %broadcast_in_dim3A_7 masked %and3A_59 {add = true} : memref<1008xi32, #tpu.memory_space<vmem>>[vector<16xi32>], vector<16xi32>, vector<16xi1>
      %scan3A_85 = arith.constant 0 : i32
      scf.yield %scan3A_85 : i32
    }
    %scan3A_20 = arith.constant 1024 : i32
    %gt3A = arith.constant 0 : i32
    %gt3A_21 = arith.cmpi sgt, %min3A, %gt3A : i32
    %convert_element_type3A = arith.extui %gt3A_21 : i1 to i32
    %cond3A = arith.constant 0 : i32
    %cond3A_22 = arith.cmpi ne, %convert_element_type3A, %cond3A : i32
    scf.if %cond3A_22 {
      %add3A_47 = arith.constant 0 : i32
      %add3A_48 = arith.addi %mul3A_2, %add3A_47 : i32
      %mul3A_49 = arith.constant 512 : i32
      %mul3A_50 = arith.muli %add3A_48, %mul3A_49 : i32
      %min3A_51 = arith.constant 999552 : i32
      %min3A_52 = arith.minsi %mul3A_50, %min3A_51 : i32
      %dma_start3A = arith.constant 0 : i32
      %dma_start3A_53 = arith.constant 0 : i32
      %dma_start3A_54 = arith.constant 0 : i32
      %dma_start3A_55 = tpu.memref_slice %arg9[%dma_start3A, %dma_start3A_53, %dma_start3A_54] : memref<2x64x512xf32, #tpu.memory_space<vmem>> -> memref<1x64x512xf32, #tpu.memory_space<vmem>>
      %dma_start3A_56 = tpu.memref_squeeze %dma_start3A_55 : memref<1x64x512xf32, #tpu.memory_space<vmem>> -> memref<64x512xf32, #tpu.memory_space<vmem>>
      %dma_start3A_57 = arith.constant 0 : i32
      %dma_start3A_58 = tpu.memref_slice %arg3[%dma_start3A_57, %min3A_52] : memref<64x1000000xf32, #tpu.memory_space<hbm>> -> memref<64x512xf32, #tpu.memory_space<hbm>>
      %dma_start3A_59 = arith.constant 0 : i32
      %dma_start3A_60 = arith.constant 0 : i32
      %dma_start3A_61 = tpu.memref_slice %arg9[%dma_start3A, %dma_start3A_59, %dma_start3A_60] : memref<2x64x512xf32, #tpu.memory_space<vmem>> -> memref<1x64x512xf32, #tpu.memory_space<vmem>>
      %dma_start3A_62 = tpu.memref_squeeze %dma_start3A_61 : memref<1x64x512xf32, #tpu.memory_space<vmem>> -> memref<64x512xf32, #tpu.memory_space<vmem>>
      %dma_start3A_63 = arith.constant 0 : i32
      %dma_start3A_64 = tpu.memref_slice %arg3[%dma_start3A_63, %min3A_52] : memref<64x1000000xf32, #tpu.memory_space<hbm>> -> memref<64x512xf32, #tpu.memory_space<hbm>>
      tpu.enqueue_dma source(%dma_start3A_64 : memref<64x512xf32, #tpu.memory_space<hbm>>) target(%dma_start3A_62 : memref<64x512xf32, #tpu.memory_space<vmem>>) target_semaphore(%arg11 : memref<!tpu.dma_semaphore, #tpu.memory_space<semaphore_mem>>)
    } else {
    }
    %gt3A_23 = arith.constant 1 : i32
    %gt3A_24 = arith.cmpi sgt, %min3A, %gt3A_23 : i32
    %convert_element_type3A_25 = arith.extui %gt3A_24 : i1 to i32
    %cond3A_26 = arith.constant 0 : i32
    %cond3A_27 = arith.cmpi ne, %convert_element_type3A_25, %cond3A_26 : i32
    scf.if %cond3A_27 {
      %add3A_47 = arith.constant 1 : i32
      %add3A_48 = arith.addi %mul3A_2, %add3A_47 : i32
      %mul3A_49 = arith.constant 512 : i32
      %mul3A_50 = arith.muli %add3A_48, %mul3A_49 : i32
      %min3A_51 = arith.constant 999552 : i32
      %min3A_52 = arith.minsi %mul3A_50, %min3A_51 : i32
      %dma_start3A = arith.constant 1 : i32
      %dma_start3A_53 = arith.constant 0 : i32
      %dma_start3A_54 = arith.constant 0 : i32
      %dma_start3A_55 = tpu.memref_slice %arg9[%dma_start3A, %dma_start3A_53, %dma_start3A_54] : memref<2x64x512xf32, #tpu.memory_space<vmem>> -> memref<1x64x512xf32, #tpu.memory_space<vmem>>
      %dma_start3A_56 = tpu.memref_squeeze %dma_start3A_55 : memref<1x64x512xf32, #tpu.memory_space<vmem>> -> memref<64x512xf32, #tpu.memory_space<vmem>>
      %dma_start3A_57 = arith.constant 0 : i32
      %dma_start3A_58 = tpu.memref_slice %arg3[%dma_start3A_57, %min3A_52] : memref<64x1000000xf32, #tpu.memory_space<hbm>> -> memref<64x512xf32, #tpu.memory_space<hbm>>
      %dma_start3A_59 = arith.constant 0 : i32
      %dma_start3A_60 = arith.constant 0 : i32
      %dma_start3A_61 = tpu.memref_slice %arg9[%dma_start3A, %dma_start3A_59, %dma_start3A_60] : memref<2x64x512xf32, #tpu.memory_space<vmem>> -> memref<1x64x512xf32, #tpu.memory_space<vmem>>
      %dma_start3A_62 = tpu.memref_squeeze %dma_start3A_61 : memref<1x64x512xf32, #tpu.memory_space<vmem>> -> memref<64x512xf32, #tpu.memory_space<vmem>>
      %dma_start3A_63 = arith.constant 0 : i32
      %dma_start3A_64 = tpu.memref_slice %arg3[%dma_start3A_63, %min3A_52] : memref<64x1000000xf32, #tpu.memory_space<hbm>> -> memref<64x512xf32, #tpu.memory_space<hbm>>
      tpu.enqueue_dma source(%dma_start3A_64 : memref<64x512xf32, #tpu.memory_space<hbm>>) target(%dma_start3A_62 : memref<64x512xf32, #tpu.memory_space<vmem>>) target_semaphore(%arg12 : memref<!tpu.dma_semaphore, #tpu.memory_space<semaphore_mem>>)
    } else {
    }
    %scan3A_28 = arith.constant 0 : i32
    %scan3A_29 = arith.constant 0 : i32
    %scan3A_30 = arith.constant 31 : i32
    %scan3A_31 = arith.addi %scan3A_29, %scan3A_30 : i32
    %scan3A_32 = arith.constant 1 : i32
    %scan3A_33 = scf.for %scan3A_47 = %scan3A_29 to %scan3A_31 step %scan3A_32 iter_args(%scan3A_48 = %scan3A_28) -> (i32)  : i32 {
      %mul3A_49 = arith.constant 2 : i32
      %mul3A_50 = arith.muli %scan3A_47, %mul3A_49 : i32
      %add3A_51 = arith.constant 0 : i32
      %add3A_52 = arith.addi %mul3A_50, %add3A_51 : i32
      %lt3A = arith.cmpi slt, %add3A_52, %min3A : i32
      %convert_element_type3A_53 = arith.extui %lt3A : i1 to i32
      %cond3A_54 = arith.constant 0 : i32
      %cond3A_55 = arith.cmpi ne, %convert_element_type3A_53, %cond3A_54 : i32
      scf.if %cond3A_55 {
        %dma_wait3A = arith.constant 0 : i32
        %dma_wait3A_134 = arith.constant 0 : i32
        %dma_wait3A_135 = arith.constant 0 : i32
        %dma_wait3A_136 = tpu.memref_slice %arg9[%dma_wait3A, %dma_wait3A_134, %dma_wait3A_135] : memref<2x64x512xf32, #tpu.memory_space<vmem>> -> memref<1x64x512xf32, #tpu.memory_space<vmem>>
        %dma_wait3A_137 = tpu.memref_squeeze %dma_wait3A_136 : memref<1x64x512xf32, #tpu.memory_space<vmem>> -> memref<64x512xf32, #tpu.memory_space<vmem>>
        %dma_wait3A_138 = arith.constant 0 : i32
        %dma_wait3A_139 = arith.constant 0 : i32
        %dma_wait3A_140 = tpu.memref_slice %arg3[%dma_wait3A_138, %dma_wait3A_139] : memref<64x1000000xf32, #tpu.memory_space<hbm>> -> memref<64x512xf32, #tpu.memory_space<hbm>>
        %dma_wait3A_141 = arith.constant 0 : i32
        %dma_wait3A_142 = arith.constant 0 : i32
        %dma_wait3A_143 = tpu.memref_slice %arg9[%dma_wait3A, %dma_wait3A_141, %dma_wait3A_142] : memref<2x64x512xf32, #tpu.memory_space<vmem>> -> memref<1x64x512xf32, #tpu.memory_space<vmem>>
        %dma_wait3A_144 = tpu.memref_squeeze %dma_wait3A_143 : memref<1x64x512xf32, #tpu.memory_space<vmem>> -> memref<64x512xf32, #tpu.memory_space<vmem>>
        %dma_wait3A_145 = arith.constant 0 : i32
        %dma_wait3A_146 = arith.constant 0 : i32
        %dma_wait3A_147 = tpu.memref_slice %arg3[%dma_wait3A_145, %dma_wait3A_146] : memref<64x1000000xf32, #tpu.memory_space<hbm>> -> memref<64x512xf32, #tpu.memory_space<hbm>>
        tpu.wait_dma2 semaphore(%arg11 : memref<!tpu.dma_semaphore, #tpu.memory_space<semaphore_mem>>) src(%dma_wait3A_147 : memref<64x512xf32, #tpu.memory_space<hbm>>) dst(%dma_wait3A_144 : memref<64x512xf32, #tpu.memory_space<vmem>>)
      } else {
      }
      %mul3A_56 = arith.constant 16 : i32
      %mul3A_57 = arith.muli %add3A_52, %mul3A_56 : i32
      %get3A = arith.index_cast %mul3A_57 : i32 to index
      %get3A_58 = tpu.vector_load %arg6[%get3A] {strides = array<i32>} : memref<1008xi32, #tpu.memory_space<vmem>>, vector<16xi32>,
      %reduce_max3A = arith.constant true
      %reduce_max3A_59 = vector.broadcast %reduce_max3A : i1 to vector<16xi1>
      %reduce_max3A_60 = arith.constant -2147483648 : i32
      %reduce_max3A_61 = vector.broadcast %reduce_max3A_60 : i32 to vector<16xi32>
      %reduce_max3A_62 = arith.xori %get3A_58, %reduce_max3A_61 : vector<16xi32>
      %reduce_max3A_63 = tpu.scan <max>, %reduce_max3A_62 masked %reduce_max3A_59 : vector<16xi32>, vector<16xi1> -> vector<16xi32>
      %reduce_max3A_64 = arith.xori %reduce_max3A_63, %reduce_max3A_61 : vector<16xi32>
      %reduce_max3A_65 = vector.extract %reduce_max3A_64[15] : i32 from vector<16xi32>
      %broadcast_in_dim3A_66 = arith.constant 0 : i32
      %broadcast_in_dim3A_67 = vector.broadcast %broadcast_in_dim3A_66 : i32 to vector<16xi32>
      %add3A_68 = arith.addi %mul3A_2, %add3A_52 : i32
      %mul3A_69 = arith.constant 512 : i32
      %mul3A_70 = arith.muli %add3A_68, %mul3A_69 : i32
      %min3A_71 = arith.constant 999552 : i32
      %min3A_72 = arith.minsi %mul3A_70, %min3A_71 : i32
      %while3A_73 = arith.constant 0 : i32
      %while3A_74 = arith.subi %reduce_max3A_65, %while3A_73 : i32
      %while3A_75 = arith.addi %while3A_73, %while3A_74 : i32
      %while3A_76 = arith.constant 1 : i32
      %while3A_77 = arith.divsi %while3A_74, %while3A_76 : i32
      %while3A_78 = arith.muli %while3A_77, %while3A_76 : i32
      %while3A_79 = arith.addi %while3A_73, %while3A_78 : i32
      %while3A_80 = arith.constant 1 : i32
      %while3A_81 = scf.for %while3A_134 = %while3A_73 to %while3A_79 step %while3A_80 iter_args(%while3A_135 = %scan3A_48) -> (i32)  : i32 {
        %mul3A_136 = arith.constant 12 : i32
        %mul3A_137 = arith.muli %add3A_52, %mul3A_136 : i32
        %add3A_138 = arith.addi %mul3A_137, %while3A_134 : i32
        %mul3A_139 = arith.constant 16 : i32
        %mul3A_140 = arith.muli %add3A_138, %mul3A_139 : i32
        %get3A_141 = arith.index_cast %mul3A_140 : i32 to index
        %get3A_142 = tpu.vector_load %arg7[%get3A_141] {strides = array<i32>} : memref<11904xi32, #tpu.memory_space<vmem>>, vector<16xi32>,
        %mul3A_143 = arith.constant 12 : i32
        %mul3A_144 = arith.muli %add3A_52, %mul3A_143 : i32
        %add3A_145 = arith.addi %mul3A_144, %while3A_134 : i32
        %mul3A_146 = arith.constant 16 : i32
        %mul3A_147 = arith.muli %add3A_145, %mul3A_146 : i32
        %get3A_148 = arith.index_cast %mul3A_147 : i32 to index
        %get3A_149 = tpu.vector_load %arg8[%get3A_148] {strides = array<i32>} : memref<11904xi32, #tpu.memory_space<vmem>>, vector<16xi32>,
        %gt3A_150 = vector.broadcast %while3A_134 : i32 to vector<16xi32>
        %gt3A_151 = arith.cmpi sgt, %get3A_58, %gt3A_150 : vector<16xi32>
        %select_n3A = arith.select %gt3A_151, %broadcast_in_dim3A_5, %broadcast_in_dim3A_7 : vector<16xi1>, vector<16xi32>
        %masked_sort3A = arith.constant dense<true> : vector<16xi1>
        %masked_sort3A_152 = arith.constant -2147483648 : i32
        %masked_sort3A_153 = vector.broadcast %masked_sort3A_152 : i32 to vector<16xi32>
        %masked_sort3A_154 = arith.xori %select_n3A, %masked_sort3A_153 : vector<16xi32>
        %masked_sort3A_155, %masked_sort3A_156, %masked_sort3A_157 = tpu.sort %masked_sort3A_154, %get3A_142 masked %masked_sort3A : (vector<16xi32>, vector<16xi32>, vector<16xi1>) -> (vector<16xi1>, vector<16xi32>, vector<16xi32>)
        %masked_sort3A_158 = arith.xori %masked_sort3A_156, %masked_sort3A_153 : vector<16xi32>
        %masked_sort3A_159 = arith.constant dense<true> : vector<16xi1>
        %masked_sort3A_160 = arith.constant -2147483648 : i32
        %masked_sort3A_161 = vector.broadcast %masked_sort3A_160 : i32 to vector<16xi32>
        %masked_sort3A_162 = arith.xori %select_n3A, %masked_sort3A_161 : vector<16xi32>
        %masked_sort3A_163, %masked_sort3A_164, %masked_sort3A_165 = tpu.sort %masked_sort3A_162, %get3A_149 masked %masked_sort3A_159 : (vector<16xi32>, vector<16xi32>, vector<16xi1>) -> (vector<16xi1>, vector<16xi32>, vector<16xi32>)
        %masked_sort3A_166 = arith.xori %masked_sort3A_164, %masked_sort3A_161 : vector<16xi32>
        %select_n3A_167 = arith.select %gt3A_151, %broadcast_in_dim3A_7, %broadcast_in_dim3A_5 : vector<16xi1>, vector<16xi32>
        %reduce_sum3A = arith.constant true
        %reduce_sum3A_168 = vector.broadcast %reduce_sum3A : i1 to vector<16xi1>
        %reduce_sum3A_169 = tpu.scan <sum>, %select_n3A_167 masked %reduce_sum3A_168 : vector<16xi32>, vector<16xi1> -> vector<16xi32>
        %reduce_sum3A_170 = vector.extract %reduce_sum3A_169[15] : i32 from vector<16xi32>
        %sub3A_171 = vector.broadcast %min3A_72 : i32 to vector<16xi32>
        %sub3A_172 = arith.subi %masked_sort3A_157, %sub3A_171 : vector<16xi32>
        %jit3A_173 = arith.constant 0 : i32
        %jit3A_174 = arith.constant 511 : i32
        %max3A_175 = vector.broadcast %jit3A_173 : i32 to vector<16xi32>
        %max3A_176 = arith.maxsi %max3A_175, %sub3A_172 : vector<16xi32>
        %min3A_177 = vector.broadcast %jit3A_174 : i32 to vector<16xi32>
        %min3A_178 = arith.minsi %min3A_177, %max3A_176 : vector<16xi32>
        %and3A_179 = arith.constant 7 : i32
        %and3A_180 = arith.andi %while3A_135, %and3A_179 : i32
        %while3A_181 = arith.constant 0 : i32
        %while3A_182 = arith.constant 0 : i32
        %while3A_183 = arith.subi %reduce_sum3A_170, %while3A_181 : i32
        %while3A_184 = arith.addi %while3A_181, %while3A_183 : i32
        %while3A_185 = arith.constant 1 : i32
        %while3A_186 = arith.divsi %while3A_183, %while3A_185 : i32
        %while3A_187 = arith.muli %while3A_186, %while3A_185 : i32
        %while3A_188 = arith.addi %while3A_181, %while3A_187 : i32
        %while3A_189 = arith.constant 1 : i32
        %while3A_190 = scf.for %while3A_213 = %while3A_181 to %while3A_188 step %while3A_189 iter_args(%while3A_214 = %while3A_182) -> (i32)  : i32 {
          %broadcast_in_dim3A_215 = vector.broadcast %while3A_213 : i32 to vector<16x1xi32>
          %gather3A = vector.shape_cast %broadcast_in_dim3A_215 : vector<16x1xi32> to vector<16xi32>
          %gather3A_216 = tpu.dynamic_gather %min3A_178[%gather3A] in [0] : vector<16xi32>, vector<16xi32> -> vector<16xi32>
          %add3A_217 = arith.constant 0 : i32
          %add3A_218 = vector.broadcast %add3A_217 : i32 to vector<16xi32>
          %add3A_219 = arith.addi %add3A_218, %iota3A : vector<16xi32>
          %gather3A_220 = tpu.vector_load_idx %arg9[%broadcast_in_dim3A_67, %add3A_219, %gather3A_216] : memref<2x64x512xf32, #tpu.memory_space<vmem>>[vector<16xi32>, vector<16xi32>, vector<16xi32>], vector<16xf32>,
          %swap3A = arith.index_cast %and3A_180 : i32 to index
          %swap3A_221 = arith.index_cast %while3A_213 : i32 to index
          %swap3A_222 = arith.constant 0 : index
          %swap3A_223 = tpu.vector_load %arg10[%swap3A, %swap3A_221, %swap3A_222] {strides = array<i32>} : memref<8x16x128xf32, #tpu.memory_space<vmem>>, vector<16xf32>,
          tpu.vector_store %arg10[%swap3A, %swap3A_221, %swap3A_222], %gather3A_220 {strides = array<i32>} : memref<8x16x128xf32, #tpu.memory_space<vmem>>, vector<16xf32>,
          %add3A_224 = arith.constant 16 : i32
          %add3A_225 = vector.broadcast %add3A_224 : i32 to vector<16xi32>
          %add3A_226 = arith.addi %add3A_225, %iota3A : vector<16xi32>
          %gather3A_227 = tpu.vector_load_idx %arg9[%broadcast_in_dim3A_67, %add3A_226, %gather3A_216] : memref<2x64x512xf32, #tpu.memory_space<vmem>>[vector<16xi32>, vector<16xi32>, vector<16xi32>], vector<16xf32>,
          %swap3A_228 = arith.index_cast %and3A_180 : i32 to index
          %swap3A_229 = arith.index_cast %while3A_213 : i32 to index
          %swap3A_230 = arith.constant 16 : index
          %swap3A_231 = tpu.vector_load %arg10[%swap3A_228, %swap3A_229, %swap3A_230] {strides = array<i32>} : memref<8x16x128xf32, #tpu.memory_space<vmem>>, vector<16xf32>,
          tpu.vector_store %arg10[%swap3A_228, %swap3A_229, %swap3A_230], %gather3A_227 {strides = array<i32>} : memref<8x16x128xf32, #tpu.memory_space<vmem>>, vector<16xf32>,
          %add3A_232 = arith.constant 32 : i32
          %add3A_233 = vector.broadcast %add3A_232 : i32 to vector<16xi32>
          %add3A_234 = arith.addi %add3A_233, %iota3A : vector<16xi32>
          %gather3A_235 = tpu.vector_load_idx %arg9[%broadcast_in_dim3A_67, %add3A_234, %gather3A_216] : memref<2x64x512xf32, #tpu.memory_space<vmem>>[vector<16xi32>, vector<16xi32>, vector<16xi32>], vector<16xf32>,
          %swap3A_236 = arith.index_cast %and3A_180 : i32 to index
          %swap3A_237 = arith.index_cast %while3A_213 : i32 to index
          %swap3A_238 = arith.constant 32 : index
          %swap3A_239 = tpu.vector_load %arg10[%swap3A_236, %swap3A_237, %swap3A_238] {strides = array<i32>} : memref<8x16x128xf32, #tpu.memory_space<vmem>>, vector<16xf32>,
          tpu.vector_store %arg10[%swap3A_236, %swap3A_237, %swap3A_238], %gather3A_235 {strides = array<i32>} : memref<8x16x128xf32, #tpu.memory_space<vmem>>, vector<16xf32>,
          %add3A_240 = arith.constant 48 : i32
          %add3A_241 = vector.broadcast %add3A_240 : i32 to vector<16xi32>
          %add3A_242 = arith.addi %add3A_241, %iota3A : vector<16xi32>
          %gather3A_243 = tpu.vector_load_idx %arg9[%broadcast_in_dim3A_67, %add3A_242, %gather3A_216] : memref<2x64x512xf32, #tpu.memory_space<vmem>>[vector<16xi32>, vector<16xi32>, vector<16xi32>], vector<16xf32>,
          %swap3A_244 = arith.index_cast %and3A_180 : i32 to index
          %swap3A_245 = arith.index_cast %while3A_213 : i32 to index
          %swap3A_246 = arith.constant 48 : index
          %swap3A_247 = tpu.vector_load %arg10[%swap3A_244, %swap3A_245, %swap3A_246] {strides = array<i32>} : memref<8x16x128xf32, #tpu.memory_space<vmem>>, vector<16xf32>,
          tpu.vector_store %arg10[%swap3A_244, %swap3A_245, %swap3A_246], %gather3A_243 {strides = array<i32>} : memref<8x16x128xf32, #tpu.memory_space<vmem>>, vector<16xf32>,
          %while3A_248 = arith.constant 0 : i32
          scf.yield %while3A_248 : i32
        }
        %while3A_191 = arith.constant 1 : i32
        %while3A_192 = scf.for %while3A_213 = %while3A_188 to %while3A_184 step %while3A_191 iter_args(%while3A_214 = %while3A_190) -> (i32)  : i32 {
          %broadcast_in_dim3A_215 = vector.broadcast %while3A_213 : i32 to vector<16x1xi32>
          %gather3A = vector.shape_cast %broadcast_in_dim3A_215 : vector<16x1xi32> to vector<16xi32>
          %gather3A_216 = tpu.dynamic_gather %min3A_178[%gather3A] in [0] : vector<16xi32>, vector<16xi32> -> vector<16xi32>
          %add3A_217 = arith.constant 0 : i32
          %add3A_218 = vector.broadcast %add3A_217 : i32 to vector<16xi32>
          %add3A_219 = arith.addi %add3A_218, %iota3A : vector<16xi32>
          %gather3A_220 = tpu.vector_load_idx %arg9[%broadcast_in_dim3A_67, %add3A_219, %gather3A_216] : memref<2x64x512xf32, #tpu.memory_space<vmem>>[vector<16xi32>, vector<16xi32>, vector<16xi32>], vector<16xf32>,
          %swap3A = arith.index_cast %and3A_180 : i32 to index
          %swap3A_221 = arith.index_cast %while3A_213 : i32 to index
          %swap3A_222 = arith.constant 0 : index
          %swap3A_223 = tpu.vector_load %arg10[%swap3A, %swap3A_221, %swap3A_222] {strides = array<i32>} : memref<8x16x128xf32, #tpu.memory_space<vmem>>, vector<16xf32>,
          tpu.vector_store %arg10[%swap3A, %swap3A_221, %swap3A_222], %gather3A_220 {strides = array<i32>} : memref<8x16x128xf32, #tpu.memory_space<vmem>>, vector<16xf32>,
          %add3A_224 = arith.constant 16 : i32
          %add3A_225 = vector.broadcast %add3A_224 : i32 to vector<16xi32>
          %add3A_226 = arith.addi %add3A_225, %iota3A : vector<16xi32>
          %gather3A_227 = tpu.vector_load_idx %arg9[%broadcast_in_dim3A_67, %add3A_226, %gather3A_216] : memref<2x64x512xf32, #tpu.memory_space<vmem>>[vector<16xi32>, vector<16xi32>, vector<16xi32>], vector<16xf32>,
          %swap3A_228 = arith.index_cast %and3A_180 : i32 to index
          %swap3A_229 = arith.index_cast %while3A_213 : i32 to index
          %swap3A_230 = arith.constant 16 : index
          %swap3A_231 = tpu.vector_load %arg10[%swap3A_228, %swap3A_229, %swap3A_230] {strides = array<i32>} : memref<8x16x128xf32, #tpu.memory_space<vmem>>, vector<16xf32>,
          tpu.vector_store %arg10[%swap3A_228, %swap3A_229, %swap3A_230], %gather3A_227 {strides = array<i32>} : memref<8x16x128xf32, #tpu.memory_space<vmem>>, vector<16xf32>,
          %add3A_232 = arith.constant 32 : i32
          %add3A_233 = vector.broadcast %add3A_232 : i32 to vector<16xi32>
          %add3A_234 = arith.addi %add3A_233, %iota3A : vector<16xi32>
          %gather3A_235 = tpu.vector_load_idx %arg9[%broadcast_in_dim3A_67, %add3A_234, %gather3A_216] : memref<2x64x512xf32, #tpu.memory_space<vmem>>[vector<16xi32>, vector<16xi32>, vector<16xi32>], vector<16xf32>,
          %swap3A_236 = arith.index_cast %and3A_180 : i32 to index
          %swap3A_237 = arith.index_cast %while3A_213 : i32 to index
          %swap3A_238 = arith.constant 32 : index
          %swap3A_239 = tpu.vector_load %arg10[%swap3A_236, %swap3A_237, %swap3A_238] {strides = array<i32>} : memref<8x16x128xf32, #tpu.memory_space<vmem>>, vector<16xf32>,
          tpu.vector_store %arg10[%swap3A_236, %swap3A_237, %swap3A_238], %gather3A_235 {strides = array<i32>} : memref<8x16x128xf32, #tpu.memory_space<vmem>>, vector<16xf32>,
          %add3A_240 = arith.constant 48 : i32
          %add3A_241 = vector.broadcast %add3A_240 : i32 to vector<16xi32>
          %add3A_242 = arith.addi %add3A_241, %iota3A : vector<16xi32>
          %gather3A_243 = tpu.vector_load_idx %arg9[%broadcast_in_dim3A_67, %add3A_242, %gather3A_216] : memref<2x64x512xf32, #tpu.memory_space<vmem>>[vector<16xi32>, vector<16xi32>, vector<16xi32>], vector<16xf32>,
          %swap3A_244 = arith.index_cast %and3A_180 : i32 to index
          %swap3A_245 = arith.index_cast %while3A_213 : i32 to index
          %swap3A_246 = arith.constant 48 : index
          %swap3A_247 = tpu.vector_load %arg10[%swap3A_244, %swap3A_245, %swap3A_246] {strides = array<i32>} : memref<8x16x128xf32, #tpu.memory_space<vmem>>, vector<16xf32>,
          tpu.vector_store %arg10[%swap3A_244, %swap3A_245, %swap3A_246], %gather3A_243 {strides = array<i32>} : memref<8x16x128xf32, #tpu.memory_space<vmem>>, vector<16xf32>,
          %while3A_248 = arith.constant 0 : i32
          scf.yield %while3A_248 : i32
        }
        %lt3A_193 = vector.broadcast %reduce_sum3A_170 : i32 to vector<16xi32>
        %lt3A_194 = arith.cmpi slt, %iota3A, %lt3A_193 : vector<16xi32>
        %add3A_195 = arith.constant 16384 : i32
        %add3A_196 = arith.addi %add3A_195, %add3A : i32
        %broadcast_in_dim3A_197 = vector.broadcast %add3A_196 : i32 to vector<16xi32>
        %select_n3A_198 = arith.select %lt3A_194, %masked_sort3A_165, %broadcast_in_dim3A_197 : vector<16xi1>, vector<16xi32>
        %dma_start3A = arith.constant 0 : i32
        %dma_start3A_199 = arith.constant 0 : i32
        %dma_start3A_200 = tpu.memref_slice %arg10[%and3A_180, %dma_start3A, %dma_start3A_199] : memref<8x16x128xf32, #tpu.memory_space<vmem>> -> memref<1x16x128xf32, #tpu.memory_space<vmem>>
        %dma_start3A_201 = tpu.memref_squeeze %dma_start3A_200 : memref<1x16x128xf32, #tpu.memory_space<vmem>> -> memref<16x128xf32, #tpu.memory_space<vmem>>
        %dma_start3A_202 = arith.constant 0 : i32
        %dma_start3A_203 = arith.constant 0 : i32
        %dma_start3A_204 = tpu.memref_slice %arg4[%dma_start3A_202, %dma_start3A_203] : memref<16416x128xf32, #tpu.memory_space<hbm>> -> memref<16416x128xf32, #tpu.memory_space<hbm>>
        tpu.enqueue_indirect_dma source(%dma_start3A_201 : memref<16x128xf32, #tpu.memory_space<vmem>>) target(%dma_start3A_204 : memref<16416x128xf32, #tpu.memory_space<hbm>>) offsets(%select_n3A_198 : vector<16xi32>) semaphore(%arg13 : memref<!tpu.dma_semaphore, #tpu.memory_space<semaphore_mem>>)
        %and3A_205 = arith.constant 7 : i32
        %and3A_206 = arith.andi %while3A_135, %and3A_205 : i32
        %eq3A = arith.constant 7 : i32
        %eq3A_207 = arith.cmpi eq, %and3A_206, %eq3A : i32
        %convert_element_type3A_208 = arith.extui %eq3A_207 : i1 to i32
        %cond3A_209 = arith.constant 0 : i32
        %cond3A_210 = arith.cmpi ne, %convert_element_type3A_208, %cond3A_209 : i32
        scf.if %cond3A_210 {
          %scan3A_213 = arith.constant 0 : i32
          %scan3A_214 = arith.constant 0 : i32
          %scan3A_215 = arith.constant 8 : i32
          %scan3A_216 = arith.addi %scan3A_214, %scan3A_215 : i32
          %scan3A_217 = arith.constant 1 : i32
          %scan3A_218 = scf.for %scan3A_220 = %scan3A_214 to %scan3A_216 step %scan3A_217 iter_args(%scan3A_221 = %scan3A_213) -> (i32)  : i32 {
            %dma_wait3A = arith.constant 0 : i32
            %dma_wait3A_222 = arith.constant 0 : i32
            %dma_wait3A_223 = arith.constant 0 : i32
            %dma_wait3A_224 = tpu.memref_slice %arg10[%dma_wait3A, %dma_wait3A_222, %dma_wait3A_223] : memref<8x16x128xf32, #tpu.memory_space<vmem>> -> memref<1x16x128xf32, #tpu.memory_space<vmem>>
            %dma_wait3A_225 = tpu.memref_squeeze %dma_wait3A_224 : memref<1x16x128xf32, #tpu.memory_space<vmem>> -> memref<16x128xf32, #tpu.memory_space<vmem>>
            %dma_wait3A_226 = arith.constant 0 : i32
            %dma_wait3A_227 = arith.constant 0 : i32
            %dma_wait3A_228 = tpu.memref_slice %arg4[%dma_wait3A_226, %dma_wait3A_227] : memref<16416x128xf32, #tpu.memory_space<hbm>> -> memref<16x128xf32, #tpu.memory_space<hbm>>
            %dma_wait3A_229 = arith.constant 0 : i32
            %dma_wait3A_230 = arith.constant 0 : i32
            %dma_wait3A_231 = tpu.memref_slice %arg4[%dma_wait3A_229, %dma_wait3A_230] : memref<16416x128xf32, #tpu.memory_space<hbm>> -> memref<16x128xf32, #tpu.memory_space<hbm>>
            %dma_wait3A_232 = arith.constant 0 : i32
            %dma_wait3A_233 = arith.constant 0 : i32
            %dma_wait3A_234 = tpu.memref_slice %arg10[%dma_wait3A, %dma_wait3A_232, %dma_wait3A_233] : memref<8x16x128xf32, #tpu.memory_space<vmem>> -> memref<1x16x128xf32, #tpu.memory_space<vmem>>
            %dma_wait3A_235 = tpu.memref_squeeze %dma_wait3A_234 : memref<1x16x128xf32, #tpu.memory_space<vmem>> -> memref<16x128xf32, #tpu.memory_space<vmem>>
            tpu.wait_dma2 semaphore(%arg13 : memref<!tpu.dma_semaphore, #tpu.memory_space<semaphore_mem>>) src(%dma_wait3A_235 : memref<16x128xf32, #tpu.memory_space<vmem>>) dst(%dma_wait3A_231 : memref<16x128xf32, #tpu.memory_space<hbm>>)
            %scan3A_236 = arith.constant 0 : i32
            scf.yield %scan3A_236 : i32
          }
          %scan3A_219 = arith.constant 8 : i32
        } else {
        }
        %add3A_211 = arith.constant 1 : i32
        %add3A_212 = arith.addi %while3A_135, %add3A_211 : i32
        scf.yield %add3A_212 : i32
      }
      %while3A_82 = arith.constant 1 : i32
      %while3A_83 = scf.for %while3A_134 = %while3A_79 to %while3A_75 step %while3A_82 iter_args(%while3A_135 = %while3A_81) -> (i32)  : i32 {
        %mul3A_136 = arith.constant 12 : i32
        %mul3A_137 = arith.muli %add3A_52, %mul3A_136 : i32
        %add3A_138 = arith.addi %mul3A_137, %while3A_134 : i32
        %mul3A_139 = arith.constant 16 : i32
        %mul3A_140 = arith.muli %add3A_138, %mul3A_139 : i32
        %get3A_141 = arith.index_cast %mul3A_140 : i32 to index
        %get3A_142 = tpu.vector_load %arg7[%get3A_141] {strides = array<i32>} : memref<11904xi32, #tpu.memory_space<vmem>>, vector<16xi32>,
        %mul3A_143 = arith.constant 12 : i32
        %mul3A_144 = arith.muli %add3A_52, %mul3A_143 : i32
        %add3A_145 = arith.addi %mul3A_144, %while3A_134 : i32
        %mul3A_146 = arith.constant 16 : i32
        %mul3A_147 = arith.muli %add3A_145, %mul3A_146 : i32
        %get3A_148 = arith.index_cast %mul3A_147 : i32 to index
        %get3A_149 = tpu.vector_load %arg8[%get3A_148] {strides = array<i32>} : memref<11904xi32, #tpu.memory_space<vmem>>, vector<16xi32>,
        %gt3A_150 = vector.broadcast %while3A_134 : i32 to vector<16xi32>
        %gt3A_151 = arith.cmpi sgt, %get3A_58, %gt3A_150 : vector<16xi32>
        %select_n3A = arith.select %gt3A_151, %broadcast_in_dim3A_5, %broadcast_in_dim3A_7 : vector<16xi1>, vector<16xi32>
        %masked_sort3A = arith.constant dense<true> : vector<16xi1>
        %masked_sort3A_152 = arith.constant -2147483648 : i32
        %masked_sort3A_153 = vector.broadcast %masked_sort3A_152 : i32 to vector<16xi32>
        %masked_sort3A_154 = arith.xori %select_n3A, %masked_sort3A_153 : vector<16xi32>
        %masked_sort3A_155, %masked_sort3A_156, %masked_sort3A_157 = tpu.sort %masked_sort3A_154, %get3A_142 masked %masked_sort3A : (vector<16xi32>, vector<16xi32>, vector<16xi1>) -> (vector<16xi1>, vector<16xi32>, vector<16xi32>)
        %masked_sort3A_158 = arith.xori %masked_sort3A_156, %masked_sort3A_153 : vector<16xi32>
        %masked_sort3A_159 = arith.constant dense<true> : vector<16xi1>
        %masked_sort3A_160 = arith.constant -2147483648 : i32
        %masked_sort3A_161 = vector.broadcast %masked_sort3A_160 : i32 to vector<16xi32>
        %masked_sort3A_162 = arith.xori %select_n3A, %masked_sort3A_161 : vector<16xi32>
        %masked_sort3A_163, %masked_sort3A_164, %masked_sort3A_165 = tpu.sort %masked_sort3A_162, %get3A_149 masked %masked_sort3A_159 : (vector<16xi32>, vector<16xi32>, vector<16xi1>) -> (vector<16xi1>, vector<16xi32>, vector<16xi32>)
        %masked_sort3A_166 = arith.xori %masked_sort3A_164, %masked_sort3A_161 : vector<16xi32>
        %select_n3A_167 = arith.select %gt3A_151, %broadcast_in_dim3A_7, %broadcast_in_dim3A_5 : vector<16xi1>, vector<16xi32>
        %reduce_sum3A = arith.constant true
        %reduce_sum3A_168 = vector.broadcast %reduce_sum3A : i1 to vector<16xi1>
        %reduce_sum3A_169 = tpu.scan <sum>, %select_n3A_167 masked %reduce_sum3A_168 : vector<16xi32>, vector<16xi1> -> vector<16xi32>
        %reduce_sum3A_170 = vector.extract %reduce_sum3A_169[15] : i32 from vector<16xi32>
        %sub3A_171 = vector.broadcast %min3A_72 : i32 to vector<16xi32>
        %sub3A_172 = arith.subi %masked_sort3A_157, %sub3A_171 : vector<16xi32>
        %jit3A_173 = arith.constant 0 : i32
        %jit3A_174 = arith.constant 511 : i32
        %max3A_175 = vector.broadcast %jit3A_173 : i32 to vector<16xi32>
        %max3A_176 = arith.maxsi %max3A_175, %sub3A_172 : vector<16xi32>
        %min3A_177 = vector.broadcast %jit3A_174 : i32 to vector<16xi32>
        %min3A_178 = arith.minsi %min3A_177, %max3A_176 : vector<16xi32>
        %and3A_179 = arith.constant 7 : i32
        %and3A_180 = arith.andi %while3A_135, %and3A_179 : i32
        %while3A_181 = arith.constant 0 : i32
        %while3A_182 = arith.constant 0 : i32
        %while3A_183 = arith.subi %reduce_sum3A_170, %while3A_181 : i32
        %while3A_184 = arith.addi %while3A_181, %while3A_183 : i32
        %while3A_185 = arith.constant 1 : i32
        %while3A_186 = arith.divsi %while3A_183, %while3A_185 : i32
        %while3A_187 = arith.muli %while3A_186, %while3A_185 : i32
        %while3A_188 = arith.addi %while3A_181, %while3A_187 : i32
        %while3A_189 = arith.constant 1 : i32
        %while3A_190 = scf.for %while3A_213 = %while3A_181 to %while3A_188 step %while3A_189 iter_args(%while3A_214 = %while3A_182) -> (i32)  : i32 {
          %broadcast_in_dim3A_215 = vector.broadcast %while3A_213 : i32 to vector<16x1xi32>
          %gather3A = vector.shape_cast %broadcast_in_dim3A_215 : vector<16x1xi32> to vector<16xi32>
          %gather3A_216 = tpu.dynamic_gather %min3A_178[%gather3A] in [0] : vector<16xi32>, vector<16xi32> -> vector<16xi32>
          %add3A_217 = arith.constant 0 : i32
          %add3A_218 = vector.broadcast %add3A_217 : i32 to vector<16xi32>
          %add3A_219 = arith.addi %add3A_218, %iota3A : vector<16xi32>
          %gather3A_220 = tpu.vector_load_idx %arg9[%broadcast_in_dim3A_67, %add3A_219, %gather3A_216] : memref<2x64x512xf32, #tpu.memory_space<vmem>>[vector<16xi32>, vector<16xi32>, vector<16xi32>], vector<16xf32>,
          %swap3A = arith.index_cast %and3A_180 : i32 to index
          %swap3A_221 = arith.index_cast %while3A_213 : i32 to index
          %swap3A_222 = arith.constant 0 : index
          %swap3A_223 = tpu.vector_load %arg10[%swap3A, %swap3A_221, %swap3A_222] {strides = array<i32>} : memref<8x16x128xf32, #tpu.memory_space<vmem>>, vector<16xf32>,
          tpu.vector_store %arg10[%swap3A, %swap3A_221, %swap3A_222], %gather3A_220 {strides = array<i32>} : memref<8x16x128xf32, #tpu.memory_space<vmem>>, vector<16xf32>,
          %add3A_224 = arith.constant 16 : i32
          %add3A_225 = vector.broadcast %add3A_224 : i32 to vector<16xi32>
          %add3A_226 = arith.addi %add3A_225, %iota3A : vector<16xi32>
          %gather3A_227 = tpu.vector_load_idx %arg9[%broadcast_in_dim3A_67, %add3A_226, %gather3A_216] : memref<2x64x512xf32, #tpu.memory_space<vmem>>[vector<16xi32>, vector<16xi32>, vector<16xi32>], vector<16xf32>,
          %swap3A_228 = arith.index_cast %and3A_180 : i32 to index
          %swap3A_229 = arith.index_cast %while3A_213 : i32 to index
          %swap3A_230 = arith.constant 16 : index
          %swap3A_231 = tpu.vector_load %arg10[%swap3A_228, %swap3A_229, %swap3A_230] {strides = array<i32>} : memref<8x16x128xf32, #tpu.memory_space<vmem>>, vector<16xf32>,
          tpu.vector_store %arg10[%swap3A_228, %swap3A_229, %swap3A_230], %gather3A_227 {strides = array<i32>} : memref<8x16x128xf32, #tpu.memory_space<vmem>>, vector<16xf32>,
          %add3A_232 = arith.constant 32 : i32
          %add3A_233 = vector.broadcast %add3A_232 : i32 to vector<16xi32>
          %add3A_234 = arith.addi %add3A_233, %iota3A : vector<16xi32>
          %gather3A_235 = tpu.vector_load_idx %arg9[%broadcast_in_dim3A_67, %add3A_234, %gather3A_216] : memref<2x64x512xf32, #tpu.memory_space<vmem>>[vector<16xi32>, vector<16xi32>, vector<16xi32>], vector<16xf32>,
          %swap3A_236 = arith.index_cast %and3A_180 : i32 to index
          %swap3A_237 = arith.index_cast %while3A_213 : i32 to index
          %swap3A_238 = arith.constant 32 : index
          %swap3A_239 = tpu.vector_load %arg10[%swap3A_236, %swap3A_237, %swap3A_238] {strides = array<i32>} : memref<8x16x128xf32, #tpu.memory_space<vmem>>, vector<16xf32>,
          tpu.vector_store %arg10[%swap3A_236, %swap3A_237, %swap3A_238], %gather3A_235 {strides = array<i32>} : memref<8x16x128xf32, #tpu.memory_space<vmem>>, vector<16xf32>,
          %add3A_240 = arith.constant 48 : i32
          %add3A_241 = vector.broadcast %add3A_240 : i32 to vector<16xi32>
          %add3A_242 = arith.addi %add3A_241, %iota3A : vector<16xi32>
          %gather3A_243 = tpu.vector_load_idx %arg9[%broadcast_in_dim3A_67, %add3A_242, %gather3A_216] : memref<2x64x512xf32, #tpu.memory_space<vmem>>[vector<16xi32>, vector<16xi32>, vector<16xi32>], vector<16xf32>,
          %swap3A_244 = arith.index_cast %and3A_180 : i32 to index
          %swap3A_245 = arith.index_cast %while3A_213 : i32 to index
          %swap3A_246 = arith.constant 48 : index
          %swap3A_247 = tpu.vector_load %arg10[%swap3A_244, %swap3A_245, %swap3A_246] {strides = array<i32>} : memref<8x16x128xf32, #tpu.memory_space<vmem>>, vector<16xf32>,
          tpu.vector_store %arg10[%swap3A_244, %swap3A_245, %swap3A_246], %gather3A_243 {strides = array<i32>} : memref<8x16x128xf32, #tpu.memory_space<vmem>>, vector<16xf32>,
          %while3A_248 = arith.constant 0 : i32
          scf.yield %while3A_248 : i32
        }
        %while3A_191 = arith.constant 1 : i32
        %while3A_192 = scf.for %while3A_213 = %while3A_188 to %while3A_184 step %while3A_191 iter_args(%while3A_214 = %while3A_190) -> (i32)  : i32 {
          %broadcast_in_dim3A_215 = vector.broadcast %while3A_213 : i32 to vector<16x1xi32>
          %gather3A = vector.shape_cast %broadcast_in_dim3A_215 : vector<16x1xi32> to vector<16xi32>
          %gather3A_216 = tpu.dynamic_gather %min3A_178[%gather3A] in [0] : vector<16xi32>, vector<16xi32> -> vector<16xi32>
          %add3A_217 = arith.constant 0 : i32
          %add3A_218 = vector.broadcast %add3A_217 : i32 to vector<16xi32>
          %add3A_219 = arith.addi %add3A_218, %iota3A : vector<16xi32>
          %gather3A_220 = tpu.vector_load_idx %arg9[%broadcast_in_dim3A_67, %add3A_219, %gather3A_216] : memref<2x64x512xf32, #tpu.memory_space<vmem>>[vector<16xi32>, vector<16xi32>, vector<16xi32>], vector<16xf32>,
          %swap3A = arith.index_cast %and3A_180 : i32 to index
          %swap3A_221 = arith.index_cast %while3A_213 : i32 to index
          %swap3A_222 = arith.constant 0 : index
          %swap3A_223 = tpu.vector_load %arg10[%swap3A, %swap3A_221, %swap3A_222] {strides = array<i32>} : memref<8x16x128xf32, #tpu.memory_space<vmem>>, vector<16xf32>,
          tpu.vector_store %arg10[%swap3A, %swap3A_221, %swap3A_222], %gather3A_220 {strides = array<i32>} : memref<8x16x128xf32, #tpu.memory_space<vmem>>, vector<16xf32>,
          %add3A_224 = arith.constant 16 : i32
          %add3A_225 = vector.broadcast %add3A_224 : i32 to vector<16xi32>
          %add3A_226 = arith.addi %add3A_225, %iota3A : vector<16xi32>
          %gather3A_227 = tpu.vector_load_idx %arg9[%broadcast_in_dim3A_67, %add3A_226, %gather3A_216] : memref<2x64x512xf32, #tpu.memory_space<vmem>>[vector<16xi32>, vector<16xi32>, vector<16xi32>], vector<16xf32>,
          %swap3A_228 = arith.index_cast %and3A_180 : i32 to index
          %swap3A_229 = arith.index_cast %while3A_213 : i32 to index
          %swap3A_230 = arith.constant 16 : index
          %swap3A_231 = tpu.vector_load %arg10[%swap3A_228, %swap3A_229, %swap3A_230] {strides = array<i32>} : memref<8x16x128xf32, #tpu.memory_space<vmem>>, vector<16xf32>,
          tpu.vector_store %arg10[%swap3A_228, %swap3A_229, %swap3A_230], %gather3A_227 {strides = array<i32>} : memref<8x16x128xf32, #tpu.memory_space<vmem>>, vector<16xf32>,
          %add3A_232 = arith.constant 32 : i32
          %add3A_233 = vector.broadcast %add3A_232 : i32 to vector<16xi32>
          %add3A_234 = arith.addi %add3A_233, %iota3A : vector<16xi32>
          %gather3A_235 = tpu.vector_load_idx %arg9[%broadcast_in_dim3A_67, %add3A_234, %gather3A_216] : memref<2x64x512xf32, #tpu.memory_space<vmem>>[vector<16xi32>, vector<16xi32>, vector<16xi32>], vector<16xf32>,
          %swap3A_236 = arith.index_cast %and3A_180 : i32 to index
          %swap3A_237 = arith.index_cast %while3A_213 : i32 to index
          %swap3A_238 = arith.constant 32 : index
          %swap3A_239 = tpu.vector_load %arg10[%swap3A_236, %swap3A_237, %swap3A_238] {strides = array<i32>} : memref<8x16x128xf32, #tpu.memory_space<vmem>>, vector<16xf32>,
          tpu.vector_store %arg10[%swap3A_236, %swap3A_237, %swap3A_238], %gather3A_235 {strides = array<i32>} : memref<8x16x128xf32, #tpu.memory_space<vmem>>, vector<16xf32>,
          %add3A_240 = arith.constant 48 : i32
          %add3A_241 = vector.broadcast %add3A_240 : i32 to vector<16xi32>
          %add3A_242 = arith.addi %add3A_241, %iota3A : vector<16xi32>
          %gather3A_243 = tpu.vector_load_idx %arg9[%broadcast_in_dim3A_67, %add3A_242, %gather3A_216] : memref<2x64x512xf32, #tpu.memory_space<vmem>>[vector<16xi32>, vector<16xi32>, vector<16xi32>], vector<16xf32>,
          %swap3A_244 = arith.index_cast %and3A_180 : i32 to index
          %swap3A_245 = arith.index_cast %while3A_213 : i32 to index
          %swap3A_246 = arith.constant 48 : index
          %swap3A_247 = tpu.vector_load %arg10[%swap3A_244, %swap3A_245, %swap3A_246] {strides = array<i32>} : memref<8x16x128xf32, #tpu.memory_space<vmem>>, vector<16xf32>,
          tpu.vector_store %arg10[%swap3A_244, %swap3A_245, %swap3A_246], %gather3A_243 {strides = array<i32>} : memref<8x16x128xf32, #tpu.memory_space<vmem>>, vector<16xf32>,
          %while3A_248 = arith.constant 0 : i32
          scf.yield %while3A_248 : i32
        }
        %lt3A_193 = vector.broadcast %reduce_sum3A_170 : i32 to vector<16xi32>
        %lt3A_194 = arith.cmpi slt, %iota3A, %lt3A_193 : vector<16xi32>
        %add3A_195 = arith.constant 16384 : i32
        %add3A_196 = arith.addi %add3A_195, %add3A : i32
        %broadcast_in_dim3A_197 = vector.broadcast %add3A_196 : i32 to vector<16xi32>
        %select_n3A_198 = arith.select %lt3A_194, %masked_sort3A_165, %broadcast_in_dim3A_197 : vector<16xi1>, vector<16xi32>
        %dma_start3A = arith.constant 0 : i32
        %dma_start3A_199 = arith.constant 0 : i32
        %dma_start3A_200 = tpu.memref_slice %arg10[%and3A_180, %dma_start3A, %dma_start3A_199] : memref<8x16x128xf32, #tpu.memory_space<vmem>> -> memref<1x16x128xf32, #tpu.memory_space<vmem>>
        %dma_start3A_201 = tpu.memref_squeeze %dma_start3A_200 : memref<1x16x128xf32, #tpu.memory_space<vmem>> -> memref<16x128xf32, #tpu.memory_space<vmem>>
        %dma_start3A_202 = arith.constant 0 : i32
        %dma_start3A_203 = arith.constant 0 : i32
        %dma_start3A_204 = tpu.memref_slice %arg4[%dma_start3A_202, %dma_start3A_203] : memref<16416x128xf32, #tpu.memory_space<hbm>> -> memref<16416x128xf32, #tpu.memory_space<hbm>>
        tpu.enqueue_indirect_dma source(%dma_start3A_201 : memref<16x128xf32, #tpu.memory_space<vmem>>) target(%dma_start3A_204 : memref<16416x128xf32, #tpu.memory_space<hbm>>) offsets(%select_n3A_198 : vector<16xi32>) semaphore(%arg13 : memref<!tpu.dma_semaphore, #tpu.memory_space<semaphore_mem>>)
        %and3A_205 = arith.constant 7 : i32
        %and3A_206 = arith.andi %while3A_135, %and3A_205 : i32
        %eq3A = arith.constant 7 : i32
        %eq3A_207 = arith.cmpi eq, %and3A_206, %eq3A : i32
        %convert_element_type3A_208 = arith.extui %eq3A_207 : i1 to i32
        %cond3A_209 = arith.constant 0 : i32
        %cond3A_210 = arith.cmpi ne, %convert_element_type3A_208, %cond3A_209 : i32
        scf.if %cond3A_210 {
          %scan3A_213 = arith.constant 0 : i32
          %scan3A_214 = arith.constant 0 : i32
          %scan3A_215 = arith.constant 8 : i32
          %scan3A_216 = arith.addi %scan3A_214, %scan3A_215 : i32
          %scan3A_217 = arith.constant 1 : i32
          %scan3A_218 = scf.for %scan3A_220 = %scan3A_214 to %scan3A_216 step %scan3A_217 iter_args(%scan3A_221 = %scan3A_213) -> (i32)  : i32 {
            %dma_wait3A = arith.constant 0 : i32
            %dma_wait3A_222 = arith.constant 0 : i32
            %dma_wait3A_223 = arith.constant 0 : i32
            %dma_wait3A_224 = tpu.memref_slice %arg10[%dma_wait3A, %dma_wait3A_222, %dma_wait3A_223] : memref<8x16x128xf32, #tpu.memory_space<vmem>> -> memref<1x16x128xf32, #tpu.memory_space<vmem>>
            %dma_wait3A_225 = tpu.memref_squeeze %dma_wait3A_224 : memref<1x16x128xf32, #tpu.memory_space<vmem>> -> memref<16x128xf32, #tpu.memory_space<vmem>>
            %dma_wait3A_226 = arith.constant 0 : i32
            %dma_wait3A_227 = arith.constant 0 : i32
            %dma_wait3A_228 = tpu.memref_slice %arg4[%dma_wait3A_226, %dma_wait3A_227] : memref<16416x128xf32, #tpu.memory_space<hbm>> -> memref<16x128xf32, #tpu.memory_space<hbm>>
            %dma_wait3A_229 = arith.constant 0 : i32
            %dma_wait3A_230 = arith.constant 0 : i32
            %dma_wait3A_231 = tpu.memref_slice %arg4[%dma_wait3A_229, %dma_wait3A_230] : memref<16416x128xf32, #tpu.memory_space<hbm>> -> memref<16x128xf32, #tpu.memory_space<hbm>>
            %dma_wait3A_232 = arith.constant 0 : i32
            %dma_wait3A_233 = arith.constant 0 : i32
            %dma_wait3A_234 = tpu.memref_slice %arg10[%dma_wait3A, %dma_wait3A_232, %dma_wait3A_233] : memref<8x16x128xf32, #tpu.memory_space<vmem>> -> memref<1x16x128xf32, #tpu.memory_space<vmem>>
            %dma_wait3A_235 = tpu.memref_squeeze %dma_wait3A_234 : memref<1x16x128xf32, #tpu.memory_space<vmem>> -> memref<16x128xf32, #tpu.memory_space<vmem>>
            tpu.wait_dma2 semaphore(%arg13 : memref<!tpu.dma_semaphore, #tpu.memory_space<semaphore_mem>>) src(%dma_wait3A_235 : memref<16x128xf32, #tpu.memory_space<vmem>>) dst(%dma_wait3A_231 : memref<16x128xf32, #tpu.memory_space<hbm>>)
            %scan3A_236 = arith.constant 0 : i32
            scf.yield %scan3A_236 : i32
          }
          %scan3A_219 = arith.constant 8 : i32
        } else {
        }
        %add3A_211 = arith.constant 1 : i32
        %add3A_212 = arith.addi %while3A_135, %add3A_211 : i32
        scf.yield %add3A_212 : i32
      }
      %add3A_84 = arith.constant 2 : i32
      %add3A_85 = arith.addi %add3A_52, %add3A_84 : i32
      %lt3A_86 = arith.cmpi slt, %add3A_85, %min3A : i32
      %convert_element_type3A_87 = arith.extui %lt3A_86 : i1 to i32
      %cond3A_88 = arith.constant 0 : i32
      %cond3A_89 = arith.cmpi ne, %convert_element_type3A_87, %cond3A_88 : i32
      scf.if %cond3A_89 {
        %add3A_134 = arith.constant 2 : i32
        %add3A_135 = arith.addi %add3A_52, %add3A_134 : i32
        %add3A_136 = arith.addi %mul3A_2, %add3A_135 : i32
        %mul3A_137 = arith.constant 512 : i32
        %mul3A_138 = arith.muli %add3A_136, %mul3A_137 : i32
        %min3A_139 = arith.constant 999552 : i32
        %min3A_140 = arith.minsi %mul3A_138, %min3A_139 : i32
        %dma_start3A = arith.constant 0 : i32
        %dma_start3A_141 = arith.constant 0 : i32
        %dma_start3A_142 = arith.constant 0 : i32
        %dma_start3A_143 = tpu.memref_slice %arg9[%dma_start3A, %dma_start3A_141, %dma_start3A_142] : memref<2x64x512xf32, #tpu.memory_space<vmem>> -> memref<1x64x512xf32, #tpu.memory_space<vmem>>
        %dma_start3A_144 = tpu.memref_squeeze %dma_start3A_143 : memref<1x64x512xf32, #tpu.memory_space<vmem>> -> memref<64x512xf32, #tpu.memory_space<vmem>>
        %dma_start3A_145 = arith.constant 0 : i32
        %dma_start3A_146 = tpu.memref_slice %arg3[%dma_start3A_145, %min3A_140] : memref<64x1000000xf32, #tpu.memory_space<hbm>> -> memref<64x512xf32, #tpu.memory_space<hbm>>
        %dma_start3A_147 = arith.constant 0 : i32
        %dma_start3A_148 = arith.constant 0 : i32
        %dma_start3A_149 = tpu.memref_slice %arg9[%dma_start3A, %dma_start3A_147, %dma_start3A_148] : memref<2x64x512xf32, #tpu.memory_space<vmem>> -> memref<1x64x512xf32, #tpu.memory_space<vmem>>
        %dma_start3A_150 = tpu.memref_squeeze %dma_start3A_149 : memref<1x64x512xf32, #tpu.memory_space<vmem>> -> memref<64x512xf32, #tpu.memory_space<vmem>>
        %dma_start3A_151 = arith.constant 0 : i32
        %dma_start3A_152 = tpu.memref_slice %arg3[%dma_start3A_151, %min3A_140] : memref<64x1000000xf32, #tpu.memory_space<hbm>> -> memref<64x512xf32, #tpu.memory_space<hbm>>
        tpu.enqueue_dma source(%dma_start3A_152 : memref<64x512xf32, #tpu.memory_space<hbm>>) target(%dma_start3A_150 : memref<64x512xf32, #tpu.memory_space<vmem>>) target_semaphore(%arg11 : memref<!tpu.dma_semaphore, #tpu.memory_space<semaphore_mem>>)
      } else {
      }
      %mul3A_90 = arith.constant 2 : i32
      %mul3A_91 = arith.muli %scan3A_47, %mul3A_90 : i32
      %add3A_92 = arith.constant 1 : i32
      %add3A_93 = arith.addi %mul3A_91, %add3A_92 : i32
      %lt3A_94 = arith.cmpi slt, %add3A_93, %min3A : i32
      %convert_element_type3A_95 = arith.extui %lt3A_94 : i1 to i32
      %cond3A_96 = arith.constant 0 : i32
      %cond3A_97 = arith.cmpi ne, %convert_element_type3A_95, %cond3A_96 : i32
      scf.if %cond3A_97 {
        %dma_wait3A = arith.constant 1 : i32
        %dma_wait3A_134 = arith.constant 0 : i32
        %dma_wait3A_135 = arith.constant 0 : i32
        %dma_wait3A_136 = tpu.memref_slice %arg9[%dma_wait3A, %dma_wait3A_134, %dma_wait3A_135] : memref<2x64x512xf32, #tpu.memory_space<vmem>> -> memref<1x64x512xf32, #tpu.memory_space<vmem>>
        %dma_wait3A_137 = tpu.memref_squeeze %dma_wait3A_136 : memref<1x64x512xf32, #tpu.memory_space<vmem>> -> memref<64x512xf32, #tpu.memory_space<vmem>>
        %dma_wait3A_138 = arith.constant 0 : i32
        %dma_wait3A_139 = arith.constant 0 : i32
        %dma_wait3A_140 = tpu.memref_slice %arg3[%dma_wait3A_138, %dma_wait3A_139] : memref<64x1000000xf32, #tpu.memory_space<hbm>> -> memref<64x512xf32, #tpu.memory_space<hbm>>
        %dma_wait3A_141 = arith.constant 0 : i32
        %dma_wait3A_142 = arith.constant 0 : i32
        %dma_wait3A_143 = tpu.memref_slice %arg9[%dma_wait3A, %dma_wait3A_141, %dma_wait3A_142] : memref<2x64x512xf32, #tpu.memory_space<vmem>> -> memref<1x64x512xf32, #tpu.memory_space<vmem>>
        %dma_wait3A_144 = tpu.memref_squeeze %dma_wait3A_143 : memref<1x64x512xf32, #tpu.memory_space<vmem>> -> memref<64x512xf32, #tpu.memory_space<vmem>>
        %dma_wait3A_145 = arith.constant 0 : i32
        %dma_wait3A_146 = arith.constant 0 : i32
        %dma_wait3A_147 = tpu.memref_slice %arg3[%dma_wait3A_145, %dma_wait3A_146] : memref<64x1000000xf32, #tpu.memory_space<hbm>> -> memref<64x512xf32, #tpu.memory_space<hbm>>
        tpu.wait_dma2 semaphore(%arg12 : memref<!tpu.dma_semaphore, #tpu.memory_space<semaphore_mem>>) src(%dma_wait3A_147 : memref<64x512xf32, #tpu.memory_space<hbm>>) dst(%dma_wait3A_144 : memref<64x512xf32, #tpu.memory_space<vmem>>)
      } else {
      }
      %mul3A_98 = arith.constant 16 : i32
      %mul3A_99 = arith.muli %add3A_93, %mul3A_98 : i32
      %get3A_100 = arith.index_cast %mul3A_99 : i32 to index
      %get3A_101 = tpu.vector_load %arg6[%get3A_100] {strides = array<i32>} : memref<1008xi32, #tpu.memory_space<vmem>>, vector<16xi32>,
      %reduce_max3A_102 = arith.constant true
      %reduce_max3A_103 = vector.broadcast %reduce_max3A_102 : i1 to vector<16xi1>
      %reduce_max3A_104 = arith.constant -2147483648 : i32
      %reduce_max3A_105 = vector.broadcast %reduce_max3A_104 : i32 to vector<16xi32>
      %reduce_max3A_106 = arith.xori %get3A_101, %reduce_max3A_105 : vector<16xi32>
      %reduce_max3A_107 = tpu.scan <max>, %reduce_max3A_106 masked %reduce_max3A_103 : vector<16xi32>, vector<16xi1> -> vector<16xi32>
      %reduce_max3A_108 = arith.xori %reduce_max3A_107, %reduce_max3A_105 : vector<16xi32>
      %reduce_max3A_109 = vector.extract %reduce_max3A_108[15] : i32 from vector<16xi32>
      %broadcast_in_dim3A_110 = arith.constant 1 : i32
      %broadcast_in_dim3A_111 = vector.broadcast %broadcast_in_dim3A_110 : i32 to vector<16xi32>
      %add3A_112 = arith.addi %mul3A_2, %add3A_93 : i32
      %mul3A_113 = arith.constant 512 : i32
      %mul3A_114 = arith.muli %add3A_112, %mul3A_113 : i32
      %min3A_115 = arith.constant 999552 : i32
      %min3A_116 = arith.minsi %mul3A_114, %min3A_115 : i32
      %while3A_117 = arith.constant 0 : i32
      %while3A_118 = arith.subi %reduce_max3A_109, %while3A_117 : i32
      %while3A_119 = arith.addi %while3A_117, %while3A_118 : i32
      %while3A_120 = arith.constant 1 : i32
      %while3A_121 = arith.divsi %while3A_118, %while3A_120 : i32
      %while3A_122 = arith.muli %while3A_121, %while3A_120 : i32
      %while3A_123 = arith.addi %while3A_117, %while3A_122 : i32
      %while3A_124 = arith.constant 1 : i32
      %while3A_125 = scf.for %while3A_134 = %while3A_117 to %while3A_123 step %while3A_124 iter_args(%while3A_135 = %while3A_83) -> (i32)  : i32 {
        %mul3A_136 = arith.constant 12 : i32
        %mul3A_137 = arith.muli %add3A_93, %mul3A_136 : i32
        %add3A_138 = arith.addi %mul3A_137, %while3A_134 : i32
        %mul3A_139 = arith.constant 16 : i32
        %mul3A_140 = arith.muli %add3A_138, %mul3A_139 : i32
        %get3A_141 = arith.index_cast %mul3A_140 : i32 to index
        %get3A_142 = tpu.vector_load %arg7[%get3A_141] {strides = array<i32>} : memref<11904xi32, #tpu.memory_space<vmem>>, vector<16xi32>,
        %mul3A_143 = arith.constant 12 : i32
        %mul3A_144 = arith.muli %add3A_93, %mul3A_143 : i32
        %add3A_145 = arith.addi %mul3A_144, %while3A_134 : i32
        %mul3A_146 = arith.constant 16 : i32
        %mul3A_147 = arith.muli %add3A_145, %mul3A_146 : i32
        %get3A_148 = arith.index_cast %mul3A_147 : i32 to index
        %get3A_149 = tpu.vector_load %arg8[%get3A_148] {strides = array<i32>} : memref<11904xi32, #tpu.memory_space<vmem>>, vector<16xi32>,
        %gt3A_150 = vector.broadcast %while3A_134 : i32 to vector<16xi32>
        %gt3A_151 = arith.cmpi sgt, %get3A_101, %gt3A_150 : vector<16xi32>
        %select_n3A = arith.select %gt3A_151, %broadcast_in_dim3A_5, %broadcast_in_dim3A_7 : vector<16xi1>, vector<16xi32>
        %masked_sort3A = arith.constant dense<true> : vector<16xi1>
        %masked_sort3A_152 = arith.constant -2147483648 : i32
        %masked_sort3A_153 = vector.broadcast %masked_sort3A_152 : i32 to vector<16xi32>
        %masked_sort3A_154 = arith.xori %select_n3A, %masked_sort3A_153 : vector<16xi32>
        %masked_sort3A_155, %masked_sort3A_156, %masked_sort3A_157 = tpu.sort %masked_sort3A_154, %get3A_142 masked %masked_sort3A : (vector<16xi32>, vector<16xi32>, vector<16xi1>) -> (vector<16xi1>, vector<16xi32>, vector<16xi32>)
        %masked_sort3A_158 = arith.xori %masked_sort3A_156, %masked_sort3A_153 : vector<16xi32>
        %masked_sort3A_159 = arith.constant dense<true> : vector<16xi1>
        %masked_sort3A_160 = arith.constant -2147483648 : i32
        %masked_sort3A_161 = vector.broadcast %masked_sort3A_160 : i32 to vector<16xi32>
        %masked_sort3A_162 = arith.xori %select_n3A, %masked_sort3A_161 : vector<16xi32>
        %masked_sort3A_163, %masked_sort3A_164, %masked_sort3A_165 = tpu.sort %masked_sort3A_162, %get3A_149 masked %masked_sort3A_159 : (vector<16xi32>, vector<16xi32>, vector<16xi1>) -> (vector<16xi1>, vector<16xi32>, vector<16xi32>)
        %masked_sort3A_166 = arith.xori %masked_sort3A_164, %masked_sort3A_161 : vector<16xi32>
        %select_n3A_167 = arith.select %gt3A_151, %broadcast_in_dim3A_7, %broadcast_in_dim3A_5 : vector<16xi1>, vector<16xi32>
        %reduce_sum3A = arith.constant true
        %reduce_sum3A_168 = vector.broadcast %reduce_sum3A : i1 to vector<16xi1>
        %reduce_sum3A_169 = tpu.scan <sum>, %select_n3A_167 masked %reduce_sum3A_168 : vector<16xi32>, vector<16xi1> -> vector<16xi32>
        %reduce_sum3A_170 = vector.extract %reduce_sum3A_169[15] : i32 from vector<16xi32>
        %sub3A_171 = vector.broadcast %min3A_116 : i32 to vector<16xi32>
        %sub3A_172 = arith.subi %masked_sort3A_157, %sub3A_171 : vector<16xi32>
        %jit3A_173 = arith.constant 0 : i32
        %jit3A_174 = arith.constant 511 : i32
        %max3A_175 = vector.broadcast %jit3A_173 : i32 to vector<16xi32>
        %max3A_176 = arith.maxsi %max3A_175, %sub3A_172 : vector<16xi32>
        %min3A_177 = vector.broadcast %jit3A_174 : i32 to vector<16xi32>
        %min3A_178 = arith.minsi %min3A_177, %max3A_176 : vector<16xi32>
        %and3A_179 = arith.constant 7 : i32
        %and3A_180 = arith.andi %while3A_135, %and3A_179 : i32
        %while3A_181 = arith.constant 0 : i32
        %while3A_182 = arith.constant 0 : i32
        %while3A_183 = arith.subi %reduce_sum3A_170, %while3A_181 : i32
        %while3A_184 = arith.addi %while3A_181, %while3A_183 : i32
        %while3A_185 = arith.constant 1 : i32
        %while3A_186 = arith.divsi %while3A_183, %while3A_185 : i32
        %while3A_187 = arith.muli %while3A_186, %while3A_185 : i32
        %while3A_188 = arith.addi %while3A_181, %while3A_187 : i32
        %while3A_189 = arith.constant 1 : i32
        %while3A_190 = scf.for %while3A_213 = %while3A_181 to %while3A_188 step %while3A_189 iter_args(%while3A_214 = %while3A_182) -> (i32)  : i32 {
          %broadcast_in_dim3A_215 = vector.broadcast %while3A_213 : i32 to vector<16x1xi32>
          %gather3A = vector.shape_cast %broadcast_in_dim3A_215 : vector<16x1xi32> to vector<16xi32>
          %gather3A_216 = tpu.dynamic_gather %min3A_178[%gather3A] in [0] : vector<16xi32>, vector<16xi32> -> vector<16xi32>
          %add3A_217 = arith.constant 0 : i32
          %add3A_218 = vector.broadcast %add3A_217 : i32 to vector<16xi32>
          %add3A_219 = arith.addi %add3A_218, %iota3A : vector<16xi32>
          %gather3A_220 = tpu.vector_load_idx %arg9[%broadcast_in_dim3A_111, %add3A_219, %gather3A_216] : memref<2x64x512xf32, #tpu.memory_space<vmem>>[vector<16xi32>, vector<16xi32>, vector<16xi32>], vector<16xf32>,
          %swap3A = arith.index_cast %and3A_180 : i32 to index
          %swap3A_221 = arith.index_cast %while3A_213 : i32 to index
          %swap3A_222 = arith.constant 0 : index
          %swap3A_223 = tpu.vector_load %arg10[%swap3A, %swap3A_221, %swap3A_222] {strides = array<i32>} : memref<8x16x128xf32, #tpu.memory_space<vmem>>, vector<16xf32>,
          tpu.vector_store %arg10[%swap3A, %swap3A_221, %swap3A_222], %gather3A_220 {strides = array<i32>} : memref<8x16x128xf32, #tpu.memory_space<vmem>>, vector<16xf32>,
          %add3A_224 = arith.constant 16 : i32
          %add3A_225 = vector.broadcast %add3A_224 : i32 to vector<16xi32>
          %add3A_226 = arith.addi %add3A_225, %iota3A : vector<16xi32>
          %gather3A_227 = tpu.vector_load_idx %arg9[%broadcast_in_dim3A_111, %add3A_226, %gather3A_216] : memref<2x64x512xf32, #tpu.memory_space<vmem>>[vector<16xi32>, vector<16xi32>, vector<16xi32>], vector<16xf32>,
          %swap3A_228 = arith.index_cast %and3A_180 : i32 to index
          %swap3A_229 = arith.index_cast %while3A_213 : i32 to index
          %swap3A_230 = arith.constant 16 : index
          %swap3A_231 = tpu.vector_load %arg10[%swap3A_228, %swap3A_229, %swap3A_230] {strides = array<i32>} : memref<8x16x128xf32, #tpu.memory_space<vmem>>, vector<16xf32>,
          tpu.vector_store %arg10[%swap3A_228, %swap3A_229, %swap3A_230], %gather3A_227 {strides = array<i32>} : memref<8x16x128xf32, #tpu.memory_space<vmem>>, vector<16xf32>,
          %add3A_232 = arith.constant 32 : i32
          %add3A_233 = vector.broadcast %add3A_232 : i32 to vector<16xi32>
          %add3A_234 = arith.addi %add3A_233, %iota3A : vector<16xi32>
          %gather3A_235 = tpu.vector_load_idx %arg9[%broadcast_in_dim3A_111, %add3A_234, %gather3A_216] : memref<2x64x512xf32, #tpu.memory_space<vmem>>[vector<16xi32>, vector<16xi32>, vector<16xi32>], vector<16xf32>,
          %swap3A_236 = arith.index_cast %and3A_180 : i32 to index
          %swap3A_237 = arith.index_cast %while3A_213 : i32 to index
          %swap3A_238 = arith.constant 32 : index
          %swap3A_239 = tpu.vector_load %arg10[%swap3A_236, %swap3A_237, %swap3A_238] {strides = array<i32>} : memref<8x16x128xf32, #tpu.memory_space<vmem>>, vector<16xf32>,
          tpu.vector_store %arg10[%swap3A_236, %swap3A_237, %swap3A_238], %gather3A_235 {strides = array<i32>} : memref<8x16x128xf32, #tpu.memory_space<vmem>>, vector<16xf32>,
          %add3A_240 = arith.constant 48 : i32
          %add3A_241 = vector.broadcast %add3A_240 : i32 to vector<16xi32>
          %add3A_242 = arith.addi %add3A_241, %iota3A : vector<16xi32>
          %gather3A_243 = tpu.vector_load_idx %arg9[%broadcast_in_dim3A_111, %add3A_242, %gather3A_216] : memref<2x64x512xf32, #tpu.memory_space<vmem>>[vector<16xi32>, vector<16xi32>, vector<16xi32>], vector<16xf32>,
          %swap3A_244 = arith.index_cast %and3A_180 : i32 to index
          %swap3A_245 = arith.index_cast %while3A_213 : i32 to index
          %swap3A_246 = arith.constant 48 : index
          %swap3A_247 = tpu.vector_load %arg10[%swap3A_244, %swap3A_245, %swap3A_246] {strides = array<i32>} : memref<8x16x128xf32, #tpu.memory_space<vmem>>, vector<16xf32>,
          tpu.vector_store %arg10[%swap3A_244, %swap3A_245, %swap3A_246], %gather3A_243 {strides = array<i32>} : memref<8x16x128xf32, #tpu.memory_space<vmem>>, vector<16xf32>,
          %while3A_248 = arith.constant 0 : i32
          scf.yield %while3A_248 : i32
        }
        %while3A_191 = arith.constant 1 : i32
        %while3A_192 = scf.for %while3A_213 = %while3A_188 to %while3A_184 step %while3A_191 iter_args(%while3A_214 = %while3A_190) -> (i32)  : i32 {
          %broadcast_in_dim3A_215 = vector.broadcast %while3A_213 : i32 to vector<16x1xi32>
          %gather3A = vector.shape_cast %broadcast_in_dim3A_215 : vector<16x1xi32> to vector<16xi32>
          %gather3A_216 = tpu.dynamic_gather %min3A_178[%gather3A] in [0] : vector<16xi32>, vector<16xi32> -> vector<16xi32>
          %add3A_217 = arith.constant 0 : i32
          %add3A_218 = vector.broadcast %add3A_217 : i32 to vector<16xi32>
          %add3A_219 = arith.addi %add3A_218, %iota3A : vector<16xi32>
          %gather3A_220 = tpu.vector_load_idx %arg9[%broadcast_in_dim3A_111, %add3A_219, %gather3A_216] : memref<2x64x512xf32, #tpu.memory_space<vmem>>[vector<16xi32>, vector<16xi32>, vector<16xi32>], vector<16xf32>,
          %swap3A = arith.index_cast %and3A_180 : i32 to index
          %swap3A_221 = arith.index_cast %while3A_213 : i32 to index
          %swap3A_222 = arith.constant 0 : index
          %swap3A_223 = tpu.vector_load %arg10[%swap3A, %swap3A_221, %swap3A_222] {strides = array<i32>} : memref<8x16x128xf32, #tpu.memory_space<vmem>>, vector<16xf32>,
          tpu.vector_store %arg10[%swap3A, %swap3A_221, %swap3A_222], %gather3A_220 {strides = array<i32>} : memref<8x16x128xf32, #tpu.memory_space<vmem>>, vector<16xf32>,
          %add3A_224 = arith.constant 16 : i32
          %add3A_225 = vector.broadcast %add3A_224 : i32 to vector<16xi32>
          %add3A_226 = arith.addi %add3A_225, %iota3A : vector<16xi32>
          %gather3A_227 = tpu.vector_load_idx %arg9[%broadcast_in_dim3A_111, %add3A_226, %gather3A_216] : memref<2x64x512xf32, #tpu.memory_space<vmem>>[vector<16xi32>, vector<16xi32>, vector<16xi32>], vector<16xf32>,
          %swap3A_228 = arith.index_cast %and3A_180 : i32 to index
          %swap3A_229 = arith.index_cast %while3A_213 : i32 to index
          %swap3A_230 = arith.constant 16 : index
          %swap3A_231 = tpu.vector_load %arg10[%swap3A_228, %swap3A_229, %swap3A_230] {strides = array<i32>} : memref<8x16x128xf32, #tpu.memory_space<vmem>>, vector<16xf32>,
          tpu.vector_store %arg10[%swap3A_228, %swap3A_229, %swap3A_230], %gather3A_227 {strides = array<i32>} : memref<8x16x128xf32, #tpu.memory_space<vmem>>, vector<16xf32>,
          %add3A_232 = arith.constant 32 : i32
          %add3A_233 = vector.broadcast %add3A_232 : i32 to vector<16xi32>
          %add3A_234 = arith.addi %add3A_233, %iota3A : vector<16xi32>
          %gather3A_235 = tpu.vector_load_idx %arg9[%broadcast_in_dim3A_111, %add3A_234, %gather3A_216] : memref<2x64x512xf32, #tpu.memory_space<vmem>>[vector<16xi32>, vector<16xi32>, vector<16xi32>], vector<16xf32>,
          %swap3A_236 = arith.index_cast %and3A_180 : i32 to index
          %swap3A_237 = arith.index_cast %while3A_213 : i32 to index
          %swap3A_238 = arith.constant 32 : index
          %swap3A_239 = tpu.vector_load %arg10[%swap3A_236, %swap3A_237, %swap3A_238] {strides = array<i32>} : memref<8x16x128xf32, #tpu.memory_space<vmem>>, vector<16xf32>,
          tpu.vector_store %arg10[%swap3A_236, %swap3A_237, %swap3A_238], %gather3A_235 {strides = array<i32>} : memref<8x16x128xf32, #tpu.memory_space<vmem>>, vector<16xf32>,
          %add3A_240 = arith.constant 48 : i32
          %add3A_241 = vector.broadcast %add3A_240 : i32 to vector<16xi32>
          %add3A_242 = arith.addi %add3A_241, %iota3A : vector<16xi32>
          %gather3A_243 = tpu.vector_load_idx %arg9[%broadcast_in_dim3A_111, %add3A_242, %gather3A_216] : memref<2x64x512xf32, #tpu.memory_space<vmem>>[vector<16xi32>, vector<16xi32>, vector<16xi32>], vector<16xf32>,
          %swap3A_244 = arith.index_cast %and3A_180 : i32 to index
          %swap3A_245 = arith.index_cast %while3A_213 : i32 to index
          %swap3A_246 = arith.constant 48 : index
          %swap3A_247 = tpu.vector_load %arg10[%swap3A_244, %swap3A_245, %swap3A_246] {strides = array<i32>} : memref<8x16x128xf32, #tpu.memory_space<vmem>>, vector<16xf32>,
          tpu.vector_store %arg10[%swap3A_244, %swap3A_245, %swap3A_246], %gather3A_243 {strides = array<i32>} : memref<8x16x128xf32, #tpu.memory_space<vmem>>, vector<16xf32>,
          %while3A_248 = arith.constant 0 : i32
          scf.yield %while3A_248 : i32
        }
        %lt3A_193 = vector.broadcast %reduce_sum3A_170 : i32 to vector<16xi32>
        %lt3A_194 = arith.cmpi slt, %iota3A, %lt3A_193 : vector<16xi32>
        %add3A_195 = arith.constant 16384 : i32
        %add3A_196 = arith.addi %add3A_195, %add3A : i32
        %broadcast_in_dim3A_197 = vector.broadcast %add3A_196 : i32 to vector<16xi32>
        %select_n3A_198 = arith.select %lt3A_194, %masked_sort3A_165, %broadcast_in_dim3A_197 : vector<16xi1>, vector<16xi32>
        %dma_start3A = arith.constant 0 : i32
        %dma_start3A_199 = arith.constant 0 : i32
        %dma_start3A_200 = tpu.memref_slice %arg10[%and3A_180, %dma_start3A, %dma_start3A_199] : memref<8x16x128xf32, #tpu.memory_space<vmem>> -> memref<1x16x128xf32, #tpu.memory_space<vmem>>
        %dma_start3A_201 = tpu.memref_squeeze %dma_start3A_200 : memref<1x16x128xf32, #tpu.memory_space<vmem>> -> memref<16x128xf32, #tpu.memory_space<vmem>>
        %dma_start3A_202 = arith.constant 0 : i32
        %dma_start3A_203 = arith.constant 0 : i32
        %dma_start3A_204 = tpu.memref_slice %arg4[%dma_start3A_202, %dma_start3A_203] : memref<16416x128xf32, #tpu.memory_space<hbm>> -> memref<16416x128xf32, #tpu.memory_space<hbm>>
        tpu.enqueue_indirect_dma source(%dma_start3A_201 : memref<16x128xf32, #tpu.memory_space<vmem>>) target(%dma_start3A_204 : memref<16416x128xf32, #tpu.memory_space<hbm>>) offsets(%select_n3A_198 : vector<16xi32>) semaphore(%arg13 : memref<!tpu.dma_semaphore, #tpu.memory_space<semaphore_mem>>)
        %and3A_205 = arith.constant 7 : i32
        %and3A_206 = arith.andi %while3A_135, %and3A_205 : i32
        %eq3A = arith.constant 7 : i32
        %eq3A_207 = arith.cmpi eq, %and3A_206, %eq3A : i32
        %convert_element_type3A_208 = arith.extui %eq3A_207 : i1 to i32
        %cond3A_209 = arith.constant 0 : i32
        %cond3A_210 = arith.cmpi ne, %convert_element_type3A_208, %cond3A_209 : i32
        scf.if %cond3A_210 {
          %scan3A_213 = arith.constant 0 : i32
          %scan3A_214 = arith.constant 0 : i32
          %scan3A_215 = arith.constant 8 : i32
          %scan3A_216 = arith.addi %scan3A_214, %scan3A_215 : i32
          %scan3A_217 = arith.constant 1 : i32
          %scan3A_218 = scf.for %scan3A_220 = %scan3A_214 to %scan3A_216 step %scan3A_217 iter_args(%scan3A_221 = %scan3A_213) -> (i32)  : i32 {
            %dma_wait3A = arith.constant 0 : i32
            %dma_wait3A_222 = arith.constant 0 : i32
            %dma_wait3A_223 = arith.constant 0 : i32
            %dma_wait3A_224 = tpu.memref_slice %arg10[%dma_wait3A, %dma_wait3A_222, %dma_wait3A_223] : memref<8x16x128xf32, #tpu.memory_space<vmem>> -> memref<1x16x128xf32, #tpu.memory_space<vmem>>
            %dma_wait3A_225 = tpu.memref_squeeze %dma_wait3A_224 : memref<1x16x128xf32, #tpu.memory_space<vmem>> -> memref<16x128xf32, #tpu.memory_space<vmem>>
            %dma_wait3A_226 = arith.constant 0 : i32
            %dma_wait3A_227 = arith.constant 0 : i32
            %dma_wait3A_228 = tpu.memref_slice %arg4[%dma_wait3A_226, %dma_wait3A_227] : memref<16416x128xf32, #tpu.memory_space<hbm>> -> memref<16x128xf32, #tpu.memory_space<hbm>>
            %dma_wait3A_229 = arith.constant 0 : i32
            %dma_wait3A_230 = arith.constant 0 : i32
            %dma_wait3A_231 = tpu.memref_slice %arg4[%dma_wait3A_229, %dma_wait3A_230] : memref<16416x128xf32, #tpu.memory_space<hbm>> -> memref<16x128xf32, #tpu.memory_space<hbm>>
            %dma_wait3A_232 = arith.constant 0 : i32
            %dma_wait3A_233 = arith.constant 0 : i32
            %dma_wait3A_234 = tpu.memref_slice %arg10[%dma_wait3A, %dma_wait3A_232, %dma_wait3A_233] : memref<8x16x128xf32, #tpu.memory_space<vmem>> -> memref<1x16x128xf32, #tpu.memory_space<vmem>>
            %dma_wait3A_235 = tpu.memref_squeeze %dma_wait3A_234 : memref<1x16x128xf32, #tpu.memory_space<vmem>> -> memref<16x128xf32, #tpu.memory_space<vmem>>
            tpu.wait_dma2 semaphore(%arg13 : memref<!tpu.dma_semaphore, #tpu.memory_space<semaphore_mem>>) src(%dma_wait3A_235 : memref<16x128xf32, #tpu.memory_space<vmem>>) dst(%dma_wait3A_231 : memref<16x128xf32, #tpu.memory_space<hbm>>)
            %scan3A_236 = arith.constant 0 : i32
            scf.yield %scan3A_236 : i32
          }
          %scan3A_219 = arith.constant 8 : i32
        } else {
        }
        %add3A_211 = arith.constant 1 : i32
        %add3A_212 = arith.addi %while3A_135, %add3A_211 : i32
        scf.yield %add3A_212 : i32
      }
      %while3A_126 = arith.constant 1 : i32
      %while3A_127 = scf.for %while3A_134 = %while3A_123 to %while3A_119 step %while3A_126 iter_args(%while3A_135 = %while3A_125) -> (i32)  : i32 {
        %mul3A_136 = arith.constant 12 : i32
        %mul3A_137 = arith.muli %add3A_93, %mul3A_136 : i32
        %add3A_138 = arith.addi %mul3A_137, %while3A_134 : i32
        %mul3A_139 = arith.constant 16 : i32
        %mul3A_140 = arith.muli %add3A_138, %mul3A_139 : i32
        %get3A_141 = arith.index_cast %mul3A_140 : i32 to index
        %get3A_142 = tpu.vector_load %arg7[%get3A_141] {strides = array<i32>} : memref<11904xi32, #tpu.memory_space<vmem>>, vector<16xi32>,
        %mul3A_143 = arith.constant 12 : i32
        %mul3A_144 = arith.muli %add3A_93, %mul3A_143 : i32
        %add3A_145 = arith.addi %mul3A_144, %while3A_134 : i32
        %mul3A_146 = arith.constant 16 : i32
        %mul3A_147 = arith.muli %add3A_145, %mul3A_146 : i32
        %get3A_148 = arith.index_cast %mul3A_147 : i32 to index
        %get3A_149 = tpu.vector_load %arg8[%get3A_148] {strides = array<i32>} : memref<11904xi32, #tpu.memory_space<vmem>>, vector<16xi32>,
        %gt3A_150 = vector.broadcast %while3A_134 : i32 to vector<16xi32>
        %gt3A_151 = arith.cmpi sgt, %get3A_101, %gt3A_150 : vector<16xi32>
        %select_n3A = arith.select %gt3A_151, %broadcast_in_dim3A_5, %broadcast_in_dim3A_7 : vector<16xi1>, vector<16xi32>
        %masked_sort3A = arith.constant dense<true> : vector<16xi1>
        %masked_sort3A_152 = arith.constant -2147483648 : i32
        %masked_sort3A_153 = vector.broadcast %masked_sort3A_152 : i32 to vector<16xi32>
        %masked_sort3A_154 = arith.xori %select_n3A, %masked_sort3A_153 : vector<16xi32>
        %masked_sort3A_155, %masked_sort3A_156, %masked_sort3A_157 = tpu.sort %masked_sort3A_154, %get3A_142 masked %masked_sort3A : (vector<16xi32>, vector<16xi32>, vector<16xi1>) -> (vector<16xi1>, vector<16xi32>, vector<16xi32>)
        %masked_sort3A_158 = arith.xori %masked_sort3A_156, %masked_sort3A_153 : vector<16xi32>
        %masked_sort3A_159 = arith.constant dense<true> : vector<16xi1>
        %masked_sort3A_160 = arith.constant -2147483648 : i32
        %masked_sort3A_161 = vector.broadcast %masked_sort3A_160 : i32 to vector<16xi32>
        %masked_sort3A_162 = arith.xori %select_n3A, %masked_sort3A_161 : vector<16xi32>
        %masked_sort3A_163, %masked_sort3A_164, %masked_sort3A_165 = tpu.sort %masked_sort3A_162, %get3A_149 masked %masked_sort3A_159 : (vector<16xi32>, vector<16xi32>, vector<16xi1>) -> (vector<16xi1>, vector<16xi32>, vector<16xi32>)
        %masked_sort3A_166 = arith.xori %masked_sort3A_164, %masked_sort3A_161 : vector<16xi32>
        %select_n3A_167 = arith.select %gt3A_151, %broadcast_in_dim3A_7, %broadcast_in_dim3A_5 : vector<16xi1>, vector<16xi32>
        %reduce_sum3A = arith.constant true
        %reduce_sum3A_168 = vector.broadcast %reduce_sum3A : i1 to vector<16xi1>
        %reduce_sum3A_169 = tpu.scan <sum>, %select_n3A_167 masked %reduce_sum3A_168 : vector<16xi32>, vector<16xi1> -> vector<16xi32>
        %reduce_sum3A_170 = vector.extract %reduce_sum3A_169[15] : i32 from vector<16xi32>
        %sub3A_171 = vector.broadcast %min3A_116 : i32 to vector<16xi32>
        %sub3A_172 = arith.subi %masked_sort3A_157, %sub3A_171 : vector<16xi32>
        %jit3A_173 = arith.constant 0 : i32
        %jit3A_174 = arith.constant 511 : i32
        %max3A_175 = vector.broadcast %jit3A_173 : i32 to vector<16xi32>
        %max3A_176 = arith.maxsi %max3A_175, %sub3A_172 : vector<16xi32>
        %min3A_177 = vector.broadcast %jit3A_174 : i32 to vector<16xi32>
        %min3A_178 = arith.minsi %min3A_177, %max3A_176 : vector<16xi32>
        %and3A_179 = arith.constant 7 : i32
        %and3A_180 = arith.andi %while3A_135, %and3A_179 : i32
        %while3A_181 = arith.constant 0 : i32
        %while3A_182 = arith.constant 0 : i32
        %while3A_183 = arith.subi %reduce_sum3A_170, %while3A_181 : i32
        %while3A_184 = arith.addi %while3A_181, %while3A_183 : i32
        %while3A_185 = arith.constant 1 : i32
        %while3A_186 = arith.divsi %while3A_183, %while3A_185 : i32
        %while3A_187 = arith.muli %while3A_186, %while3A_185 : i32
        %while3A_188 = arith.addi %while3A_181, %while3A_187 : i32
        %while3A_189 = arith.constant 1 : i32
        %while3A_190 = scf.for %while3A_213 = %while3A_181 to %while3A_188 step %while3A_189 iter_args(%while3A_214 = %while3A_182) -> (i32)  : i32 {
          %broadcast_in_dim3A_215 = vector.broadcast %while3A_213 : i32 to vector<16x1xi32>
          %gather3A = vector.shape_cast %broadcast_in_dim3A_215 : vector<16x1xi32> to vector<16xi32>
          %gather3A_216 = tpu.dynamic_gather %min3A_178[%gather3A] in [0] : vector<16xi32>, vector<16xi32> -> vector<16xi32>
          %add3A_217 = arith.constant 0 : i32
          %add3A_218 = vector.broadcast %add3A_217 : i32 to vector<16xi32>
          %add3A_219 = arith.addi %add3A_218, %iota3A : vector<16xi32>
          %gather3A_220 = tpu.vector_load_idx %arg9[%broadcast_in_dim3A_111, %add3A_219, %gather3A_216] : memref<2x64x512xf32, #tpu.memory_space<vmem>>[vector<16xi32>, vector<16xi32>, vector<16xi32>], vector<16xf32>,
          %swap3A = arith.index_cast %and3A_180 : i32 to index
          %swap3A_221 = arith.index_cast %while3A_213 : i32 to index
          %swap3A_222 = arith.constant 0 : index
          %swap3A_223 = tpu.vector_load %arg10[%swap3A, %swap3A_221, %swap3A_222] {strides = array<i32>} : memref<8x16x128xf32, #tpu.memory_space<vmem>>, vector<16xf32>,
          tpu.vector_store %arg10[%swap3A, %swap3A_221, %swap3A_222], %gather3A_220 {strides = array<i32>} : memref<8x16x128xf32, #tpu.memory_space<vmem>>, vector<16xf32>,
          %add3A_224 = arith.constant 16 : i32
          %add3A_225 = vector.broadcast %add3A_224 : i32 to vector<16xi32>
          %add3A_226 = arith.addi %add3A_225, %iota3A : vector<16xi32>
          %gather3A_227 = tpu.vector_load_idx %arg9[%broadcast_in_dim3A_111, %add3A_226, %gather3A_216] : memref<2x64x512xf32, #tpu.memory_space<vmem>>[vector<16xi32>, vector<16xi32>, vector<16xi32>], vector<16xf32>,
          %swap3A_228 = arith.index_cast %and3A_180 : i32 to index
          %swap3A_229 = arith.index_cast %while3A_213 : i32 to index
          %swap3A_230 = arith.constant 16 : index
          %swap3A_231 = tpu.vector_load %arg10[%swap3A_228, %swap3A_229, %swap3A_230] {strides = array<i32>} : memref<8x16x128xf32, #tpu.memory_space<vmem>>, vector<16xf32>,
          tpu.vector_store %arg10[%swap3A_228, %swap3A_229, %swap3A_230], %gather3A_227 {strides = array<i32>} : memref<8x16x128xf32, #tpu.memory_space<vmem>>, vector<16xf32>,
          %add3A_232 = arith.constant 32 : i32
          %add3A_233 = vector.broadcast %add3A_232 : i32 to vector<16xi32>
          %add3A_234 = arith.addi %add3A_233, %iota3A : vector<16xi32>
          %gather3A_235 = tpu.vector_load_idx %arg9[%broadcast_in_dim3A_111, %add3A_234, %gather3A_216] : memref<2x64x512xf32, #tpu.memory_space<vmem>>[vector<16xi32>, vector<16xi32>, vector<16xi32>], vector<16xf32>,
          %swap3A_236 = arith.index_cast %and3A_180 : i32 to index
          %swap3A_237 = arith.index_cast %while3A_213 : i32 to index
          %swap3A_238 = arith.constant 32 : index
          %swap3A_239 = tpu.vector_load %arg10[%swap3A_236, %swap3A_237, %swap3A_238] {strides = array<i32>} : memref<8x16x128xf32, #tpu.memory_space<vmem>>, vector<16xf32>,
          tpu.vector_store %arg10[%swap3A_236, %swap3A_237, %swap3A_238], %gather3A_235 {strides = array<i32>} : memref<8x16x128xf32, #tpu.memory_space<vmem>>, vector<16xf32>,
          %add3A_240 = arith.constant 48 : i32
          %add3A_241 = vector.broadcast %add3A_240 : i32 to vector<16xi32>
          %add3A_242 = arith.addi %add3A_241, %iota3A : vector<16xi32>
          %gather3A_243 = tpu.vector_load_idx %arg9[%broadcast_in_dim3A_111, %add3A_242, %gather3A_216] : memref<2x64x512xf32, #tpu.memory_space<vmem>>[vector<16xi32>, vector<16xi32>, vector<16xi32>], vector<16xf32>,
          %swap3A_244 = arith.index_cast %and3A_180 : i32 to index
          %swap3A_245 = arith.index_cast %while3A_213 : i32 to index
          %swap3A_246 = arith.constant 48 : index
          %swap3A_247 = tpu.vector_load %arg10[%swap3A_244, %swap3A_245, %swap3A_246] {strides = array<i32>} : memref<8x16x128xf32, #tpu.memory_space<vmem>>, vector<16xf32>,
          tpu.vector_store %arg10[%swap3A_244, %swap3A_245, %swap3A_246], %gather3A_243 {strides = array<i32>} : memref<8x16x128xf32, #tpu.memory_space<vmem>>, vector<16xf32>,
          %while3A_248 = arith.constant 0 : i32
          scf.yield %while3A_248 : i32
        }
        %while3A_191 = arith.constant 1 : i32
        %while3A_192 = scf.for %while3A_213 = %while3A_188 to %while3A_184 step %while3A_191 iter_args(%while3A_214 = %while3A_190) -> (i32)  : i32 {
          %broadcast_in_dim3A_215 = vector.broadcast %while3A_213 : i32 to vector<16x1xi32>
          %gather3A = vector.shape_cast %broadcast_in_dim3A_215 : vector<16x1xi32> to vector<16xi32>
          %gather3A_216 = tpu.dynamic_gather %min3A_178[%gather3A] in [0] : vector<16xi32>, vector<16xi32> -> vector<16xi32>
          %add3A_217 = arith.constant 0 : i32
          %add3A_218 = vector.broadcast %add3A_217 : i32 to vector<16xi32>
          %add3A_219 = arith.addi %add3A_218, %iota3A : vector<16xi32>
          %gather3A_220 = tpu.vector_load_idx %arg9[%broadcast_in_dim3A_111, %add3A_219, %gather3A_216] : memref<2x64x512xf32, #tpu.memory_space<vmem>>[vector<16xi32>, vector<16xi32>, vector<16xi32>], vector<16xf32>,
          %swap3A = arith.index_cast %and3A_180 : i32 to index
          %swap3A_221 = arith.index_cast %while3A_213 : i32 to index
          %swap3A_222 = arith.constant 0 : index
          %swap3A_223 = tpu.vector_load %arg10[%swap3A, %swap3A_221, %swap3A_222] {strides = array<i32>} : memref<8x16x128xf32, #tpu.memory_space<vmem>>, vector<16xf32>,
          tpu.vector_store %arg10[%swap3A, %swap3A_221, %swap3A_222], %gather3A_220 {strides = array<i32>} : memref<8x16x128xf32, #tpu.memory_space<vmem>>, vector<16xf32>,
          %add3A_224 = arith.constant 16 : i32
          %add3A_225 = vector.broadcast %add3A_224 : i32 to vector<16xi32>
          %add3A_226 = arith.addi %add3A_225, %iota3A : vector<16xi32>
          %gather3A_227 = tpu.vector_load_idx %arg9[%broadcast_in_dim3A_111, %add3A_226, %gather3A_216] : memref<2x64x512xf32, #tpu.memory_space<vmem>>[vector<16xi32>, vector<16xi32>, vector<16xi32>], vector<16xf32>,
          %swap3A_228 = arith.index_cast %and3A_180 : i32 to index
          %swap3A_229 = arith.index_cast %while3A_213 : i32 to index
          %swap3A_230 = arith.constant 16 : index
          %swap3A_231 = tpu.vector_load %arg10[%swap3A_228, %swap3A_229, %swap3A_230] {strides = array<i32>} : memref<8x16x128xf32, #tpu.memory_space<vmem>>, vector<16xf32>,
          tpu.vector_store %arg10[%swap3A_228, %swap3A_229, %swap3A_230], %gather3A_227 {strides = array<i32>} : memref<8x16x128xf32, #tpu.memory_space<vmem>>, vector<16xf32>,
          %add3A_232 = arith.constant 32 : i32
          %add3A_233 = vector.broadcast %add3A_232 : i32 to vector<16xi32>
          %add3A_234 = arith.addi %add3A_233, %iota3A : vector<16xi32>
          %gather3A_235 = tpu.vector_load_idx %arg9[%broadcast_in_dim3A_111, %add3A_234, %gather3A_216] : memref<2x64x512xf32, #tpu.memory_space<vmem>>[vector<16xi32>, vector<16xi32>, vector<16xi32>], vector<16xf32>,
          %swap3A_236 = arith.index_cast %and3A_180 : i32 to index
          %swap3A_237 = arith.index_cast %while3A_213 : i32 to index
          %swap3A_238 = arith.constant 32 : index
          %swap3A_239 = tpu.vector_load %arg10[%swap3A_236, %swap3A_237, %swap3A_238] {strides = array<i32>} : memref<8x16x128xf32, #tpu.memory_space<vmem>>, vector<16xf32>,
          tpu.vector_store %arg10[%swap3A_236, %swap3A_237, %swap3A_238], %gather3A_235 {strides = array<i32>} : memref<8x16x128xf32, #tpu.memory_space<vmem>>, vector<16xf32>,
          %add3A_240 = arith.constant 48 : i32
          %add3A_241 = vector.broadcast %add3A_240 : i32 to vector<16xi32>
          %add3A_242 = arith.addi %add3A_241, %iota3A : vector<16xi32>
          %gather3A_243 = tpu.vector_load_idx %arg9[%broadcast_in_dim3A_111, %add3A_242, %gather3A_216] : memref<2x64x512xf32, #tpu.memory_space<vmem>>[vector<16xi32>, vector<16xi32>, vector<16xi32>], vector<16xf32>,
          %swap3A_244 = arith.index_cast %and3A_180 : i32 to index
          %swap3A_245 = arith.index_cast %while3A_213 : i32 to index
          %swap3A_246 = arith.constant 48 : index
          %swap3A_247 = tpu.vector_load %arg10[%swap3A_244, %swap3A_245, %swap3A_246] {strides = array<i32>} : memref<8x16x128xf32, #tpu.memory_space<vmem>>, vector<16xf32>,
          tpu.vector_store %arg10[%swap3A_244, %swap3A_245, %swap3A_246], %gather3A_243 {strides = array<i32>} : memref<8x16x128xf32, #tpu.memory_space<vmem>>, vector<16xf32>,
          %while3A_248 = arith.constant 0 : i32
          scf.yield %while3A_248 : i32
        }
        %lt3A_193 = vector.broadcast %reduce_sum3A_170 : i32 to vector<16xi32>
        %lt3A_194 = arith.cmpi slt, %iota3A, %lt3A_193 : vector<16xi32>
        %add3A_195 = arith.constant 16384 : i32
        %add3A_196 = arith.addi %add3A_195, %add3A : i32
        %broadcast_in_dim3A_197 = vector.broadcast %add3A_196 : i32 to vector<16xi32>
        %select_n3A_198 = arith.select %lt3A_194, %masked_sort3A_165, %broadcast_in_dim3A_197 : vector<16xi1>, vector<16xi32>
        %dma_start3A = arith.constant 0 : i32
        %dma_start3A_199 = arith.constant 0 : i32
        %dma_start3A_200 = tpu.memref_slice %arg10[%and3A_180, %dma_start3A, %dma_start3A_199] : memref<8x16x128xf32, #tpu.memory_space<vmem>> -> memref<1x16x128xf32, #tpu.memory_space<vmem>>
        %dma_start3A_201 = tpu.memref_squeeze %dma_start3A_200 : memref<1x16x128xf32, #tpu.memory_space<vmem>> -> memref<16x128xf32, #tpu.memory_space<vmem>>
        %dma_start3A_202 = arith.constant 0 : i32
        %dma_start3A_203 = arith.constant 0 : i32
        %dma_start3A_204 = tpu.memref_slice %arg4[%dma_start3A_202, %dma_start3A_203] : memref<16416x128xf32, #tpu.memory_space<hbm>> -> memref<16416x128xf32, #tpu.memory_space<hbm>>
        tpu.enqueue_indirect_dma source(%dma_start3A_201 : memref<16x128xf32, #tpu.memory_space<vmem>>) target(%dma_start3A_204 : memref<16416x128xf32, #tpu.memory_space<hbm>>) offsets(%select_n3A_198 : vector<16xi32>) semaphore(%arg13 : memref<!tpu.dma_semaphore, #tpu.memory_space<semaphore_mem>>)
        %and3A_205 = arith.constant 7 : i32
        %and3A_206 = arith.andi %while3A_135, %and3A_205 : i32
        %eq3A = arith.constant 7 : i32
        %eq3A_207 = arith.cmpi eq, %and3A_206, %eq3A : i32
        %convert_element_type3A_208 = arith.extui %eq3A_207 : i1 to i32
        %cond3A_209 = arith.constant 0 : i32
        %cond3A_210 = arith.cmpi ne, %convert_element_type3A_208, %cond3A_209 : i32
        scf.if %cond3A_210 {
          %scan3A_213 = arith.constant 0 : i32
          %scan3A_214 = arith.constant 0 : i32
          %scan3A_215 = arith.constant 8 : i32
          %scan3A_216 = arith.addi %scan3A_214, %scan3A_215 : i32
          %scan3A_217 = arith.constant 1 : i32
          %scan3A_218 = scf.for %scan3A_220 = %scan3A_214 to %scan3A_216 step %scan3A_217 iter_args(%scan3A_221 = %scan3A_213) -> (i32)  : i32 {
            %dma_wait3A = arith.constant 0 : i32
            %dma_wait3A_222 = arith.constant 0 : i32
            %dma_wait3A_223 = arith.constant 0 : i32
            %dma_wait3A_224 = tpu.memref_slice %arg10[%dma_wait3A, %dma_wait3A_222, %dma_wait3A_223] : memref<8x16x128xf32, #tpu.memory_space<vmem>> -> memref<1x16x128xf32, #tpu.memory_space<vmem>>
            %dma_wait3A_225 = tpu.memref_squeeze %dma_wait3A_224 : memref<1x16x128xf32, #tpu.memory_space<vmem>> -> memref<16x128xf32, #tpu.memory_space<vmem>>
            %dma_wait3A_226 = arith.constant 0 : i32
            %dma_wait3A_227 = arith.constant 0 : i32
            %dma_wait3A_228 = tpu.memref_slice %arg4[%dma_wait3A_226, %dma_wait3A_227] : memref<16416x128xf32, #tpu.memory_space<hbm>> -> memref<16x128xf32, #tpu.memory_space<hbm>>
            %dma_wait3A_229 = arith.constant 0 : i32
            %dma_wait3A_230 = arith.constant 0 : i32
            %dma_wait3A_231 = tpu.memref_slice %arg4[%dma_wait3A_229, %dma_wait3A_230] : memref<16416x128xf32, #tpu.memory_space<hbm>> -> memref<16x128xf32, #tpu.memory_space<hbm>>
            %dma_wait3A_232 = arith.constant 0 : i32
            %dma_wait3A_233 = arith.constant 0 : i32
            %dma_wait3A_234 = tpu.memref_slice %arg10[%dma_wait3A, %dma_wait3A_232, %dma_wait3A_233] : memref<8x16x128xf32, #tpu.memory_space<vmem>> -> memref<1x16x128xf32, #tpu.memory_space<vmem>>
            %dma_wait3A_235 = tpu.memref_squeeze %dma_wait3A_234 : memref<1x16x128xf32, #tpu.memory_space<vmem>> -> memref<16x128xf32, #tpu.memory_space<vmem>>
            tpu.wait_dma2 semaphore(%arg13 : memref<!tpu.dma_semaphore, #tpu.memory_space<semaphore_mem>>) src(%dma_wait3A_235 : memref<16x128xf32, #tpu.memory_space<vmem>>) dst(%dma_wait3A_231 : memref<16x128xf32, #tpu.memory_space<hbm>>)
            %scan3A_236 = arith.constant 0 : i32
            scf.yield %scan3A_236 : i32
          }
          %scan3A_219 = arith.constant 8 : i32
        } else {
        }
        %add3A_211 = arith.constant 1 : i32
        %add3A_212 = arith.addi %while3A_135, %add3A_211 : i32
        scf.yield %add3A_212 : i32
      }
      %add3A_128 = arith.constant 2 : i32
      %add3A_129 = arith.addi %add3A_93, %add3A_128 : i32
      %lt3A_130 = arith.cmpi slt, %add3A_129, %min3A : i32
      %convert_element_type3A_131 = arith.extui %lt3A_130 : i1 to i32
      %cond3A_132 = arith.constant 0 : i32
      %cond3A_133 = arith.cmpi ne, %convert_element_type3A_131, %cond3A_132 : i32
      scf.if %cond3A_133 {
        %add3A_134 = arith.constant 2 : i32
        %add3A_135 = arith.addi %add3A_93, %add3A_134 : i32
        %add3A_136 = arith.addi %mul3A_2, %add3A_135 : i32
        %mul3A_137 = arith.constant 512 : i32
        %mul3A_138 = arith.muli %add3A_136, %mul3A_137 : i32
        %min3A_139 = arith.constant 999552 : i32
        %min3A_140 = arith.minsi %mul3A_138, %min3A_139 : i32
        %dma_start3A = arith.constant 1 : i32
        %dma_start3A_141 = arith.constant 0 : i32
        %dma_start3A_142 = arith.constant 0 : i32
        %dma_start3A_143 = tpu.memref_slice %arg9[%dma_start3A, %dma_start3A_141, %dma_start3A_142] : memref<2x64x512xf32, #tpu.memory_space<vmem>> -> memref<1x64x512xf32, #tpu.memory_space<vmem>>
        %dma_start3A_144 = tpu.memref_squeeze %dma_start3A_143 : memref<1x64x512xf32, #tpu.memory_space<vmem>> -> memref<64x512xf32, #tpu.memory_space<vmem>>
        %dma_start3A_145 = arith.constant 0 : i32
        %dma_start3A_146 = tpu.memref_slice %arg3[%dma_start3A_145, %min3A_140] : memref<64x1000000xf32, #tpu.memory_space<hbm>> -> memref<64x512xf32, #tpu.memory_space<hbm>>
        %dma_start3A_147 = arith.constant 0 : i32
        %dma_start3A_148 = arith.constant 0 : i32
        %dma_start3A_149 = tpu.memref_slice %arg9[%dma_start3A, %dma_start3A_147, %dma_start3A_148] : memref<2x64x512xf32, #tpu.memory_space<vmem>> -> memref<1x64x512xf32, #tpu.memory_space<vmem>>
        %dma_start3A_150 = tpu.memref_squeeze %dma_start3A_149 : memref<1x64x512xf32, #tpu.memory_space<vmem>> -> memref<64x512xf32, #tpu.memory_space<vmem>>
        %dma_start3A_151 = arith.constant 0 : i32
        %dma_start3A_152 = tpu.memref_slice %arg3[%dma_start3A_151, %min3A_140] : memref<64x1000000xf32, #tpu.memory_space<hbm>> -> memref<64x512xf32, #tpu.memory_space<hbm>>
        tpu.enqueue_dma source(%dma_start3A_152 : memref<64x512xf32, #tpu.memory_space<hbm>>) target(%dma_start3A_150 : memref<64x512xf32, #tpu.memory_space<vmem>>) target_semaphore(%arg12 : memref<!tpu.dma_semaphore, #tpu.memory_space<semaphore_mem>>)
      } else {
      }
      scf.yield %while3A_127 : i32
    }
    %scan3A_34 = arith.constant 31 : i32
    %and3A = arith.constant 7 : i32
    %and3A_35 = arith.andi %scan3A_33, %and3A : i32
    %while3A = arith.constant 0 : i32
    %while3A_36 = arith.constant 0 : i32
    %while3A_37 = arith.subi %and3A_35, %while3A : i32
    %while3A_38 = arith.addi %while3A, %while3A_37 : i32
    %while3A_39 = arith.constant 1 : i32
    %while3A_40 = arith.divsi %while3A_37, %while3A_39 : i32
    %while3A_41 = arith.muli %while3A_40, %while3A_39 : i32
    %while3A_42 = arith.addi %while3A, %while3A_41 : i32
    %while3A_43 = arith.constant 1 : i32
    %while3A_44 = scf.for %while3A_47 = %while3A to %while3A_42 step %while3A_43 iter_args(%while3A_48 = %while3A_36) -> (i32)  : i32 {
      %dma_wait3A = arith.constant 0 : i32
      %dma_wait3A_49 = arith.constant 0 : i32
      %dma_wait3A_50 = arith.constant 0 : i32
      %dma_wait3A_51 = tpu.memref_slice %arg10[%dma_wait3A, %dma_wait3A_49, %dma_wait3A_50] : memref<8x16x128xf32, #tpu.memory_space<vmem>> -> memref<1x16x128xf32, #tpu.memory_space<vmem>>
      %dma_wait3A_52 = tpu.memref_squeeze %dma_wait3A_51 : memref<1x16x128xf32, #tpu.memory_space<vmem>> -> memref<16x128xf32, #tpu.memory_space<vmem>>
      %dma_wait3A_53 = arith.constant 0 : i32
      %dma_wait3A_54 = arith.constant 0 : i32
      %dma_wait3A_55 = tpu.memref_slice %arg4[%dma_wait3A_53, %dma_wait3A_54] : memref<16416x128xf32, #tpu.memory_space<hbm>> -> memref<16x128xf32, #tpu.memory_space<hbm>>
      %dma_wait3A_56 = arith.constant 0 : i32
      %dma_wait3A_57 = arith.constant 0 : i32
      %dma_wait3A_58 = tpu.memref_slice %arg4[%dma_wait3A_56, %dma_wait3A_57] : memref<16416x128xf32, #tpu.memory_space<hbm>> -> memref<16x128xf32, #tpu.memory_space<hbm>>
      %dma_wait3A_59 = arith.constant 0 : i32
      %dma_wait3A_60 = arith.constant 0 : i32
      %dma_wait3A_61 = tpu.memref_slice %arg10[%dma_wait3A, %dma_wait3A_59, %dma_wait3A_60] : memref<8x16x128xf32, #tpu.memory_space<vmem>> -> memref<1x16x128xf32, #tpu.memory_space<vmem>>
      %dma_wait3A_62 = tpu.memref_squeeze %dma_wait3A_61 : memref<1x16x128xf32, #tpu.memory_space<vmem>> -> memref<16x128xf32, #tpu.memory_space<vmem>>
      tpu.wait_dma2 semaphore(%arg13 : memref<!tpu.dma_semaphore, #tpu.memory_space<semaphore_mem>>) src(%dma_wait3A_62 : memref<16x128xf32, #tpu.memory_space<vmem>>) dst(%dma_wait3A_58 : memref<16x128xf32, #tpu.memory_space<hbm>>)
      %while3A_63 = arith.constant 0 : i32
      scf.yield %while3A_63 : i32
    }
    %while3A_45 = arith.constant 1 : i32
    %while3A_46 = scf.for %while3A_47 = %while3A_42 to %while3A_38 step %while3A_45 iter_args(%while3A_48 = %while3A_44) -> (i32)  : i32 {
      %dma_wait3A = arith.constant 0 : i32
      %dma_wait3A_49 = arith.constant 0 : i32
      %dma_wait3A_50 = arith.constant 0 : i32
      %dma_wait3A_51 = tpu.memref_slice %arg10[%dma_wait3A, %dma_wait3A_49, %dma_wait3A_50] : memref<8x16x128xf32, #tpu.memory_space<vmem>> -> memref<1x16x128xf32, #tpu.memory_space<vmem>>
      %dma_wait3A_52 = tpu.memref_squeeze %dma_wait3A_51 : memref<1x16x128xf32, #tpu.memory_space<vmem>> -> memref<16x128xf32, #tpu.memory_space<vmem>>
      %dma_wait3A_53 = arith.constant 0 : i32
      %dma_wait3A_54 = arith.constant 0 : i32
      %dma_wait3A_55 = tpu.memref_slice %arg4[%dma_wait3A_53, %dma_wait3A_54] : memref<16416x128xf32, #tpu.memory_space<hbm>> -> memref<16x128xf32, #tpu.memory_space<hbm>>
      %dma_wait3A_56 = arith.constant 0 : i32
      %dma_wait3A_57 = arith.constant 0 : i32
      %dma_wait3A_58 = tpu.memref_slice %arg4[%dma_wait3A_56, %dma_wait3A_57] : memref<16416x128xf32, #tpu.memory_space<hbm>> -> memref<16x128xf32, #tpu.memory_space<hbm>>
      %dma_wait3A_59 = arith.constant 0 : i32
      %dma_wait3A_60 = arith.constant 0 : i32
      %dma_wait3A_61 = tpu.memref_slice %arg10[%dma_wait3A, %dma_wait3A_59, %dma_wait3A_60] : memref<8x16x128xf32, #tpu.memory_space<vmem>> -> memref<1x16x128xf32, #tpu.memory_space<vmem>>
      %dma_wait3A_62 = tpu.memref_squeeze %dma_wait3A_61 : memref<1x16x128xf32, #tpu.memory_space<vmem>> -> memref<16x128xf32, #tpu.memory_space<vmem>>
      tpu.wait_dma2 semaphore(%arg13 : memref<!tpu.dma_semaphore, #tpu.memory_space<semaphore_mem>>) src(%dma_wait3A_62 : memref<16x128xf32, #tpu.memory_space<vmem>>) dst(%dma_wait3A_58 : memref<16x128xf32, #tpu.memory_space<hbm>>)
      %while3A_63 = arith.constant 0 : i32
      scf.yield %while3A_63 : i32
    }
    return
  }
}

#map = affine_map<(d0, d1) -> (0)>
#map1 = affine_map<(d0, d1) -> (0, 0)>
module attributes {stable_mosaic.version = 14 : i64} {
  func.func @_extract_body(%arg0: i32, %arg1: i32, %arg2: memref<16384xi32, #tpu.memory_space<hbm>>, %arg3: memref<64x1000000xf32, #tpu.memory_space<hbm>>, %arg4: memref<16416x128xf32, #tpu.memory_space<hbm>>, %arg5: memref<16384xi32, #tpu.memory_space<vmem>>, %arg6: memref<1008xi32, #tpu.memory_space<vmem>>, %arg7: memref<11904xi32, #tpu.memory_space<vmem>>, %arg8: memref<11904xi32, #tpu.memory_space<vmem>>, %arg9: memref<2x64x512xf32, #tpu.memory_space<vmem>>, %arg10: memref<8x16x128xf32, #tpu.memory_space<vmem>>, %arg11: memref<!tpu.dma_semaphore, #tpu.memory_space<semaphore_mem>>, %arg12: memref<!tpu.dma_semaphore, #tpu.memory_space<semaphore_mem>>, %arg13: memref<!tpu.dma_semaphore, #tpu.memory_space<semaphore_mem>>) attributes {dimension_semantics = [#tpu.dimension_semantics<core_parallel>, #tpu.dimension_semantics<subcore_parallel>], iteration_bounds = array<i64: 2, 16>, scalar_prefetch = 0 : i64, scratch_operands = 9 : i64, tpu.core_type = #tpu.core_type<sc_vector_subcore>, window_params = [{transform_indices = #map}, {transform_indices = #map1}, {transform_indices = #map1}]} {
    %mul3A = arith.constant 2 : i32
    %mul3A_0 = arith.muli %arg1, %mul3A : i32
    %add3A = arith.addi %mul3A_0, %arg0 : i32
    %mul3A_1 = arith.constant 62 : i32
    %mul3A_2 = arith.muli %add3A, %mul3A_1 : i32
    %sub3A = arith.constant 1954 : i32
    %sub3A_3 = arith.subi %sub3A, %mul3A_2 : i32
    %jit3A = arith.constant 0 : i32
    %jit3A_4 = arith.constant 62 : i32
    %max3A = arith.maxsi %jit3A, %sub3A_3 : i32
    %min3A = arith.minsi %jit3A_4, %max3A : i32
    "tpu.region"() ({
      %run_scoped3A = tpu.sem_alloc : memref<!tpu.dma_semaphore, #tpu.memory_space<semaphore_mem>>
      tpu.enqueue_dma source(%arg2 : memref<16384xi32, #tpu.memory_space<hbm>>) target(%arg5 : memref<16384xi32, #tpu.memory_space<vmem>>) target_semaphore(%run_scoped3A : memref<!tpu.dma_semaphore, #tpu.memory_space<semaphore_mem>>)
      tpu.wait_dma2 semaphore(%run_scoped3A : memref<!tpu.dma_semaphore, #tpu.memory_space<semaphore_mem>>) src(%arg2 : memref<16384xi32, #tpu.memory_space<hbm>>) dst(%arg5 : memref<16384xi32, #tpu.memory_space<vmem>>)
      tpu.yield
    }) : () -> ()
    %iota3A = tpu.iota {dimensions = array<i32: 0>} : vector<16xi32>
    %broadcast_in_dim3A = arith.constant 0 : i32
    %broadcast_in_dim3A_5 = vector.broadcast %broadcast_in_dim3A : i32 to vector<16xi32>
    %broadcast_in_dim3A_6 = arith.constant 1 : i32
    %broadcast_in_dim3A_7 = vector.broadcast %broadcast_in_dim3A_6 : i32 to vector<16xi32>
    %scan3A = arith.constant 0 : i32
    %scan3A_8 = arith.constant 0 : i32
    %scan3A_9 = arith.constant 63 : i32
    %scan3A_10 = arith.addi %scan3A_8, %scan3A_9 : i32
    %scan3A_11 = arith.constant 1 : i32
    %scan3A_12 = scf.for %scan3A_47 = %scan3A_8 to %scan3A_10 step %scan3A_11 iter_args(%scan3A_48 = %scan3A) -> (i32)  : i32 {
      %mul3A_49 = arith.constant 16 : i32
      %mul3A_50 = arith.muli %scan3A_47, %mul3A_49 : i32
      %swap3A = arith.index_cast %mul3A_50 : i32 to index
      %swap3A_51 = tpu.vector_load %arg6[%swap3A] {strides = array<i32>} : memref<1008xi32, #tpu.memory_space<vmem>>, vector<16xi32>,
      tpu.vector_store %arg6[%swap3A], %broadcast_in_dim3A_5 {strides = array<i32>} : memref<1008xi32, #tpu.memory_space<vmem>>, vector<16xi32>,
      %scan3A_52 = arith.constant 0 : i32
      scf.yield %scan3A_52 : i32
    }
    %scan3A_13 = arith.constant 63 : i32
    %scan3A_14 = arith.constant 0 : i32
    %scan3A_15 = arith.constant 0 : i32
    %scan3A_16 = arith.constant 1024 : i32
    %scan3A_17 = arith.addi %scan3A_15, %scan3A_16 : i32
    %scan3A_18 = arith.constant 1 : i32
    %scan3A_19 = scf.for %scan3A_47 = %scan3A_15 to %scan3A_17 step %scan3A_18 iter_args(%scan3A_48 = %scan3A_14) -> (i32)  : i32 {
      %mul3A_49 = arith.constant 16 : i32
      %mul3A_50 = arith.muli %scan3A_47, %mul3A_49 : i32
      %get3A = arith.index_cast %mul3A_50 : i32 to index
      %get3A_51 = tpu.vector_load %arg5[%get3A] {strides = array<i32>} : memref<16384xi32, #tpu.memory_space<vmem>>, vector<16xi32>,
      %shift_right_logical3A = arith.constant 9 : i32
      %shift_right_logical3A_52 = vector.broadcast %shift_right_logical3A : i32 to vector<16xi32>
      %shift_right_logical3A_53 = arith.shrui %get3A_51, %shift_right_logical3A_52 : vector<16xi32>
      %sub3A_54 = vector.broadcast %mul3A_2 : i32 to vector<16xi32>
      %sub3A_55 = arith.subi %shift_right_logical3A_53, %sub3A_54 : vector<16xi32>
      %ge3A = arith.constant 0 : i32
      %ge3A_56 = vector.broadcast %ge3A : i32 to vector<16xi32>
      %ge3A_57 = arith.cmpi sge, %sub3A_55, %ge3A_56 : vector<16xi32>
      %lt3A = vector.broadcast %min3A : i32 to vector<16xi32>
      %lt3A_58 = arith.cmpi slt, %sub3A_55, %lt3A : vector<16xi32>
      %and3A_59 = arith.andi %ge3A_57, %lt3A_58 : vector<16xi1>
      %jit3A_60 = arith.constant 0 : i32
      %jit3A_61 = arith.constant 61 : i32
      %max3A_62 = vector.broadcast %jit3A_60 : i32 to vector<16xi32>
      %max3A_63 = arith.maxsi %max3A_62, %sub3A_55 : vector<16xi32>
      %min3A_64 = vector.broadcast %jit3A_61 : i32 to vector<16xi32>
      %min3A_65 = arith.minsi %min3A_64, %max3A_63 : vector<16xi32>
      %mul3A_66 = arith.constant 16 : i32
      %mul3A_67 = vector.broadcast %mul3A_66 : i32 to vector<16xi32>
      %mul3A_68 = arith.muli %min3A_65, %mul3A_67 : vector<16xi32>
      %add3A_69 = arith.addi %mul3A_68, %iota3A : vector<16xi32>
      %gather3A = tpu.vector_load_idx %arg6[%add3A_69] : memref<1008xi32, #tpu.memory_space<vmem>>[vector<16xi32>], vector<16xi32>,
      %min3A_70 = arith.constant 11 : i32
      %min3A_71 = vector.broadcast %min3A_70 : i32 to vector<16xi32>
      %min3A_72 = arith.minsi %gather3A, %min3A_71 : vector<16xi32>
      %mul3A_73 = arith.constant 12 : i32
      %mul3A_74 = vector.broadcast %mul3A_73 : i32 to vector<16xi32>
      %mul3A_75 = arith.muli %min3A_65, %mul3A_74 : vector<16xi32>
      %add3A_76 = arith.addi %mul3A_75, %min3A_72 : vector<16xi32>
      %mul3A_77 = arith.constant 16 : i32
      %mul3A_78 = vector.broadcast %mul3A_77 : i32 to vector<16xi32>
      %mul3A_79 = arith.muli %add3A_76, %mul3A_78 : vector<16xi32>
      %add3A_80 = arith.addi %mul3A_79, %iota3A : vector<16xi32>
      tpu.vector_store_idx %arg7[%add3A_80], %get3A_51 masked %and3A_59 : memref<11904xi32, #tpu.memory_space<vmem>>[vector<16xi32>], vector<16xi32>, vector<16xi1>
      %mul3A_81 = arith.constant 16 : i32
      %mul3A_82 = arith.muli %scan3A_47, %mul3A_81 : i32
      %add3A_83 = vector.broadcast %mul3A_82 : i32 to vector<16xi32>
      %add3A_84 = arith.addi %add3A_83, %iota3A : vector<16xi32>
      tpu.vector_store_idx %arg8[%add3A_80], %add3A_84 masked %and3A_59 : memref<11904xi32, #tpu.memory_space<vmem>>[vector<16xi32>], vector<16xi32>, vector<16xi1>
      tpu.vector_store_idx %arg6[%add3A_69], %broadcast_in_dim3A_7 masked %and3A_59 {add = true} : memref<1008xi32, #tpu.memory_space<vmem>>[vector<16xi32>], vector<16xi32>, vector<16xi1>
      %scan3A_85 = arith.constant 0 : i32
      scf.yield %scan3A_85 : i32
    }
    %scan3A_20 = arith.constant 1024 : i32
    %gt3A = arith.constant 0 : i32
    %gt3A_21 = arith.cmpi sgt, %min3A, %gt3A : i32
    %convert_element_type3A = arith.extui %gt3A_21 : i1 to i32
    %cond3A = arith.constant 0 : i32
    %cond3A_22 = arith.cmpi ne, %convert_element_type3A, %cond3A : i32
    scf.if %cond3A_22 {
      %add3A_47 = arith.constant 0 : i32
      %add3A_48 = arith.addi %mul3A_2, %add3A_47 : i32
      %mul3A_49 = arith.constant 512 : i32
      %mul3A_50 = arith.muli %add3A_48, %mul3A_49 : i32
      %min3A_51 = arith.constant 999552 : i32
      %min3A_52 = arith.minsi %mul3A_50, %min3A_51 : i32
      %dma_start3A = arith.constant 0 : i32
      %dma_start3A_53 = arith.constant 0 : i32
      %dma_start3A_54 = arith.constant 0 : i32
      %dma_start3A_55 = tpu.memref_slice %arg9[%dma_start3A, %dma_start3A_53, %dma_start3A_54] : memref<2x64x512xf32, #tpu.memory_space<vmem>> -> memref<1x64x512xf32, #tpu.memory_space<vmem>>
      %dma_start3A_56 = tpu.memref_squeeze %dma_start3A_55 : memref<1x64x512xf32, #tpu.memory_space<vmem>> -> memref<64x512xf32, #tpu.memory_space<vmem>>
      %dma_start3A_57 = arith.constant 0 : i32
      %dma_start3A_58 = tpu.memref_slice %arg3[%dma_start3A_57, %min3A_52] : memref<64x1000000xf32, #tpu.memory_space<hbm>> -> memref<64x512xf32, #tpu.memory_space<hbm>>
      %dma_start3A_59 = arith.constant 0 : i32
      %dma_start3A_60 = arith.constant 0 : i32
      %dma_start3A_61 = tpu.memref_slice %arg9[%dma_start3A, %dma_start3A_59, %dma_start3A_60] : memref<2x64x512xf32, #tpu.memory_space<vmem>> -> memref<1x64x512xf32, #tpu.memory_space<vmem>>
      %dma_start3A_62 = tpu.memref_squeeze %dma_start3A_61 : memref<1x64x512xf32, #tpu.memory_space<vmem>> -> memref<64x512xf32, #tpu.memory_space<vmem>>
      %dma_start3A_63 = arith.constant 0 : i32
      %dma_start3A_64 = tpu.memref_slice %arg3[%dma_start3A_63, %min3A_52] : memref<64x1000000xf32, #tpu.memory_space<hbm>> -> memref<64x512xf32, #tpu.memory_space<hbm>>
      tpu.enqueue_dma source(%dma_start3A_64 : memref<64x512xf32, #tpu.memory_space<hbm>>) target(%dma_start3A_62 : memref<64x512xf32, #tpu.memory_space<vmem>>) target_semaphore(%arg11 : memref<!tpu.dma_semaphore, #tpu.memory_space<semaphore_mem>>)
    } else {
    }
    %gt3A_23 = arith.constant 1 : i32
    %gt3A_24 = arith.cmpi sgt, %min3A, %gt3A_23 : i32
    %convert_element_type3A_25 = arith.extui %gt3A_24 : i1 to i32
    %cond3A_26 = arith.constant 0 : i32
    %cond3A_27 = arith.cmpi ne, %convert_element_type3A_25, %cond3A_26 : i32
    scf.if %cond3A_27 {
      %add3A_47 = arith.constant 1 : i32
      %add3A_48 = arith.addi %mul3A_2, %add3A_47 : i32
      %mul3A_49 = arith.constant 512 : i32
      %mul3A_50 = arith.muli %add3A_48, %mul3A_49 : i32
      %min3A_51 = arith.constant 999552 : i32
      %min3A_52 = arith.minsi %mul3A_50, %min3A_51 : i32
      %dma_start3A = arith.constant 1 : i32
      %dma_start3A_53 = arith.constant 0 : i32
      %dma_start3A_54 = arith.constant 0 : i32
      %dma_start3A_55 = tpu.memref_slice %arg9[%dma_start3A, %dma_start3A_53, %dma_start3A_54] : memref<2x64x512xf32, #tpu.memory_space<vmem>> -> memref<1x64x512xf32, #tpu.memory_space<vmem>>
      %dma_start3A_56 = tpu.memref_squeeze %dma_start3A_55 : memref<1x64x512xf32, #tpu.memory_space<vmem>> -> memref<64x512xf32, #tpu.memory_space<vmem>>
      %dma_start3A_57 = arith.constant 0 : i32
      %dma_start3A_58 = tpu.memref_slice %arg3[%dma_start3A_57, %min3A_52] : memref<64x1000000xf32, #tpu.memory_space<hbm>> -> memref<64x512xf32, #tpu.memory_space<hbm>>
      %dma_start3A_59 = arith.constant 0 : i32
      %dma_start3A_60 = arith.constant 0 : i32
      %dma_start3A_61 = tpu.memref_slice %arg9[%dma_start3A, %dma_start3A_59, %dma_start3A_60] : memref<2x64x512xf32, #tpu.memory_space<vmem>> -> memref<1x64x512xf32, #tpu.memory_space<vmem>>
      %dma_start3A_62 = tpu.memref_squeeze %dma_start3A_61 : memref<1x64x512xf32, #tpu.memory_space<vmem>> -> memref<64x512xf32, #tpu.memory_space<vmem>>
      %dma_start3A_63 = arith.constant 0 : i32
      %dma_start3A_64 = tpu.memref_slice %arg3[%dma_start3A_63, %min3A_52] : memref<64x1000000xf32, #tpu.memory_space<hbm>> -> memref<64x512xf32, #tpu.memory_space<hbm>>
      tpu.enqueue_dma source(%dma_start3A_64 : memref<64x512xf32, #tpu.memory_space<hbm>>) target(%dma_start3A_62 : memref<64x512xf32, #tpu.memory_space<vmem>>) target_semaphore(%arg12 : memref<!tpu.dma_semaphore, #tpu.memory_space<semaphore_mem>>)
    } else {
    }
    %scan3A_28 = arith.constant 0 : i32
    %scan3A_29 = arith.constant 0 : i32
    %scan3A_30 = arith.constant 31 : i32
    %scan3A_31 = arith.addi %scan3A_29, %scan3A_30 : i32
    %scan3A_32 = arith.constant 1 : i32
    %scan3A_33 = scf.for %scan3A_47 = %scan3A_29 to %scan3A_31 step %scan3A_32 iter_args(%scan3A_48 = %scan3A_28) -> (i32)  : i32 {
      %mul3A_49 = arith.constant 2 : i32
      %mul3A_50 = arith.muli %scan3A_47, %mul3A_49 : i32
      %add3A_51 = arith.constant 0 : i32
      %add3A_52 = arith.addi %mul3A_50, %add3A_51 : i32
      %lt3A = arith.cmpi slt, %add3A_52, %min3A : i32
      %convert_element_type3A_53 = arith.extui %lt3A : i1 to i32
      %cond3A_54 = arith.constant 0 : i32
      %cond3A_55 = arith.cmpi ne, %convert_element_type3A_53, %cond3A_54 : i32
      scf.if %cond3A_55 {
        %dma_wait3A = arith.constant 0 : i32
        %dma_wait3A_134 = arith.constant 0 : i32
        %dma_wait3A_135 = arith.constant 0 : i32
        %dma_wait3A_136 = tpu.memref_slice %arg9[%dma_wait3A, %dma_wait3A_134, %dma_wait3A_135] : memref<2x64x512xf32, #tpu.memory_space<vmem>> -> memref<1x64x512xf32, #tpu.memory_space<vmem>>
        %dma_wait3A_137 = tpu.memref_squeeze %dma_wait3A_136 : memref<1x64x512xf32, #tpu.memory_space<vmem>> -> memref<64x512xf32, #tpu.memory_space<vmem>>
        %dma_wait3A_138 = arith.constant 0 : i32
        %dma_wait3A_139 = arith.constant 0 : i32
        %dma_wait3A_140 = tpu.memref_slice %arg3[%dma_wait3A_138, %dma_wait3A_139] : memref<64x1000000xf32, #tpu.memory_space<hbm>> -> memref<64x512xf32, #tpu.memory_space<hbm>>
        %dma_wait3A_141 = arith.constant 0 : i32
        %dma_wait3A_142 = arith.constant 0 : i32
        %dma_wait3A_143 = tpu.memref_slice %arg9[%dma_wait3A, %dma_wait3A_141, %dma_wait3A_142] : memref<2x64x512xf32, #tpu.memory_space<vmem>> -> memref<1x64x512xf32, #tpu.memory_space<vmem>>
        %dma_wait3A_144 = tpu.memref_squeeze %dma_wait3A_143 : memref<1x64x512xf32, #tpu.memory_space<vmem>> -> memref<64x512xf32, #tpu.memory_space<vmem>>
        %dma_wait3A_145 = arith.constant 0 : i32
        %dma_wait3A_146 = arith.constant 0 : i32
        %dma_wait3A_147 = tpu.memref_slice %arg3[%dma_wait3A_145, %dma_wait3A_146] : memref<64x1000000xf32, #tpu.memory_space<hbm>> -> memref<64x512xf32, #tpu.memory_space<hbm>>
        tpu.wait_dma2 semaphore(%arg11 : memref<!tpu.dma_semaphore, #tpu.memory_space<semaphore_mem>>) src(%dma_wait3A_147 : memref<64x512xf32, #tpu.memory_space<hbm>>) dst(%dma_wait3A_144 : memref<64x512xf32, #tpu.memory_space<vmem>>)
      } else {
      }
      %mul3A_56 = arith.constant 16 : i32
      %mul3A_57 = arith.muli %add3A_52, %mul3A_56 : i32
      %get3A = arith.index_cast %mul3A_57 : i32 to index
      %get3A_58 = tpu.vector_load %arg6[%get3A] {strides = array<i32>} : memref<1008xi32, #tpu.memory_space<vmem>>, vector<16xi32>,
      %reduce_max3A = arith.constant true
      %reduce_max3A_59 = vector.broadcast %reduce_max3A : i1 to vector<16xi1>
      %reduce_max3A_60 = arith.constant -2147483648 : i32
      %reduce_max3A_61 = vector.broadcast %reduce_max3A_60 : i32 to vector<16xi32>
      %reduce_max3A_62 = arith.xori %get3A_58, %reduce_max3A_61 : vector<16xi32>
      %reduce_max3A_63 = tpu.scan <max>, %reduce_max3A_62 masked %reduce_max3A_59 : vector<16xi32>, vector<16xi1> -> vector<16xi32>
      %reduce_max3A_64 = arith.xori %reduce_max3A_63, %reduce_max3A_61 : vector<16xi32>
      %reduce_max3A_65 = vector.extract %reduce_max3A_64[15] : i32 from vector<16xi32>
      %broadcast_in_dim3A_66 = arith.constant 0 : i32
      %broadcast_in_dim3A_67 = vector.broadcast %broadcast_in_dim3A_66 : i32 to vector<16xi32>
      %add3A_68 = arith.addi %mul3A_2, %add3A_52 : i32
      %mul3A_69 = arith.constant 512 : i32
      %mul3A_70 = arith.muli %add3A_68, %mul3A_69 : i32
      %min3A_71 = arith.constant 999552 : i32
      %min3A_72 = arith.minsi %mul3A_70, %min3A_71 : i32
      %while3A_73 = arith.constant 0 : i32
      %while3A_74 = arith.subi %reduce_max3A_65, %while3A_73 : i32
      %while3A_75 = arith.addi %while3A_73, %while3A_74 : i32
      %while3A_76 = arith.constant 1 : i32
      %while3A_77 = arith.divsi %while3A_74, %while3A_76 : i32
      %while3A_78 = arith.muli %while3A_77, %while3A_76 : i32
      %while3A_79 = arith.addi %while3A_73, %while3A_78 : i32
      %while3A_80 = arith.constant 1 : i32
      %while3A_81 = scf.for %while3A_134 = %while3A_73 to %while3A_79 step %while3A_80 iter_args(%while3A_135 = %scan3A_48) -> (i32)  : i32 {
        %mul3A_136 = arith.constant 12 : i32
        %mul3A_137 = arith.muli %add3A_52, %mul3A_136 : i32
        %add3A_138 = arith.addi %mul3A_137, %while3A_134 : i32
        %mul3A_139 = arith.constant 16 : i32
        %mul3A_140 = arith.muli %add3A_138, %mul3A_139 : i32
        %get3A_141 = arith.index_cast %mul3A_140 : i32 to index
        %get3A_142 = tpu.vector_load %arg7[%get3A_141] {strides = array<i32>} : memref<11904xi32, #tpu.memory_space<vmem>>, vector<16xi32>,
        %mul3A_143 = arith.constant 12 : i32
        %mul3A_144 = arith.muli %add3A_52, %mul3A_143 : i32
        %add3A_145 = arith.addi %mul3A_144, %while3A_134 : i32
        %mul3A_146 = arith.constant 16 : i32
        %mul3A_147 = arith.muli %add3A_145, %mul3A_146 : i32
        %get3A_148 = arith.index_cast %mul3A_147 : i32 to index
        %get3A_149 = tpu.vector_load %arg8[%get3A_148] {strides = array<i32>} : memref<11904xi32, #tpu.memory_space<vmem>>, vector<16xi32>,
        %gt3A_150 = vector.broadcast %while3A_134 : i32 to vector<16xi32>
        %gt3A_151 = arith.cmpi sgt, %get3A_58, %gt3A_150 : vector<16xi32>
        %select_n3A = arith.select %gt3A_151, %broadcast_in_dim3A_5, %broadcast_in_dim3A_7 : vector<16xi1>, vector<16xi32>
        %masked_sort3A = arith.constant dense<true> : vector<16xi1>
        %masked_sort3A_152 = arith.constant -2147483648 : i32
        %masked_sort3A_153 = vector.broadcast %masked_sort3A_152 : i32 to vector<16xi32>
        %masked_sort3A_154 = arith.xori %select_n3A, %masked_sort3A_153 : vector<16xi32>
        %masked_sort3A_155, %masked_sort3A_156, %masked_sort3A_157 = tpu.sort %masked_sort3A_154, %get3A_142 masked %masked_sort3A : (vector<16xi32>, vector<16xi32>, vector<16xi1>) -> (vector<16xi1>, vector<16xi32>, vector<16xi32>)
        %masked_sort3A_158 = arith.xori %masked_sort3A_156, %masked_sort3A_153 : vector<16xi32>
        %masked_sort3A_159 = arith.constant dense<true> : vector<16xi1>
        %masked_sort3A_160 = arith.constant -2147483648 : i32
        %masked_sort3A_161 = vector.broadcast %masked_sort3A_160 : i32 to vector<16xi32>
        %masked_sort3A_162 = arith.xori %select_n3A, %masked_sort3A_161 : vector<16xi32>
        %masked_sort3A_163, %masked_sort3A_164, %masked_sort3A_165 = tpu.sort %masked_sort3A_162, %get3A_149 masked %masked_sort3A_159 : (vector<16xi32>, vector<16xi32>, vector<16xi1>) -> (vector<16xi1>, vector<16xi32>, vector<16xi32>)
        %masked_sort3A_166 = arith.xori %masked_sort3A_164, %masked_sort3A_161 : vector<16xi32>
        %select_n3A_167 = arith.select %gt3A_151, %broadcast_in_dim3A_7, %broadcast_in_dim3A_5 : vector<16xi1>, vector<16xi32>
        %reduce_sum3A = arith.constant true
        %reduce_sum3A_168 = vector.broadcast %reduce_sum3A : i1 to vector<16xi1>
        %reduce_sum3A_169 = tpu.scan <sum>, %select_n3A_167 masked %reduce_sum3A_168 : vector<16xi32>, vector<16xi1> -> vector<16xi32>
        %reduce_sum3A_170 = vector.extract %reduce_sum3A_169[15] : i32 from vector<16xi32>
        %sub3A_171 = vector.broadcast %min3A_72 : i32 to vector<16xi32>
        %sub3A_172 = arith.subi %masked_sort3A_157, %sub3A_171 : vector<16xi32>
        %jit3A_173 = arith.constant 0 : i32
        %jit3A_174 = arith.constant 511 : i32
        %max3A_175 = vector.broadcast %jit3A_173 : i32 to vector<16xi32>
        %max3A_176 = arith.maxsi %max3A_175, %sub3A_172 : vector<16xi32>
        %min3A_177 = vector.broadcast %jit3A_174 : i32 to vector<16xi32>
        %min3A_178 = arith.minsi %min3A_177, %max3A_176 : vector<16xi32>
        %and3A_179 = arith.constant 7 : i32
        %and3A_180 = arith.andi %while3A_135, %and3A_179 : i32
        %while3A_181 = arith.constant 0 : i32
        %while3A_182 = arith.constant 0 : i32
        %while3A_183 = arith.subi %reduce_sum3A_170, %while3A_181 : i32
        %while3A_184 = arith.addi %while3A_181, %while3A_183 : i32
        %while3A_185 = arith.constant 1 : i32
        %while3A_186 = arith.divsi %while3A_183, %while3A_185 : i32
        %while3A_187 = arith.muli %while3A_186, %while3A_185 : i32
        %while3A_188 = arith.addi %while3A_181, %while3A_187 : i32
        %while3A_189 = arith.constant 1 : i32
        %while3A_190 = scf.for %while3A_213 = %while3A_181 to %while3A_188 step %while3A_189 iter_args(%while3A_214 = %while3A_182) -> (i32)  : i32 {
          %broadcast_in_dim3A_215 = vector.broadcast %while3A_213 : i32 to vector<16x1xi32>
          %gather3A = vector.shape_cast %broadcast_in_dim3A_215 : vector<16x1xi32> to vector<16xi32>
          %gather3A_216 = tpu.dynamic_gather %min3A_178[%gather3A] in [0] : vector<16xi32>, vector<16xi32> -> vector<16xi32>
          %add3A_217 = arith.constant 0 : i32
          %add3A_218 = vector.broadcast %add3A_217 : i32 to vector<16xi32>
          %add3A_219 = arith.addi %add3A_218, %iota3A : vector<16xi32>
          %gather3A_220 = tpu.vector_load_idx %arg9[%broadcast_in_dim3A_67, %add3A_219, %gather3A_216] : memref<2x64x512xf32, #tpu.memory_space<vmem>>[vector<16xi32>, vector<16xi32>, vector<16xi32>], vector<16xf32>,
          %swap3A = arith.index_cast %and3A_180 : i32 to index
          %swap3A_221 = arith.index_cast %while3A_213 : i32 to index
          %swap3A_222 = arith.constant 0 : index
          %swap3A_223 = tpu.vector_load %arg10[%swap3A, %swap3A_221, %swap3A_222] {strides = array<i32>} : memref<8x16x128xf32, #tpu.memory_space<vmem>>, vector<16xf32>,
          tpu.vector_store %arg10[%swap3A, %swap3A_221, %swap3A_222], %gather3A_220 {strides = array<i32>} : memref<8x16x128xf32, #tpu.memory_space<vmem>>, vector<16xf32>,
          %add3A_224 = arith.constant 16 : i32
          %add3A_225 = vector.broadcast %add3A_224 : i32 to vector<16xi32>
          %add3A_226 = arith.addi %add3A_225, %iota3A : vector<16xi32>
          %gather3A_227 = tpu.vector_load_idx %arg9[%broadcast_in_dim3A_67, %add3A_226, %gather3A_216] : memref<2x64x512xf32, #tpu.memory_space<vmem>>[vector<16xi32>, vector<16xi32>, vector<16xi32>], vector<16xf32>,
          %swap3A_228 = arith.index_cast %and3A_180 : i32 to index
          %swap3A_229 = arith.index_cast %while3A_213 : i32 to index
          %swap3A_230 = arith.constant 16 : index
          %swap3A_231 = tpu.vector_load %arg10[%swap3A_228, %swap3A_229, %swap3A_230] {strides = array<i32>} : memref<8x16x128xf32, #tpu.memory_space<vmem>>, vector<16xf32>,
          tpu.vector_store %arg10[%swap3A_228, %swap3A_229, %swap3A_230], %gather3A_227 {strides = array<i32>} : memref<8x16x128xf32, #tpu.memory_space<vmem>>, vector<16xf32>,
          %add3A_232 = arith.constant 32 : i32
          %add3A_233 = vector.broadcast %add3A_232 : i32 to vector<16xi32>
          %add3A_234 = arith.addi %add3A_233, %iota3A : vector<16xi32>
          %gather3A_235 = tpu.vector_load_idx %arg9[%broadcast_in_dim3A_67, %add3A_234, %gather3A_216] : memref<2x64x512xf32, #tpu.memory_space<vmem>>[vector<16xi32>, vector<16xi32>, vector<16xi32>], vector<16xf32>,
          %swap3A_236 = arith.index_cast %and3A_180 : i32 to index
          %swap3A_237 = arith.index_cast %while3A_213 : i32 to index
          %swap3A_238 = arith.constant 32 : index
          %swap3A_239 = tpu.vector_load %arg10[%swap3A_236, %swap3A_237, %swap3A_238] {strides = array<i32>} : memref<8x16x128xf32, #tpu.memory_space<vmem>>, vector<16xf32>,
          tpu.vector_store %arg10[%swap3A_236, %swap3A_237, %swap3A_238], %gather3A_235 {strides = array<i32>} : memref<8x16x128xf32, #tpu.memory_space<vmem>>, vector<16xf32>,
          %add3A_240 = arith.constant 48 : i32
          %add3A_241 = vector.broadcast %add3A_240 : i32 to vector<16xi32>
          %add3A_242 = arith.addi %add3A_241, %iota3A : vector<16xi32>
          %gather3A_243 = tpu.vector_load_idx %arg9[%broadcast_in_dim3A_67, %add3A_242, %gather3A_216] : memref<2x64x512xf32, #tpu.memory_space<vmem>>[vector<16xi32>, vector<16xi32>, vector<16xi32>], vector<16xf32>,
          %swap3A_244 = arith.index_cast %and3A_180 : i32 to index
          %swap3A_245 = arith.index_cast %while3A_213 : i32 to index
          %swap3A_246 = arith.constant 48 : index
          %swap3A_247 = tpu.vector_load %arg10[%swap3A_244, %swap3A_245, %swap3A_246] {strides = array<i32>} : memref<8x16x128xf32, #tpu.memory_space<vmem>>, vector<16xf32>,
          tpu.vector_store %arg10[%swap3A_244, %swap3A_245, %swap3A_246], %gather3A_243 {strides = array<i32>} : memref<8x16x128xf32, #tpu.memory_space<vmem>>, vector<16xf32>,
          %while3A_248 = arith.constant 0 : i32
          scf.yield %while3A_248 : i32
        }
        %while3A_191 = arith.constant 1 : i32
        %while3A_192 = scf.for %while3A_213 = %while3A_188 to %while3A_184 step %while3A_191 iter_args(%while3A_214 = %while3A_190) -> (i32)  : i32 {
          %broadcast_in_dim3A_215 = vector.broadcast %while3A_213 : i32 to vector<16x1xi32>
          %gather3A = vector.shape_cast %broadcast_in_dim3A_215 : vector<16x1xi32> to vector<16xi32>
          %gather3A_216 = tpu.dynamic_gather %min3A_178[%gather3A] in [0] : vector<16xi32>, vector<16xi32> -> vector<16xi32>
          %add3A_217 = arith.constant 0 : i32
          %add3A_218 = vector.broadcast %add3A_217 : i32 to vector<16xi32>
          %add3A_219 = arith.addi %add3A_218, %iota3A : vector<16xi32>
          %gather3A_220 = tpu.vector_load_idx %arg9[%broadcast_in_dim3A_67, %add3A_219, %gather3A_216] : memref<2x64x512xf32, #tpu.memory_space<vmem>>[vector<16xi32>, vector<16xi32>, vector<16xi32>], vector<16xf32>,
          %swap3A = arith.index_cast %and3A_180 : i32 to index
          %swap3A_221 = arith.index_cast %while3A_213 : i32 to index
          %swap3A_222 = arith.constant 0 : index
          %swap3A_223 = tpu.vector_load %arg10[%swap3A, %swap3A_221, %swap3A_222] {strides = array<i32>} : memref<8x16x128xf32, #tpu.memory_space<vmem>>, vector<16xf32>,
          tpu.vector_store %arg10[%swap3A, %swap3A_221, %swap3A_222], %gather3A_220 {strides = array<i32>} : memref<8x16x128xf32, #tpu.memory_space<vmem>>, vector<16xf32>,
          %add3A_224 = arith.constant 16 : i32
          %add3A_225 = vector.broadcast %add3A_224 : i32 to vector<16xi32>
          %add3A_226 = arith.addi %add3A_225, %iota3A : vector<16xi32>
          %gather3A_227 = tpu.vector_load_idx %arg9[%broadcast_in_dim3A_67, %add3A_226, %gather3A_216] : memref<2x64x512xf32, #tpu.memory_space<vmem>>[vector<16xi32>, vector<16xi32>, vector<16xi32>], vector<16xf32>,
          %swap3A_228 = arith.index_cast %and3A_180 : i32 to index
          %swap3A_229 = arith.index_cast %while3A_213 : i32 to index
          %swap3A_230 = arith.constant 16 : index
          %swap3A_231 = tpu.vector_load %arg10[%swap3A_228, %swap3A_229, %swap3A_230] {strides = array<i32>} : memref<8x16x128xf32, #tpu.memory_space<vmem>>, vector<16xf32>,
          tpu.vector_store %arg10[%swap3A_228, %swap3A_229, %swap3A_230], %gather3A_227 {strides = array<i32>} : memref<8x16x128xf32, #tpu.memory_space<vmem>>, vector<16xf32>,
          %add3A_232 = arith.constant 32 : i32
          %add3A_233 = vector.broadcast %add3A_232 : i32 to vector<16xi32>
          %add3A_234 = arith.addi %add3A_233, %iota3A : vector<16xi32>
          %gather3A_235 = tpu.vector_load_idx %arg9[%broadcast_in_dim3A_67, %add3A_234, %gather3A_216] : memref<2x64x512xf32, #tpu.memory_space<vmem>>[vector<16xi32>, vector<16xi32>, vector<16xi32>], vector<16xf32>,
          %swap3A_236 = arith.index_cast %and3A_180 : i32 to index
          %swap3A_237 = arith.index_cast %while3A_213 : i32 to index
          %swap3A_238 = arith.constant 32 : index
          %swap3A_239 = tpu.vector_load %arg10[%swap3A_236, %swap3A_237, %swap3A_238] {strides = array<i32>} : memref<8x16x128xf32, #tpu.memory_space<vmem>>, vector<16xf32>,
          tpu.vector_store %arg10[%swap3A_236, %swap3A_237, %swap3A_238], %gather3A_235 {strides = array<i32>} : memref<8x16x128xf32, #tpu.memory_space<vmem>>, vector<16xf32>,
          %add3A_240 = arith.constant 48 : i32
          %add3A_241 = vector.broadcast %add3A_240 : i32 to vector<16xi32>
          %add3A_242 = arith.addi %add3A_241, %iota3A : vector<16xi32>
          %gather3A_243 = tpu.vector_load_idx %arg9[%broadcast_in_dim3A_67, %add3A_242, %gather3A_216] : memref<2x64x512xf32, #tpu.memory_space<vmem>>[vector<16xi32>, vector<16xi32>, vector<16xi32>], vector<16xf32>,
          %swap3A_244 = arith.index_cast %and3A_180 : i32 to index
          %swap3A_245 = arith.index_cast %while3A_213 : i32 to index
          %swap3A_246 = arith.constant 48 : index
          %swap3A_247 = tpu.vector_load %arg10[%swap3A_244, %swap3A_245, %swap3A_246] {strides = array<i32>} : memref<8x16x128xf32, #tpu.memory_space<vmem>>, vector<16xf32>,
          tpu.vector_store %arg10[%swap3A_244, %swap3A_245, %swap3A_246], %gather3A_243 {strides = array<i32>} : memref<8x16x128xf32, #tpu.memory_space<vmem>>, vector<16xf32>,
          %while3A_248 = arith.constant 0 : i32
          scf.yield %while3A_248 : i32
        }
        %lt3A_193 = vector.broadcast %reduce_sum3A_170 : i32 to vector<16xi32>
        %lt3A_194 = arith.cmpi slt, %iota3A, %lt3A_193 : vector<16xi32>
        %add3A_195 = arith.constant 16384 : i32
        %add3A_196 = arith.addi %add3A_195, %add3A : i32
        %broadcast_in_dim3A_197 = vector.broadcast %add3A_196 : i32 to vector<16xi32>
        %select_n3A_198 = arith.select %lt3A_194, %masked_sort3A_165, %broadcast_in_dim3A_197 : vector<16xi1>, vector<16xi32>
        %dma_start3A = arith.constant 0 : i32
        %dma_start3A_199 = arith.constant 0 : i32
        %dma_start3A_200 = tpu.memref_slice %arg10[%and3A_180, %dma_start3A, %dma_start3A_199] : memref<8x16x128xf32, #tpu.memory_space<vmem>> -> memref<1x16x128xf32, #tpu.memory_space<vmem>>
        %dma_start3A_201 = tpu.memref_squeeze %dma_start3A_200 : memref<1x16x128xf32, #tpu.memory_space<vmem>> -> memref<16x128xf32, #tpu.memory_space<vmem>>
        %dma_start3A_202 = arith.constant 0 : i32
        %dma_start3A_203 = arith.constant 0 : i32
        %dma_start3A_204 = tpu.memref_slice %arg4[%dma_start3A_202, %dma_start3A_203] : memref<16416x128xf32, #tpu.memory_space<hbm>> -> memref<16416x128xf32, #tpu.memory_space<hbm>>
        tpu.enqueue_indirect_dma source(%dma_start3A_201 : memref<16x128xf32, #tpu.memory_space<vmem>>) target(%dma_start3A_204 : memref<16416x128xf32, #tpu.memory_space<hbm>>) offsets(%select_n3A_198 : vector<16xi32>) semaphore(%arg13 : memref<!tpu.dma_semaphore, #tpu.memory_space<semaphore_mem>>)
        %and3A_205 = arith.constant 7 : i32
        %and3A_206 = arith.andi %while3A_135, %and3A_205 : i32
        %eq3A = arith.constant 7 : i32
        %eq3A_207 = arith.cmpi eq, %and3A_206, %eq3A : i32
        %convert_element_type3A_208 = arith.extui %eq3A_207 : i1 to i32
        %cond3A_209 = arith.constant 0 : i32
        %cond3A_210 = arith.cmpi ne, %convert_element_type3A_208, %cond3A_209 : i32
        scf.if %cond3A_210 {
          %scan3A_213 = arith.constant 0 : i32
          %scan3A_214 = arith.constant 0 : i32
          %scan3A_215 = arith.constant 8 : i32
          %scan3A_216 = arith.addi %scan3A_214, %scan3A_215 : i32
          %scan3A_217 = arith.constant 1 : i32
          %scan3A_218 = scf.for %scan3A_220 = %scan3A_214 to %scan3A_216 step %scan3A_217 iter_args(%scan3A_221 = %scan3A_213) -> (i32)  : i32 {
            %dma_wait3A = arith.constant 0 : i32
            %dma_wait3A_222 = arith.constant 0 : i32
            %dma_wait3A_223 = arith.constant 0 : i32
            %dma_wait3A_224 = tpu.memref_slice %arg10[%dma_wait3A, %dma_wait3A_222, %dma_wait3A_223] : memref<8x16x128xf32, #tpu.memory_space<vmem>> -> memref<1x16x128xf32, #tpu.memory_space<vmem>>
            %dma_wait3A_225 = tpu.memref_squeeze %dma_wait3A_224 : memref<1x16x128xf32, #tpu.memory_space<vmem>> -> memref<16x128xf32, #tpu.memory_space<vmem>>
            %dma_wait3A_226 = arith.constant 0 : i32
            %dma_wait3A_227 = arith.constant 0 : i32
            %dma_wait3A_228 = tpu.memref_slice %arg4[%dma_wait3A_226, %dma_wait3A_227] : memref<16416x128xf32, #tpu.memory_space<hbm>> -> memref<16x128xf32, #tpu.memory_space<hbm>>
            %dma_wait3A_229 = arith.constant 0 : i32
            %dma_wait3A_230 = arith.constant 0 : i32
            %dma_wait3A_231 = tpu.memref_slice %arg4[%dma_wait3A_229, %dma_wait3A_230] : memref<16416x128xf32, #tpu.memory_space<hbm>> -> memref<16x128xf32, #tpu.memory_space<hbm>>
            %dma_wait3A_232 = arith.constant 0 : i32
            %dma_wait3A_233 = arith.constant 0 : i32
            %dma_wait3A_234 = tpu.memref_slice %arg10[%dma_wait3A, %dma_wait3A_232, %dma_wait3A_233] : memref<8x16x128xf32, #tpu.memory_space<vmem>> -> memref<1x16x128xf32, #tpu.memory_space<vmem>>
            %dma_wait3A_235 = tpu.memref_squeeze %dma_wait3A_234 : memref<1x16x128xf32, #tpu.memory_space<vmem>> -> memref<16x128xf32, #tpu.memory_space<vmem>>
            tpu.wait_dma2 semaphore(%arg13 : memref<!tpu.dma_semaphore, #tpu.memory_space<semaphore_mem>>) src(%dma_wait3A_235 : memref<16x128xf32, #tpu.memory_space<vmem>>) dst(%dma_wait3A_231 : memref<16x128xf32, #tpu.memory_space<hbm>>)
            %scan3A_236 = arith.constant 0 : i32
            scf.yield %scan3A_236 : i32
          }
          %scan3A_219 = arith.constant 8 : i32
        } else {
        }
        %add3A_211 = arith.constant 1 : i32
        %add3A_212 = arith.addi %while3A_135, %add3A_211 : i32
        scf.yield %add3A_212 : i32
      }
      %while3A_82 = arith.constant 1 : i32
      %while3A_83 = scf.for %while3A_134 = %while3A_79 to %while3A_75 step %while3A_82 iter_args(%while3A_135 = %while3A_81) -> (i32)  : i32 {
        %mul3A_136 = arith.constant 12 : i32
        %mul3A_137 = arith.muli %add3A_52, %mul3A_136 : i32
        %add3A_138 = arith.addi %mul3A_137, %while3A_134 : i32
        %mul3A_139 = arith.constant 16 : i32
        %mul3A_140 = arith.muli %add3A_138, %mul3A_139 : i32
        %get3A_141 = arith.index_cast %mul3A_140 : i32 to index
        %get3A_142 = tpu.vector_load %arg7[%get3A_141] {strides = array<i32>} : memref<11904xi32, #tpu.memory_space<vmem>>, vector<16xi32>,
        %mul3A_143 = arith.constant 12 : i32
        %mul3A_144 = arith.muli %add3A_52, %mul3A_143 : i32
        %add3A_145 = arith.addi %mul3A_144, %while3A_134 : i32
        %mul3A_146 = arith.constant 16 : i32
        %mul3A_147 = arith.muli %add3A_145, %mul3A_146 : i32
        %get3A_148 = arith.index_cast %mul3A_147 : i32 to index
        %get3A_149 = tpu.vector_load %arg8[%get3A_148] {strides = array<i32>} : memref<11904xi32, #tpu.memory_space<vmem>>, vector<16xi32>,
        %gt3A_150 = vector.broadcast %while3A_134 : i32 to vector<16xi32>
        %gt3A_151 = arith.cmpi sgt, %get3A_58, %gt3A_150 : vector<16xi32>
        %select_n3A = arith.select %gt3A_151, %broadcast_in_dim3A_5, %broadcast_in_dim3A_7 : vector<16xi1>, vector<16xi32>
        %masked_sort3A = arith.constant dense<true> : vector<16xi1>
        %masked_sort3A_152 = arith.constant -2147483648 : i32
        %masked_sort3A_153 = vector.broadcast %masked_sort3A_152 : i32 to vector<16xi32>
        %masked_sort3A_154 = arith.xori %select_n3A, %masked_sort3A_153 : vector<16xi32>
        %masked_sort3A_155, %masked_sort3A_156, %masked_sort3A_157 = tpu.sort %masked_sort3A_154, %get3A_142 masked %masked_sort3A : (vector<16xi32>, vector<16xi32>, vector<16xi1>) -> (vector<16xi1>, vector<16xi32>, vector<16xi32>)
        %masked_sort3A_158 = arith.xori %masked_sort3A_156, %masked_sort3A_153 : vector<16xi32>
        %masked_sort3A_159 = arith.constant dense<true> : vector<16xi1>
        %masked_sort3A_160 = arith.constant -2147483648 : i32
        %masked_sort3A_161 = vector.broadcast %masked_sort3A_160 : i32 to vector<16xi32>
        %masked_sort3A_162 = arith.xori %select_n3A, %masked_sort3A_161 : vector<16xi32>
        %masked_sort3A_163, %masked_sort3A_164, %masked_sort3A_165 = tpu.sort %masked_sort3A_162, %get3A_149 masked %masked_sort3A_159 : (vector<16xi32>, vector<16xi32>, vector<16xi1>) -> (vector<16xi1>, vector<16xi32>, vector<16xi32>)
        %masked_sort3A_166 = arith.xori %masked_sort3A_164, %masked_sort3A_161 : vector<16xi32>
        %select_n3A_167 = arith.select %gt3A_151, %broadcast_in_dim3A_7, %broadcast_in_dim3A_5 : vector<16xi1>, vector<16xi32>
        %reduce_sum3A = arith.constant true
        %reduce_sum3A_168 = vector.broadcast %reduce_sum3A : i1 to vector<16xi1>
        %reduce_sum3A_169 = tpu.scan <sum>, %select_n3A_167 masked %reduce_sum3A_168 : vector<16xi32>, vector<16xi1> -> vector<16xi32>
        %reduce_sum3A_170 = vector.extract %reduce_sum3A_169[15] : i32 from vector<16xi32>
        %sub3A_171 = vector.broadcast %min3A_72 : i32 to vector<16xi32>
        %sub3A_172 = arith.subi %masked_sort3A_157, %sub3A_171 : vector<16xi32>
        %jit3A_173 = arith.constant 0 : i32
        %jit3A_174 = arith.constant 511 : i32
        %max3A_175 = vector.broadcast %jit3A_173 : i32 to vector<16xi32>
        %max3A_176 = arith.maxsi %max3A_175, %sub3A_172 : vector<16xi32>
        %min3A_177 = vector.broadcast %jit3A_174 : i32 to vector<16xi32>
        %min3A_178 = arith.minsi %min3A_177, %max3A_176 : vector<16xi32>
        %and3A_179 = arith.constant 7 : i32
        %and3A_180 = arith.andi %while3A_135, %and3A_179 : i32
        %while3A_181 = arith.constant 0 : i32
        %while3A_182 = arith.constant 0 : i32
        %while3A_183 = arith.subi %reduce_sum3A_170, %while3A_181 : i32
        %while3A_184 = arith.addi %while3A_181, %while3A_183 : i32
        %while3A_185 = arith.constant 1 : i32
        %while3A_186 = arith.divsi %while3A_183, %while3A_185 : i32
        %while3A_187 = arith.muli %while3A_186, %while3A_185 : i32
        %while3A_188 = arith.addi %while3A_181, %while3A_187 : i32
        %while3A_189 = arith.constant 1 : i32
        %while3A_190 = scf.for %while3A_213 = %while3A_181 to %while3A_188 step %while3A_189 iter_args(%while3A_214 = %while3A_182) -> (i32)  : i32 {
          %broadcast_in_dim3A_215 = vector.broadcast %while3A_213 : i32 to vector<16x1xi32>
          %gather3A = vector.shape_cast %broadcast_in_dim3A_215 : vector<16x1xi32> to vector<16xi32>
          %gather3A_216 = tpu.dynamic_gather %min3A_178[%gather3A] in [0] : vector<16xi32>, vector<16xi32> -> vector<16xi32>
          %add3A_217 = arith.constant 0 : i32
          %add3A_218 = vector.broadcast %add3A_217 : i32 to vector<16xi32>
          %add3A_219 = arith.addi %add3A_218, %iota3A : vector<16xi32>
          %gather3A_220 = tpu.vector_load_idx %arg9[%broadcast_in_dim3A_67, %add3A_219, %gather3A_216] : memref<2x64x512xf32, #tpu.memory_space<vmem>>[vector<16xi32>, vector<16xi32>, vector<16xi32>], vector<16xf32>,
          %swap3A = arith.index_cast %and3A_180 : i32 to index
          %swap3A_221 = arith.index_cast %while3A_213 : i32 to index
          %swap3A_222 = arith.constant 0 : index
          %swap3A_223 = tpu.vector_load %arg10[%swap3A, %swap3A_221, %swap3A_222] {strides = array<i32>} : memref<8x16x128xf32, #tpu.memory_space<vmem>>, vector<16xf32>,
          tpu.vector_store %arg10[%swap3A, %swap3A_221, %swap3A_222], %gather3A_220 {strides = array<i32>} : memref<8x16x128xf32, #tpu.memory_space<vmem>>, vector<16xf32>,
          %add3A_224 = arith.constant 16 : i32
          %add3A_225 = vector.broadcast %add3A_224 : i32 to vector<16xi32>
          %add3A_226 = arith.addi %add3A_225, %iota3A : vector<16xi32>
          %gather3A_227 = tpu.vector_load_idx %arg9[%broadcast_in_dim3A_67, %add3A_226, %gather3A_216] : memref<2x64x512xf32, #tpu.memory_space<vmem>>[vector<16xi32>, vector<16xi32>, vector<16xi32>], vector<16xf32>,
          %swap3A_228 = arith.index_cast %and3A_180 : i32 to index
          %swap3A_229 = arith.index_cast %while3A_213 : i32 to index
          %swap3A_230 = arith.constant 16 : index
          %swap3A_231 = tpu.vector_load %arg10[%swap3A_228, %swap3A_229, %swap3A_230] {strides = array<i32>} : memref<8x16x128xf32, #tpu.memory_space<vmem>>, vector<16xf32>,
          tpu.vector_store %arg10[%swap3A_228, %swap3A_229, %swap3A_230], %gather3A_227 {strides = array<i32>} : memref<8x16x128xf32, #tpu.memory_space<vmem>>, vector<16xf32>,
          %add3A_232 = arith.constant 32 : i32
          %add3A_233 = vector.broadcast %add3A_232 : i32 to vector<16xi32>
          %add3A_234 = arith.addi %add3A_233, %iota3A : vector<16xi32>
          %gather3A_235 = tpu.vector_load_idx %arg9[%broadcast_in_dim3A_67, %add3A_234, %gather3A_216] : memref<2x64x512xf32, #tpu.memory_space<vmem>>[vector<16xi32>, vector<16xi32>, vector<16xi32>], vector<16xf32>,
          %swap3A_236 = arith.index_cast %and3A_180 : i32 to index
          %swap3A_237 = arith.index_cast %while3A_213 : i32 to index
          %swap3A_238 = arith.constant 32 : index
          %swap3A_239 = tpu.vector_load %arg10[%swap3A_236, %swap3A_237, %swap3A_238] {strides = array<i32>} : memref<8x16x128xf32, #tpu.memory_space<vmem>>, vector<16xf32>,
          tpu.vector_store %arg10[%swap3A_236, %swap3A_237, %swap3A_238], %gather3A_235 {strides = array<i32>} : memref<8x16x128xf32, #tpu.memory_space<vmem>>, vector<16xf32>,
          %add3A_240 = arith.constant 48 : i32
          %add3A_241 = vector.broadcast %add3A_240 : i32 to vector<16xi32>
          %add3A_242 = arith.addi %add3A_241, %iota3A : vector<16xi32>
          %gather3A_243 = tpu.vector_load_idx %arg9[%broadcast_in_dim3A_67, %add3A_242, %gather3A_216] : memref<2x64x512xf32, #tpu.memory_space<vmem>>[vector<16xi32>, vector<16xi32>, vector<16xi32>], vector<16xf32>,
          %swap3A_244 = arith.index_cast %and3A_180 : i32 to index
          %swap3A_245 = arith.index_cast %while3A_213 : i32 to index
          %swap3A_246 = arith.constant 48 : index
          %swap3A_247 = tpu.vector_load %arg10[%swap3A_244, %swap3A_245, %swap3A_246] {strides = array<i32>} : memref<8x16x128xf32, #tpu.memory_space<vmem>>, vector<16xf32>,
          tpu.vector_store %arg10[%swap3A_244, %swap3A_245, %swap3A_246], %gather3A_243 {strides = array<i32>} : memref<8x16x128xf32, #tpu.memory_space<vmem>>, vector<16xf32>,
          %while3A_248 = arith.constant 0 : i32
          scf.yield %while3A_248 : i32
        }
        %while3A_191 = arith.constant 1 : i32
        %while3A_192 = scf.for %while3A_213 = %while3A_188 to %while3A_184 step %while3A_191 iter_args(%while3A_214 = %while3A_190) -> (i32)  : i32 {
          %broadcast_in_dim3A_215 = vector.broadcast %while3A_213 : i32 to vector<16x1xi32>
          %gather3A = vector.shape_cast %broadcast_in_dim3A_215 : vector<16x1xi32> to vector<16xi32>
          %gather3A_216 = tpu.dynamic_gather %min3A_178[%gather3A] in [0] : vector<16xi32>, vector<16xi32> -> vector<16xi32>
          %add3A_217 = arith.constant 0 : i32
          %add3A_218 = vector.broadcast %add3A_217 : i32 to vector<16xi32>
          %add3A_219 = arith.addi %add3A_218, %iota3A : vector<16xi32>
          %gather3A_220 = tpu.vector_load_idx %arg9[%broadcast_in_dim3A_67, %add3A_219, %gather3A_216] : memref<2x64x512xf32, #tpu.memory_space<vmem>>[vector<16xi32>, vector<16xi32>, vector<16xi32>], vector<16xf32>,
          %swap3A = arith.index_cast %and3A_180 : i32 to index
          %swap3A_221 = arith.index_cast %while3A_213 : i32 to index
          %swap3A_222 = arith.constant 0 : index
          %swap3A_223 = tpu.vector_load %arg10[%swap3A, %swap3A_221, %swap3A_222] {strides = array<i32>} : memref<8x16x128xf32, #tpu.memory_space<vmem>>, vector<16xf32>,
          tpu.vector_store %arg10[%swap3A, %swap3A_221, %swap3A_222], %gather3A_220 {strides = array<i32>} : memref<8x16x128xf32, #tpu.memory_space<vmem>>, vector<16xf32>,
          %add3A_224 = arith.constant 16 : i32
          %add3A_225 = vector.broadcast %add3A_224 : i32 to vector<16xi32>
          %add3A_226 = arith.addi %add3A_225, %iota3A : vector<16xi32>
          %gather3A_227 = tpu.vector_load_idx %arg9[%broadcast_in_dim3A_67, %add3A_226, %gather3A_216] : memref<2x64x512xf32, #tpu.memory_space<vmem>>[vector<16xi32>, vector<16xi32>, vector<16xi32>], vector<16xf32>,
          %swap3A_228 = arith.index_cast %and3A_180 : i32 to index
          %swap3A_229 = arith.index_cast %while3A_213 : i32 to index
          %swap3A_230 = arith.constant 16 : index
          %swap3A_231 = tpu.vector_load %arg10[%swap3A_228, %swap3A_229, %swap3A_230] {strides = array<i32>} : memref<8x16x128xf32, #tpu.memory_space<vmem>>, vector<16xf32>,
          tpu.vector_store %arg10[%swap3A_228, %swap3A_229, %swap3A_230], %gather3A_227 {strides = array<i32>} : memref<8x16x128xf32, #tpu.memory_space<vmem>>, vector<16xf32>,
          %add3A_232 = arith.constant 32 : i32
          %add3A_233 = vector.broadcast %add3A_232 : i32 to vector<16xi32>
          %add3A_234 = arith.addi %add3A_233, %iota3A : vector<16xi32>
          %gather3A_235 = tpu.vector_load_idx %arg9[%broadcast_in_dim3A_67, %add3A_234, %gather3A_216] : memref<2x64x512xf32, #tpu.memory_space<vmem>>[vector<16xi32>, vector<16xi32>, vector<16xi32>], vector<16xf32>,
          %swap3A_236 = arith.index_cast %and3A_180 : i32 to index
          %swap3A_237 = arith.index_cast %while3A_213 : i32 to index
          %swap3A_238 = arith.constant 32 : index
          %swap3A_239 = tpu.vector_load %arg10[%swap3A_236, %swap3A_237, %swap3A_238] {strides = array<i32>} : memref<8x16x128xf32, #tpu.memory_space<vmem>>, vector<16xf32>,
          tpu.vector_store %arg10[%swap3A_236, %swap3A_237, %swap3A_238], %gather3A_235 {strides = array<i32>} : memref<8x16x128xf32, #tpu.memory_space<vmem>>, vector<16xf32>,
          %add3A_240 = arith.constant 48 : i32
          %add3A_241 = vector.broadcast %add3A_240 : i32 to vector<16xi32>
          %add3A_242 = arith.addi %add3A_241, %iota3A : vector<16xi32>
          %gather3A_243 = tpu.vector_load_idx %arg9[%broadcast_in_dim3A_67, %add3A_242, %gather3A_216] : memref<2x64x512xf32, #tpu.memory_space<vmem>>[vector<16xi32>, vector<16xi32>, vector<16xi32>], vector<16xf32>,
          %swap3A_244 = arith.index_cast %and3A_180 : i32 to index
          %swap3A_245 = arith.index_cast %while3A_213 : i32 to index
          %swap3A_246 = arith.constant 48 : index
          %swap3A_247 = tpu.vector_load %arg10[%swap3A_244, %swap3A_245, %swap3A_246] {strides = array<i32>} : memref<8x16x128xf32, #tpu.memory_space<vmem>>, vector<16xf32>,
          tpu.vector_store %arg10[%swap3A_244, %swap3A_245, %swap3A_246], %gather3A_243 {strides = array<i32>} : memref<8x16x128xf32, #tpu.memory_space<vmem>>, vector<16xf32>,
          %while3A_248 = arith.constant 0 : i32
          scf.yield %while3A_248 : i32
        }
        %lt3A_193 = vector.broadcast %reduce_sum3A_170 : i32 to vector<16xi32>
        %lt3A_194 = arith.cmpi slt, %iota3A, %lt3A_193 : vector<16xi32>
        %add3A_195 = arith.constant 16384 : i32
        %add3A_196 = arith.addi %add3A_195, %add3A : i32
        %broadcast_in_dim3A_197 = vector.broadcast %add3A_196 : i32 to vector<16xi32>
        %select_n3A_198 = arith.select %lt3A_194, %masked_sort3A_165, %broadcast_in_dim3A_197 : vector<16xi1>, vector<16xi32>
        %dma_start3A = arith.constant 0 : i32
        %dma_start3A_199 = arith.constant 0 : i32
        %dma_start3A_200 = tpu.memref_slice %arg10[%and3A_180, %dma_start3A, %dma_start3A_199] : memref<8x16x128xf32, #tpu.memory_space<vmem>> -> memref<1x16x128xf32, #tpu.memory_space<vmem>>
        %dma_start3A_201 = tpu.memref_squeeze %dma_start3A_200 : memref<1x16x128xf32, #tpu.memory_space<vmem>> -> memref<16x128xf32, #tpu.memory_space<vmem>>
        %dma_start3A_202 = arith.constant 0 : i32
        %dma_start3A_203 = arith.constant 0 : i32
        %dma_start3A_204 = tpu.memref_slice %arg4[%dma_start3A_202, %dma_start3A_203] : memref<16416x128xf32, #tpu.memory_space<hbm>> -> memref<16416x128xf32, #tpu.memory_space<hbm>>
        tpu.enqueue_indirect_dma source(%dma_start3A_201 : memref<16x128xf32, #tpu.memory_space<vmem>>) target(%dma_start3A_204 : memref<16416x128xf32, #tpu.memory_space<hbm>>) offsets(%select_n3A_198 : vector<16xi32>) semaphore(%arg13 : memref<!tpu.dma_semaphore, #tpu.memory_space<semaphore_mem>>)
        %and3A_205 = arith.constant 7 : i32
        %and3A_206 = arith.andi %while3A_135, %and3A_205 : i32
        %eq3A = arith.constant 7 : i32
        %eq3A_207 = arith.cmpi eq, %and3A_206, %eq3A : i32
        %convert_element_type3A_208 = arith.extui %eq3A_207 : i1 to i32
        %cond3A_209 = arith.constant 0 : i32
        %cond3A_210 = arith.cmpi ne, %convert_element_type3A_208, %cond3A_209 : i32
        scf.if %cond3A_210 {
          %scan3A_213 = arith.constant 0 : i32
          %scan3A_214 = arith.constant 0 : i32
          %scan3A_215 = arith.constant 8 : i32
          %scan3A_216 = arith.addi %scan3A_214, %scan3A_215 : i32
          %scan3A_217 = arith.constant 1 : i32
          %scan3A_218 = scf.for %scan3A_220 = %scan3A_214 to %scan3A_216 step %scan3A_217 iter_args(%scan3A_221 = %scan3A_213) -> (i32)  : i32 {
            %dma_wait3A = arith.constant 0 : i32
            %dma_wait3A_222 = arith.constant 0 : i32
            %dma_wait3A_223 = arith.constant 0 : i32
            %dma_wait3A_224 = tpu.memref_slice %arg10[%dma_wait3A, %dma_wait3A_222, %dma_wait3A_223] : memref<8x16x128xf32, #tpu.memory_space<vmem>> -> memref<1x16x128xf32, #tpu.memory_space<vmem>>
            %dma_wait3A_225 = tpu.memref_squeeze %dma_wait3A_224 : memref<1x16x128xf32, #tpu.memory_space<vmem>> -> memref<16x128xf32, #tpu.memory_space<vmem>>
            %dma_wait3A_226 = arith.constant 0 : i32
            %dma_wait3A_227 = arith.constant 0 : i32
            %dma_wait3A_228 = tpu.memref_slice %arg4[%dma_wait3A_226, %dma_wait3A_227] : memref<16416x128xf32, #tpu.memory_space<hbm>> -> memref<16x128xf32, #tpu.memory_space<hbm>>
            %dma_wait3A_229 = arith.constant 0 : i32
            %dma_wait3A_230 = arith.constant 0 : i32
            %dma_wait3A_231 = tpu.memref_slice %arg4[%dma_wait3A_229, %dma_wait3A_230] : memref<16416x128xf32, #tpu.memory_space<hbm>> -> memref<16x128xf32, #tpu.memory_space<hbm>>
            %dma_wait3A_232 = arith.constant 0 : i32
            %dma_wait3A_233 = arith.constant 0 : i32
            %dma_wait3A_234 = tpu.memref_slice %arg10[%dma_wait3A, %dma_wait3A_232, %dma_wait3A_233] : memref<8x16x128xf32, #tpu.memory_space<vmem>> -> memref<1x16x128xf32, #tpu.memory_space<vmem>>
            %dma_wait3A_235 = tpu.memref_squeeze %dma_wait3A_234 : memref<1x16x128xf32, #tpu.memory_space<vmem>> -> memref<16x128xf32, #tpu.memory_space<vmem>>
            tpu.wait_dma2 semaphore(%arg13 : memref<!tpu.dma_semaphore, #tpu.memory_space<semaphore_mem>>) src(%dma_wait3A_235 : memref<16x128xf32, #tpu.memory_space<vmem>>) dst(%dma_wait3A_231 : memref<16x128xf32, #tpu.memory_space<hbm>>)
            %scan3A_236 = arith.constant 0 : i32
            scf.yield %scan3A_236 : i32
          }
          %scan3A_219 = arith.constant 8 : i32
        } else {
        }
        %add3A_211 = arith.constant 1 : i32
        %add3A_212 = arith.addi %while3A_135, %add3A_211 : i32
        scf.yield %add3A_212 : i32
      }
      %add3A_84 = arith.constant 2 : i32
      %add3A_85 = arith.addi %add3A_52, %add3A_84 : i32
      %lt3A_86 = arith.cmpi slt, %add3A_85, %min3A : i32
      %convert_element_type3A_87 = arith.extui %lt3A_86 : i1 to i32
      %cond3A_88 = arith.constant 0 : i32
      %cond3A_89 = arith.cmpi ne, %convert_element_type3A_87, %cond3A_88 : i32
      scf.if %cond3A_89 {
        %add3A_134 = arith.constant 2 : i32
        %add3A_135 = arith.addi %add3A_52, %add3A_134 : i32
        %add3A_136 = arith.addi %mul3A_2, %add3A_135 : i32
        %mul3A_137 = arith.constant 512 : i32
        %mul3A_138 = arith.muli %add3A_136, %mul3A_137 : i32
        %min3A_139 = arith.constant 999552 : i32
        %min3A_140 = arith.minsi %mul3A_138, %min3A_139 : i32
        %dma_start3A = arith.constant 0 : i32
        %dma_start3A_141 = arith.constant 0 : i32
        %dma_start3A_142 = arith.constant 0 : i32
        %dma_start3A_143 = tpu.memref_slice %arg9[%dma_start3A, %dma_start3A_141, %dma_start3A_142] : memref<2x64x512xf32, #tpu.memory_space<vmem>> -> memref<1x64x512xf32, #tpu.memory_space<vmem>>
        %dma_start3A_144 = tpu.memref_squeeze %dma_start3A_143 : memref<1x64x512xf32, #tpu.memory_space<vmem>> -> memref<64x512xf32, #tpu.memory_space<vmem>>
        %dma_start3A_145 = arith.constant 0 : i32
        %dma_start3A_146 = tpu.memref_slice %arg3[%dma_start3A_145, %min3A_140] : memref<64x1000000xf32, #tpu.memory_space<hbm>> -> memref<64x512xf32, #tpu.memory_space<hbm>>
        %dma_start3A_147 = arith.constant 0 : i32
        %dma_start3A_148 = arith.constant 0 : i32
        %dma_start3A_149 = tpu.memref_slice %arg9[%dma_start3A, %dma_start3A_147, %dma_start3A_148] : memref<2x64x512xf32, #tpu.memory_space<vmem>> -> memref<1x64x512xf32, #tpu.memory_space<vmem>>
        %dma_start3A_150 = tpu.memref_squeeze %dma_start3A_149 : memref<1x64x512xf32, #tpu.memory_space<vmem>> -> memref<64x512xf32, #tpu.memory_space<vmem>>
        %dma_start3A_151 = arith.constant 0 : i32
        %dma_start3A_152 = tpu.memref_slice %arg3[%dma_start3A_151, %min3A_140] : memref<64x1000000xf32, #tpu.memory_space<hbm>> -> memref<64x512xf32, #tpu.memory_space<hbm>>
        tpu.enqueue_dma source(%dma_start3A_152 : memref<64x512xf32, #tpu.memory_space<hbm>>) target(%dma_start3A_150 : memref<64x512xf32, #tpu.memory_space<vmem>>) target_semaphore(%arg11 : memref<!tpu.dma_semaphore, #tpu.memory_space<semaphore_mem>>)
      } else {
      }
      %mul3A_90 = arith.constant 2 : i32
      %mul3A_91 = arith.muli %scan3A_47, %mul3A_90 : i32
      %add3A_92 = arith.constant 1 : i32
      %add3A_93 = arith.addi %mul3A_91, %add3A_92 : i32
      %lt3A_94 = arith.cmpi slt, %add3A_93, %min3A : i32
      %convert_element_type3A_95 = arith.extui %lt3A_94 : i1 to i32
      %cond3A_96 = arith.constant 0 : i32
      %cond3A_97 = arith.cmpi ne, %convert_element_type3A_95, %cond3A_96 : i32
      scf.if %cond3A_97 {
        %dma_wait3A = arith.constant 1 : i32
        %dma_wait3A_134 = arith.constant 0 : i32
        %dma_wait3A_135 = arith.constant 0 : i32
        %dma_wait3A_136 = tpu.memref_slice %arg9[%dma_wait3A, %dma_wait3A_134, %dma_wait3A_135] : memref<2x64x512xf32, #tpu.memory_space<vmem>> -> memref<1x64x512xf32, #tpu.memory_space<vmem>>
        %dma_wait3A_137 = tpu.memref_squeeze %dma_wait3A_136 : memref<1x64x512xf32, #tpu.memory_space<vmem>> -> memref<64x512xf32, #tpu.memory_space<vmem>>
        %dma_wait3A_138 = arith.constant 0 : i32
        %dma_wait3A_139 = arith.constant 0 : i32
        %dma_wait3A_140 = tpu.memref_slice %arg3[%dma_wait3A_138, %dma_wait3A_139] : memref<64x1000000xf32, #tpu.memory_space<hbm>> -> memref<64x512xf32, #tpu.memory_space<hbm>>
        %dma_wait3A_141 = arith.constant 0 : i32
        %dma_wait3A_142 = arith.constant 0 : i32
        %dma_wait3A_143 = tpu.memref_slice %arg9[%dma_wait3A, %dma_wait3A_141, %dma_wait3A_142] : memref<2x64x512xf32, #tpu.memory_space<vmem>> -> memref<1x64x512xf32, #tpu.memory_space<vmem>>
        %dma_wait3A_144 = tpu.memref_squeeze %dma_wait3A_143 : memref<1x64x512xf32, #tpu.memory_space<vmem>> -> memref<64x512xf32, #tpu.memory_space<vmem>>
        %dma_wait3A_145 = arith.constant 0 : i32
        %dma_wait3A_146 = arith.constant 0 : i32
        %dma_wait3A_147 = tpu.memref_slice %arg3[%dma_wait3A_145, %dma_wait3A_146] : memref<64x1000000xf32, #tpu.memory_space<hbm>> -> memref<64x512xf32, #tpu.memory_space<hbm>>
        tpu.wait_dma2 semaphore(%arg12 : memref<!tpu.dma_semaphore, #tpu.memory_space<semaphore_mem>>) src(%dma_wait3A_147 : memref<64x512xf32, #tpu.memory_space<hbm>>) dst(%dma_wait3A_144 : memref<64x512xf32, #tpu.memory_space<vmem>>)
      } else {
      }
      %mul3A_98 = arith.constant 16 : i32
      %mul3A_99 = arith.muli %add3A_93, %mul3A_98 : i32
      %get3A_100 = arith.index_cast %mul3A_99 : i32 to index
      %get3A_101 = tpu.vector_load %arg6[%get3A_100] {strides = array<i32>} : memref<1008xi32, #tpu.memory_space<vmem>>, vector<16xi32>,
      %reduce_max3A_102 = arith.constant true
      %reduce_max3A_103 = vector.broadcast %reduce_max3A_102 : i1 to vector<16xi1>
      %reduce_max3A_104 = arith.constant -2147483648 : i32
      %reduce_max3A_105 = vector.broadcast %reduce_max3A_104 : i32 to vector<16xi32>
      %reduce_max3A_106 = arith.xori %get3A_101, %reduce_max3A_105 : vector<16xi32>
      %reduce_max3A_107 = tpu.scan <max>, %reduce_max3A_106 masked %reduce_max3A_103 : vector<16xi32>, vector<16xi1> -> vector<16xi32>
      %reduce_max3A_108 = arith.xori %reduce_max3A_107, %reduce_max3A_105 : vector<16xi32>
      %reduce_max3A_109 = vector.extract %reduce_max3A_108[15] : i32 from vector<16xi32>
      %broadcast_in_dim3A_110 = arith.constant 1 : i32
      %broadcast_in_dim3A_111 = vector.broadcast %broadcast_in_dim3A_110 : i32 to vector<16xi32>
      %add3A_112 = arith.addi %mul3A_2, %add3A_93 : i32
      %mul3A_113 = arith.constant 512 : i32
      %mul3A_114 = arith.muli %add3A_112, %mul3A_113 : i32
      %min3A_115 = arith.constant 999552 : i32
      %min3A_116 = arith.minsi %mul3A_114, %min3A_115 : i32
      %while3A_117 = arith.constant 0 : i32
      %while3A_118 = arith.subi %reduce_max3A_109, %while3A_117 : i32
      %while3A_119 = arith.addi %while3A_117, %while3A_118 : i32
      %while3A_120 = arith.constant 1 : i32
      %while3A_121 = arith.divsi %while3A_118, %while3A_120 : i32
      %while3A_122 = arith.muli %while3A_121, %while3A_120 : i32
      %while3A_123 = arith.addi %while3A_117, %while3A_122 : i32
      %while3A_124 = arith.constant 1 : i32
      %while3A_125 = scf.for %while3A_134 = %while3A_117 to %while3A_123 step %while3A_124 iter_args(%while3A_135 = %while3A_83) -> (i32)  : i32 {
        %mul3A_136 = arith.constant 12 : i32
        %mul3A_137 = arith.muli %add3A_93, %mul3A_136 : i32
        %add3A_138 = arith.addi %mul3A_137, %while3A_134 : i32
        %mul3A_139 = arith.constant 16 : i32
        %mul3A_140 = arith.muli %add3A_138, %mul3A_139 : i32
        %get3A_141 = arith.index_cast %mul3A_140 : i32 to index
        %get3A_142 = tpu.vector_load %arg7[%get3A_141] {strides = array<i32>} : memref<11904xi32, #tpu.memory_space<vmem>>, vector<16xi32>,
        %mul3A_143 = arith.constant 12 : i32
        %mul3A_144 = arith.muli %add3A_93, %mul3A_143 : i32
        %add3A_145 = arith.addi %mul3A_144, %while3A_134 : i32
        %mul3A_146 = arith.constant 16 : i32
        %mul3A_147 = arith.muli %add3A_145, %mul3A_146 : i32
        %get3A_148 = arith.index_cast %mul3A_147 : i32 to index
        %get3A_149 = tpu.vector_load %arg8[%get3A_148] {strides = array<i32>} : memref<11904xi32, #tpu.memory_space<vmem>>, vector<16xi32>,
        %gt3A_150 = vector.broadcast %while3A_134 : i32 to vector<16xi32>
        %gt3A_151 = arith.cmpi sgt, %get3A_101, %gt3A_150 : vector<16xi32>
        %select_n3A = arith.select %gt3A_151, %broadcast_in_dim3A_5, %broadcast_in_dim3A_7 : vector<16xi1>, vector<16xi32>
        %masked_sort3A = arith.constant dense<true> : vector<16xi1>
        %masked_sort3A_152 = arith.constant -2147483648 : i32
        %masked_sort3A_153 = vector.broadcast %masked_sort3A_152 : i32 to vector<16xi32>
        %masked_sort3A_154 = arith.xori %select_n3A, %masked_sort3A_153 : vector<16xi32>
        %masked_sort3A_155, %masked_sort3A_156, %masked_sort3A_157 = tpu.sort %masked_sort3A_154, %get3A_142 masked %masked_sort3A : (vector<16xi32>, vector<16xi32>, vector<16xi1>) -> (vector<16xi1>, vector<16xi32>, vector<16xi32>)
        %masked_sort3A_158 = arith.xori %masked_sort3A_156, %masked_sort3A_153 : vector<16xi32>
        %masked_sort3A_159 = arith.constant dense<true> : vector<16xi1>
        %masked_sort3A_160 = arith.constant -2147483648 : i32
        %masked_sort3A_161 = vector.broadcast %masked_sort3A_160 : i32 to vector<16xi32>
        %masked_sort3A_162 = arith.xori %select_n3A, %masked_sort3A_161 : vector<16xi32>
        %masked_sort3A_163, %masked_sort3A_164, %masked_sort3A_165 = tpu.sort %masked_sort3A_162, %get3A_149 masked %masked_sort3A_159 : (vector<16xi32>, vector<16xi32>, vector<16xi1>) -> (vector<16xi1>, vector<16xi32>, vector<16xi32>)
        %masked_sort3A_166 = arith.xori %masked_sort3A_164, %masked_sort3A_161 : vector<16xi32>
        %select_n3A_167 = arith.select %gt3A_151, %broadcast_in_dim3A_7, %broadcast_in_dim3A_5 : vector<16xi1>, vector<16xi32>
        %reduce_sum3A = arith.constant true
        %reduce_sum3A_168 = vector.broadcast %reduce_sum3A : i1 to vector<16xi1>
        %reduce_sum3A_169 = tpu.scan <sum>, %select_n3A_167 masked %reduce_sum3A_168 : vector<16xi32>, vector<16xi1> -> vector<16xi32>
        %reduce_sum3A_170 = vector.extract %reduce_sum3A_169[15] : i32 from vector<16xi32>
        %sub3A_171 = vector.broadcast %min3A_116 : i32 to vector<16xi32>
        %sub3A_172 = arith.subi %masked_sort3A_157, %sub3A_171 : vector<16xi32>
        %jit3A_173 = arith.constant 0 : i32
        %jit3A_174 = arith.constant 511 : i32
        %max3A_175 = vector.broadcast %jit3A_173 : i32 to vector<16xi32>
        %max3A_176 = arith.maxsi %max3A_175, %sub3A_172 : vector<16xi32>
        %min3A_177 = vector.broadcast %jit3A_174 : i32 to vector<16xi32>
        %min3A_178 = arith.minsi %min3A_177, %max3A_176 : vector<16xi32>
        %and3A_179 = arith.constant 7 : i32
        %and3A_180 = arith.andi %while3A_135, %and3A_179 : i32
        %while3A_181 = arith.constant 0 : i32
        %while3A_182 = arith.constant 0 : i32
        %while3A_183 = arith.subi %reduce_sum3A_170, %while3A_181 : i32
        %while3A_184 = arith.addi %while3A_181, %while3A_183 : i32
        %while3A_185 = arith.constant 1 : i32
        %while3A_186 = arith.divsi %while3A_183, %while3A_185 : i32
        %while3A_187 = arith.muli %while3A_186, %while3A_185 : i32
        %while3A_188 = arith.addi %while3A_181, %while3A_187 : i32
        %while3A_189 = arith.constant 1 : i32
        %while3A_190 = scf.for %while3A_213 = %while3A_181 to %while3A_188 step %while3A_189 iter_args(%while3A_214 = %while3A_182) -> (i32)  : i32 {
          %broadcast_in_dim3A_215 = vector.broadcast %while3A_213 : i32 to vector<16x1xi32>
          %gather3A = vector.shape_cast %broadcast_in_dim3A_215 : vector<16x1xi32> to vector<16xi32>
          %gather3A_216 = tpu.dynamic_gather %min3A_178[%gather3A] in [0] : vector<16xi32>, vector<16xi32> -> vector<16xi32>
          %add3A_217 = arith.constant 0 : i32
          %add3A_218 = vector.broadcast %add3A_217 : i32 to vector<16xi32>
          %add3A_219 = arith.addi %add3A_218, %iota3A : vector<16xi32>
          %gather3A_220 = tpu.vector_load_idx %arg9[%broadcast_in_dim3A_111, %add3A_219, %gather3A_216] : memref<2x64x512xf32, #tpu.memory_space<vmem>>[vector<16xi32>, vector<16xi32>, vector<16xi32>], vector<16xf32>,
          %swap3A = arith.index_cast %and3A_180 : i32 to index
          %swap3A_221 = arith.index_cast %while3A_213 : i32 to index
          %swap3A_222 = arith.constant 0 : index
          %swap3A_223 = tpu.vector_load %arg10[%swap3A, %swap3A_221, %swap3A_222] {strides = array<i32>} : memref<8x16x128xf32, #tpu.memory_space<vmem>>, vector<16xf32>,
          tpu.vector_store %arg10[%swap3A, %swap3A_221, %swap3A_222], %gather3A_220 {strides = array<i32>} : memref<8x16x128xf32, #tpu.memory_space<vmem>>, vector<16xf32>,
          %add3A_224 = arith.constant 16 : i32
          %add3A_225 = vector.broadcast %add3A_224 : i32 to vector<16xi32>
          %add3A_226 = arith.addi %add3A_225, %iota3A : vector<16xi32>
          %gather3A_227 = tpu.vector_load_idx %arg9[%broadcast_in_dim3A_111, %add3A_226, %gather3A_216] : memref<2x64x512xf32, #tpu.memory_space<vmem>>[vector<16xi32>, vector<16xi32>, vector<16xi32>], vector<16xf32>,
          %swap3A_228 = arith.index_cast %and3A_180 : i32 to index
          %swap3A_229 = arith.index_cast %while3A_213 : i32 to index
          %swap3A_230 = arith.constant 16 : index
          %swap3A_231 = tpu.vector_load %arg10[%swap3A_228, %swap3A_229, %swap3A_230] {strides = array<i32>} : memref<8x16x128xf32, #tpu.memory_space<vmem>>, vector<16xf32>,
          tpu.vector_store %arg10[%swap3A_228, %swap3A_229, %swap3A_230], %gather3A_227 {strides = array<i32>} : memref<8x16x128xf32, #tpu.memory_space<vmem>>, vector<16xf32>,
          %add3A_232 = arith.constant 32 : i32
          %add3A_233 = vector.broadcast %add3A_232 : i32 to vector<16xi32>
          %add3A_234 = arith.addi %add3A_233, %iota3A : vector<16xi32>
          %gather3A_235 = tpu.vector_load_idx %arg9[%broadcast_in_dim3A_111, %add3A_234, %gather3A_216] : memref<2x64x512xf32, #tpu.memory_space<vmem>>[vector<16xi32>, vector<16xi32>, vector<16xi32>], vector<16xf32>,
          %swap3A_236 = arith.index_cast %and3A_180 : i32 to index
          %swap3A_237 = arith.index_cast %while3A_213 : i32 to index
          %swap3A_238 = arith.constant 32 : index
          %swap3A_239 = tpu.vector_load %arg10[%swap3A_236, %swap3A_237, %swap3A_238] {strides = array<i32>} : memref<8x16x128xf32, #tpu.memory_space<vmem>>, vector<16xf32>,
          tpu.vector_store %arg10[%swap3A_236, %swap3A_237, %swap3A_238], %gather3A_235 {strides = array<i32>} : memref<8x16x128xf32, #tpu.memory_space<vmem>>, vector<16xf32>,
          %add3A_240 = arith.constant 48 : i32
          %add3A_241 = vector.broadcast %add3A_240 : i32 to vector<16xi32>
          %add3A_242 = arith.addi %add3A_241, %iota3A : vector<16xi32>
          %gather3A_243 = tpu.vector_load_idx %arg9[%broadcast_in_dim3A_111, %add3A_242, %gather3A_216] : memref<2x64x512xf32, #tpu.memory_space<vmem>>[vector<16xi32>, vector<16xi32>, vector<16xi32>], vector<16xf32>,
          %swap3A_244 = arith.index_cast %and3A_180 : i32 to index
          %swap3A_245 = arith.index_cast %while3A_213 : i32 to index
          %swap3A_246 = arith.constant 48 : index
          %swap3A_247 = tpu.vector_load %arg10[%swap3A_244, %swap3A_245, %swap3A_246] {strides = array<i32>} : memref<8x16x128xf32, #tpu.memory_space<vmem>>, vector<16xf32>,
          tpu.vector_store %arg10[%swap3A_244, %swap3A_245, %swap3A_246], %gather3A_243 {strides = array<i32>} : memref<8x16x128xf32, #tpu.memory_space<vmem>>, vector<16xf32>,
          %while3A_248 = arith.constant 0 : i32
          scf.yield %while3A_248 : i32
        }
        %while3A_191 = arith.constant 1 : i32
        %while3A_192 = scf.for %while3A_213 = %while3A_188 to %while3A_184 step %while3A_191 iter_args(%while3A_214 = %while3A_190) -> (i32)  : i32 {
          %broadcast_in_dim3A_215 = vector.broadcast %while3A_213 : i32 to vector<16x1xi32>
          %gather3A = vector.shape_cast %broadcast_in_dim3A_215 : vector<16x1xi32> to vector<16xi32>
          %gather3A_216 = tpu.dynamic_gather %min3A_178[%gather3A] in [0] : vector<16xi32>, vector<16xi32> -> vector<16xi32>
          %add3A_217 = arith.constant 0 : i32
          %add3A_218 = vector.broadcast %add3A_217 : i32 to vector<16xi32>
          %add3A_219 = arith.addi %add3A_218, %iota3A : vector<16xi32>
          %gather3A_220 = tpu.vector_load_idx %arg9[%broadcast_in_dim3A_111, %add3A_219, %gather3A_216] : memref<2x64x512xf32, #tpu.memory_space<vmem>>[vector<16xi32>, vector<16xi32>, vector<16xi32>], vector<16xf32>,
          %swap3A = arith.index_cast %and3A_180 : i32 to index
          %swap3A_221 = arith.index_cast %while3A_213 : i32 to index
          %swap3A_222 = arith.constant 0 : index
          %swap3A_223 = tpu.vector_load %arg10[%swap3A, %swap3A_221, %swap3A_222] {strides = array<i32>} : memref<8x16x128xf32, #tpu.memory_space<vmem>>, vector<16xf32>,
          tpu.vector_store %arg10[%swap3A, %swap3A_221, %swap3A_222], %gather3A_220 {strides = array<i32>} : memref<8x16x128xf32, #tpu.memory_space<vmem>>, vector<16xf32>,
          %add3A_224 = arith.constant 16 : i32
          %add3A_225 = vector.broadcast %add3A_224 : i32 to vector<16xi32>
          %add3A_226 = arith.addi %add3A_225, %iota3A : vector<16xi32>
          %gather3A_227 = tpu.vector_load_idx %arg9[%broadcast_in_dim3A_111, %add3A_226, %gather3A_216] : memref<2x64x512xf32, #tpu.memory_space<vmem>>[vector<16xi32>, vector<16xi32>, vector<16xi32>], vector<16xf32>,
          %swap3A_228 = arith.index_cast %and3A_180 : i32 to index
          %swap3A_229 = arith.index_cast %while3A_213 : i32 to index
          %swap3A_230 = arith.constant 16 : index
          %swap3A_231 = tpu.vector_load %arg10[%swap3A_228, %swap3A_229, %swap3A_230] {strides = array<i32>} : memref<8x16x128xf32, #tpu.memory_space<vmem>>, vector<16xf32>,
          tpu.vector_store %arg10[%swap3A_228, %swap3A_229, %swap3A_230], %gather3A_227 {strides = array<i32>} : memref<8x16x128xf32, #tpu.memory_space<vmem>>, vector<16xf32>,
          %add3A_232 = arith.constant 32 : i32
          %add3A_233 = vector.broadcast %add3A_232 : i32 to vector<16xi32>
          %add3A_234 = arith.addi %add3A_233, %iota3A : vector<16xi32>
          %gather3A_235 = tpu.vector_load_idx %arg9[%broadcast_in_dim3A_111, %add3A_234, %gather3A_216] : memref<2x64x512xf32, #tpu.memory_space<vmem>>[vector<16xi32>, vector<16xi32>, vector<16xi32>], vector<16xf32>,
          %swap3A_236 = arith.index_cast %and3A_180 : i32 to index
          %swap3A_237 = arith.index_cast %while3A_213 : i32 to index
          %swap3A_238 = arith.constant 32 : index
          %swap3A_239 = tpu.vector_load %arg10[%swap3A_236, %swap3A_237, %swap3A_238] {strides = array<i32>} : memref<8x16x128xf32, #tpu.memory_space<vmem>>, vector<16xf32>,
          tpu.vector_store %arg10[%swap3A_236, %swap3A_237, %swap3A_238], %gather3A_235 {strides = array<i32>} : memref<8x16x128xf32, #tpu.memory_space<vmem>>, vector<16xf32>,
          %add3A_240 = arith.constant 48 : i32
          %add3A_241 = vector.broadcast %add3A_240 : i32 to vector<16xi32>
          %add3A_242 = arith.addi %add3A_241, %iota3A : vector<16xi32>
          %gather3A_243 = tpu.vector_load_idx %arg9[%broadcast_in_dim3A_111, %add3A_242, %gather3A_216] : memref<2x64x512xf32, #tpu.memory_space<vmem>>[vector<16xi32>, vector<16xi32>, vector<16xi32>], vector<16xf32>,
          %swap3A_244 = arith.index_cast %and3A_180 : i32 to index
          %swap3A_245 = arith.index_cast %while3A_213 : i32 to index
          %swap3A_246 = arith.constant 48 : index
          %swap3A_247 = tpu.vector_load %arg10[%swap3A_244, %swap3A_245, %swap3A_246] {strides = array<i32>} : memref<8x16x128xf32, #tpu.memory_space<vmem>>, vector<16xf32>,
          tpu.vector_store %arg10[%swap3A_244, %swap3A_245, %swap3A_246], %gather3A_243 {strides = array<i32>} : memref<8x16x128xf32, #tpu.memory_space<vmem>>, vector<16xf32>,
          %while3A_248 = arith.constant 0 : i32
          scf.yield %while3A_248 : i32
        }
        %lt3A_193 = vector.broadcast %reduce_sum3A_170 : i32 to vector<16xi32>
        %lt3A_194 = arith.cmpi slt, %iota3A, %lt3A_193 : vector<16xi32>
        %add3A_195 = arith.constant 16384 : i32
        %add3A_196 = arith.addi %add3A_195, %add3A : i32
        %broadcast_in_dim3A_197 = vector.broadcast %add3A_196 : i32 to vector<16xi32>
        %select_n3A_198 = arith.select %lt3A_194, %masked_sort3A_165, %broadcast_in_dim3A_197 : vector<16xi1>, vector<16xi32>
        %dma_start3A = arith.constant 0 : i32
        %dma_start3A_199 = arith.constant 0 : i32
        %dma_start3A_200 = tpu.memref_slice %arg10[%and3A_180, %dma_start3A, %dma_start3A_199] : memref<8x16x128xf32, #tpu.memory_space<vmem>> -> memref<1x16x128xf32, #tpu.memory_space<vmem>>
        %dma_start3A_201 = tpu.memref_squeeze %dma_start3A_200 : memref<1x16x128xf32, #tpu.memory_space<vmem>> -> memref<16x128xf32, #tpu.memory_space<vmem>>
        %dma_start3A_202 = arith.constant 0 : i32
        %dma_start3A_203 = arith.constant 0 : i32
        %dma_start3A_204 = tpu.memref_slice %arg4[%dma_start3A_202, %dma_start3A_203] : memref<16416x128xf32, #tpu.memory_space<hbm>> -> memref<16416x128xf32, #tpu.memory_space<hbm>>
        tpu.enqueue_indirect_dma source(%dma_start3A_201 : memref<16x128xf32, #tpu.memory_space<vmem>>) target(%dma_start3A_204 : memref<16416x128xf32, #tpu.memory_space<hbm>>) offsets(%select_n3A_198 : vector<16xi32>) semaphore(%arg13 : memref<!tpu.dma_semaphore, #tpu.memory_space<semaphore_mem>>)
        %and3A_205 = arith.constant 7 : i32
        %and3A_206 = arith.andi %while3A_135, %and3A_205 : i32
        %eq3A = arith.constant 7 : i32
        %eq3A_207 = arith.cmpi eq, %and3A_206, %eq3A : i32
        %convert_element_type3A_208 = arith.extui %eq3A_207 : i1 to i32
        %cond3A_209 = arith.constant 0 : i32
        %cond3A_210 = arith.cmpi ne, %convert_element_type3A_208, %cond3A_209 : i32
        scf.if %cond3A_210 {
          %scan3A_213 = arith.constant 0 : i32
          %scan3A_214 = arith.constant 0 : i32
          %scan3A_215 = arith.constant 8 : i32
          %scan3A_216 = arith.addi %scan3A_214, %scan3A_215 : i32
          %scan3A_217 = arith.constant 1 : i32
          %scan3A_218 = scf.for %scan3A_220 = %scan3A_214 to %scan3A_216 step %scan3A_217 iter_args(%scan3A_221 = %scan3A_213) -> (i32)  : i32 {
            %dma_wait3A = arith.constant 0 : i32
            %dma_wait3A_222 = arith.constant 0 : i32
            %dma_wait3A_223 = arith.constant 0 : i32
            %dma_wait3A_224 = tpu.memref_slice %arg10[%dma_wait3A, %dma_wait3A_222, %dma_wait3A_223] : memref<8x16x128xf32, #tpu.memory_space<vmem>> -> memref<1x16x128xf32, #tpu.memory_space<vmem>>
            %dma_wait3A_225 = tpu.memref_squeeze %dma_wait3A_224 : memref<1x16x128xf32, #tpu.memory_space<vmem>> -> memref<16x128xf32, #tpu.memory_space<vmem>>
            %dma_wait3A_226 = arith.constant 0 : i32
            %dma_wait3A_227 = arith.constant 0 : i32
            %dma_wait3A_228 = tpu.memref_slice %arg4[%dma_wait3A_226, %dma_wait3A_227] : memref<16416x128xf32, #tpu.memory_space<hbm>> -> memref<16x128xf32, #tpu.memory_space<hbm>>
            %dma_wait3A_229 = arith.constant 0 : i32
            %dma_wait3A_230 = arith.constant 0 : i32
            %dma_wait3A_231 = tpu.memref_slice %arg4[%dma_wait3A_229, %dma_wait3A_230] : memref<16416x128xf32, #tpu.memory_space<hbm>> -> memref<16x128xf32, #tpu.memory_space<hbm>>
            %dma_wait3A_232 = arith.constant 0 : i32
            %dma_wait3A_233 = arith.constant 0 : i32
            %dma_wait3A_234 = tpu.memref_slice %arg10[%dma_wait3A, %dma_wait3A_232, %dma_wait3A_233] : memref<8x16x128xf32, #tpu.memory_space<vmem>> -> memref<1x16x128xf32, #tpu.memory_space<vmem>>
            %dma_wait3A_235 = tpu.memref_squeeze %dma_wait3A_234 : memref<1x16x128xf32, #tpu.memory_space<vmem>> -> memref<16x128xf32, #tpu.memory_space<vmem>>
            tpu.wait_dma2 semaphore(%arg13 : memref<!tpu.dma_semaphore, #tpu.memory_space<semaphore_mem>>) src(%dma_wait3A_235 : memref<16x128xf32, #tpu.memory_space<vmem>>) dst(%dma_wait3A_231 : memref<16x128xf32, #tpu.memory_space<hbm>>)
            %scan3A_236 = arith.constant 0 : i32
            scf.yield %scan3A_236 : i32
          }
          %scan3A_219 = arith.constant 8 : i32
        } else {
        }
        %add3A_211 = arith.constant 1 : i32
        %add3A_212 = arith.addi %while3A_135, %add3A_211 : i32
        scf.yield %add3A_212 : i32
      }
      %while3A_126 = arith.constant 1 : i32
      %while3A_127 = scf.for %while3A_134 = %while3A_123 to %while3A_119 step %while3A_126 iter_args(%while3A_135 = %while3A_125) -> (i32)  : i32 {
        %mul3A_136 = arith.constant 12 : i32
        %mul3A_137 = arith.muli %add3A_93, %mul3A_136 : i32
        %add3A_138 = arith.addi %mul3A_137, %while3A_134 : i32
        %mul3A_139 = arith.constant 16 : i32
        %mul3A_140 = arith.muli %add3A_138, %mul3A_139 : i32
        %get3A_141 = arith.index_cast %mul3A_140 : i32 to index
        %get3A_142 = tpu.vector_load %arg7[%get3A_141] {strides = array<i32>} : memref<11904xi32, #tpu.memory_space<vmem>>, vector<16xi32>,
        %mul3A_143 = arith.constant 12 : i32
        %mul3A_144 = arith.muli %add3A_93, %mul3A_143 : i32
        %add3A_145 = arith.addi %mul3A_144, %while3A_134 : i32
        %mul3A_146 = arith.constant 16 : i32
        %mul3A_147 = arith.muli %add3A_145, %mul3A_146 : i32
        %get3A_148 = arith.index_cast %mul3A_147 : i32 to index
        %get3A_149 = tpu.vector_load %arg8[%get3A_148] {strides = array<i32>} : memref<11904xi32, #tpu.memory_space<vmem>>, vector<16xi32>,
        %gt3A_150 = vector.broadcast %while3A_134 : i32 to vector<16xi32>
        %gt3A_151 = arith.cmpi sgt, %get3A_101, %gt3A_150 : vector<16xi32>
        %select_n3A = arith.select %gt3A_151, %broadcast_in_dim3A_5, %broadcast_in_dim3A_7 : vector<16xi1>, vector<16xi32>
        %masked_sort3A = arith.constant dense<true> : vector<16xi1>
        %masked_sort3A_152 = arith.constant -2147483648 : i32
        %masked_sort3A_153 = vector.broadcast %masked_sort3A_152 : i32 to vector<16xi32>
        %masked_sort3A_154 = arith.xori %select_n3A, %masked_sort3A_153 : vector<16xi32>
        %masked_sort3A_155, %masked_sort3A_156, %masked_sort3A_157 = tpu.sort %masked_sort3A_154, %get3A_142 masked %masked_sort3A : (vector<16xi32>, vector<16xi32>, vector<16xi1>) -> (vector<16xi1>, vector<16xi32>, vector<16xi32>)
        %masked_sort3A_158 = arith.xori %masked_sort3A_156, %masked_sort3A_153 : vector<16xi32>
        %masked_sort3A_159 = arith.constant dense<true> : vector<16xi1>
        %masked_sort3A_160 = arith.constant -2147483648 : i32
        %masked_sort3A_161 = vector.broadcast %masked_sort3A_160 : i32 to vector<16xi32>
        %masked_sort3A_162 = arith.xori %select_n3A, %masked_sort3A_161 : vector<16xi32>
        %masked_sort3A_163, %masked_sort3A_164, %masked_sort3A_165 = tpu.sort %masked_sort3A_162, %get3A_149 masked %masked_sort3A_159 : (vector<16xi32>, vector<16xi32>, vector<16xi1>) -> (vector<16xi1>, vector<16xi32>, vector<16xi32>)
        %masked_sort3A_166 = arith.xori %masked_sort3A_164, %masked_sort3A_161 : vector<16xi32>
        %select_n3A_167 = arith.select %gt3A_151, %broadcast_in_dim3A_7, %broadcast_in_dim3A_5 : vector<16xi1>, vector<16xi32>
        %reduce_sum3A = arith.constant true
        %reduce_sum3A_168 = vector.broadcast %reduce_sum3A : i1 to vector<16xi1>
        %reduce_sum3A_169 = tpu.scan <sum>, %select_n3A_167 masked %reduce_sum3A_168 : vector<16xi32>, vector<16xi1> -> vector<16xi32>
        %reduce_sum3A_170 = vector.extract %reduce_sum3A_169[15] : i32 from vector<16xi32>
        %sub3A_171 = vector.broadcast %min3A_116 : i32 to vector<16xi32>
        %sub3A_172 = arith.subi %masked_sort3A_157, %sub3A_171 : vector<16xi32>
        %jit3A_173 = arith.constant 0 : i32
        %jit3A_174 = arith.constant 511 : i32
        %max3A_175 = vector.broadcast %jit3A_173 : i32 to vector<16xi32>
        %max3A_176 = arith.maxsi %max3A_175, %sub3A_172 : vector<16xi32>
        %min3A_177 = vector.broadcast %jit3A_174 : i32 to vector<16xi32>
        %min3A_178 = arith.minsi %min3A_177, %max3A_176 : vector<16xi32>
        %and3A_179 = arith.constant 7 : i32
        %and3A_180 = arith.andi %while3A_135, %and3A_179 : i32
        %while3A_181 = arith.constant 0 : i32
        %while3A_182 = arith.constant 0 : i32
        %while3A_183 = arith.subi %reduce_sum3A_170, %while3A_181 : i32
        %while3A_184 = arith.addi %while3A_181, %while3A_183 : i32
        %while3A_185 = arith.constant 1 : i32
        %while3A_186 = arith.divsi %while3A_183, %while3A_185 : i32
        %while3A_187 = arith.muli %while3A_186, %while3A_185 : i32
        %while3A_188 = arith.addi %while3A_181, %while3A_187 : i32
        %while3A_189 = arith.constant 1 : i32
        %while3A_190 = scf.for %while3A_213 = %while3A_181 to %while3A_188 step %while3A_189 iter_args(%while3A_214 = %while3A_182) -> (i32)  : i32 {
          %broadcast_in_dim3A_215 = vector.broadcast %while3A_213 : i32 to vector<16x1xi32>
          %gather3A = vector.shape_cast %broadcast_in_dim3A_215 : vector<16x1xi32> to vector<16xi32>
          %gather3A_216 = tpu.dynamic_gather %min3A_178[%gather3A] in [0] : vector<16xi32>, vector<16xi32> -> vector<16xi32>
          %add3A_217 = arith.constant 0 : i32
          %add3A_218 = vector.broadcast %add3A_217 : i32 to vector<16xi32>
          %add3A_219 = arith.addi %add3A_218, %iota3A : vector<16xi32>
          %gather3A_220 = tpu.vector_load_idx %arg9[%broadcast_in_dim3A_111, %add3A_219, %gather3A_216] : memref<2x64x512xf32, #tpu.memory_space<vmem>>[vector<16xi32>, vector<16xi32>, vector<16xi32>], vector<16xf32>,
          %swap3A = arith.index_cast %and3A_180 : i32 to index
          %swap3A_221 = arith.index_cast %while3A_213 : i32 to index
          %swap3A_222 = arith.constant 0 : index
          %swap3A_223 = tpu.vector_load %arg10[%swap3A, %swap3A_221, %swap3A_222] {strides = array<i32>} : memref<8x16x128xf32, #tpu.memory_space<vmem>>, vector<16xf32>,
          tpu.vector_store %arg10[%swap3A, %swap3A_221, %swap3A_222], %gather3A_220 {strides = array<i32>} : memref<8x16x128xf32, #tpu.memory_space<vmem>>, vector<16xf32>,
          %add3A_224 = arith.constant 16 : i32
          %add3A_225 = vector.broadcast %add3A_224 : i32 to vector<16xi32>
          %add3A_226 = arith.addi %add3A_225, %iota3A : vector<16xi32>
          %gather3A_227 = tpu.vector_load_idx %arg9[%broadcast_in_dim3A_111, %add3A_226, %gather3A_216] : memref<2x64x512xf32, #tpu.memory_space<vmem>>[vector<16xi32>, vector<16xi32>, vector<16xi32>], vector<16xf32>,
          %swap3A_228 = arith.index_cast %and3A_180 : i32 to index
          %swap3A_229 = arith.index_cast %while3A_213 : i32 to index
          %swap3A_230 = arith.constant 16 : index
          %swap3A_231 = tpu.vector_load %arg10[%swap3A_228, %swap3A_229, %swap3A_230] {strides = array<i32>} : memref<8x16x128xf32, #tpu.memory_space<vmem>>, vector<16xf32>,
          tpu.vector_store %arg10[%swap3A_228, %swap3A_229, %swap3A_230], %gather3A_227 {strides = array<i32>} : memref<8x16x128xf32, #tpu.memory_space<vmem>>, vector<16xf32>,
          %add3A_232 = arith.constant 32 : i32
          %add3A_233 = vector.broadcast %add3A_232 : i32 to vector<16xi32>
          %add3A_234 = arith.addi %add3A_233, %iota3A : vector<16xi32>
          %gather3A_235 = tpu.vector_load_idx %arg9[%broadcast_in_dim3A_111, %add3A_234, %gather3A_216] : memref<2x64x512xf32, #tpu.memory_space<vmem>>[vector<16xi32>, vector<16xi32>, vector<16xi32>], vector<16xf32>,
          %swap3A_236 = arith.index_cast %and3A_180 : i32 to index
          %swap3A_237 = arith.index_cast %while3A_213 : i32 to index
          %swap3A_238 = arith.constant 32 : index
          %swap3A_239 = tpu.vector_load %arg10[%swap3A_236, %swap3A_237, %swap3A_238] {strides = array<i32>} : memref<8x16x128xf32, #tpu.memory_space<vmem>>, vector<16xf32>,
          tpu.vector_store %arg10[%swap3A_236, %swap3A_237, %swap3A_238], %gather3A_235 {strides = array<i32>} : memref<8x16x128xf32, #tpu.memory_space<vmem>>, vector<16xf32>,
          %add3A_240 = arith.constant 48 : i32
          %add3A_241 = vector.broadcast %add3A_240 : i32 to vector<16xi32>
          %add3A_242 = arith.addi %add3A_241, %iota3A : vector<16xi32>
          %gather3A_243 = tpu.vector_load_idx %arg9[%broadcast_in_dim3A_111, %add3A_242, %gather3A_216] : memref<2x64x512xf32, #tpu.memory_space<vmem>>[vector<16xi32>, vector<16xi32>, vector<16xi32>], vector<16xf32>,
          %swap3A_244 = arith.index_cast %and3A_180 : i32 to index
          %swap3A_245 = arith.index_cast %while3A_213 : i32 to index
          %swap3A_246 = arith.constant 48 : index
          %swap3A_247 = tpu.vector_load %arg10[%swap3A_244, %swap3A_245, %swap3A_246] {strides = array<i32>} : memref<8x16x128xf32, #tpu.memory_space<vmem>>, vector<16xf32>,
          tpu.vector_store %arg10[%swap3A_244, %swap3A_245, %swap3A_246], %gather3A_243 {strides = array<i32>} : memref<8x16x128xf32, #tpu.memory_space<vmem>>, vector<16xf32>,
          %while3A_248 = arith.constant 0 : i32
          scf.yield %while3A_248 : i32
        }
        %while3A_191 = arith.constant 1 : i32
        %while3A_192 = scf.for %while3A_213 = %while3A_188 to %while3A_184 step %while3A_191 iter_args(%while3A_214 = %while3A_190) -> (i32)  : i32 {
          %broadcast_in_dim3A_215 = vector.broadcast %while3A_213 : i32 to vector<16x1xi32>
          %gather3A = vector.shape_cast %broadcast_in_dim3A_215 : vector<16x1xi32> to vector<16xi32>
          %gather3A_216 = tpu.dynamic_gather %min3A_178[%gather3A] in [0] : vector<16xi32>, vector<16xi32> -> vector<16xi32>
          %add3A_217 = arith.constant 0 : i32
          %add3A_218 = vector.broadcast %add3A_217 : i32 to vector<16xi32>
          %add3A_219 = arith.addi %add3A_218, %iota3A : vector<16xi32>
          %gather3A_220 = tpu.vector_load_idx %arg9[%broadcast_in_dim3A_111, %add3A_219, %gather3A_216] : memref<2x64x512xf32, #tpu.memory_space<vmem>>[vector<16xi32>, vector<16xi32>, vector<16xi32>], vector<16xf32>,
          %swap3A = arith.index_cast %and3A_180 : i32 to index
          %swap3A_221 = arith.index_cast %while3A_213 : i32 to index
          %swap3A_222 = arith.constant 0 : index
          %swap3A_223 = tpu.vector_load %arg10[%swap3A, %swap3A_221, %swap3A_222] {strides = array<i32>} : memref<8x16x128xf32, #tpu.memory_space<vmem>>, vector<16xf32>,
          tpu.vector_store %arg10[%swap3A, %swap3A_221, %swap3A_222], %gather3A_220 {strides = array<i32>} : memref<8x16x128xf32, #tpu.memory_space<vmem>>, vector<16xf32>,
          %add3A_224 = arith.constant 16 : i32
          %add3A_225 = vector.broadcast %add3A_224 : i32 to vector<16xi32>
          %add3A_226 = arith.addi %add3A_225, %iota3A : vector<16xi32>
          %gather3A_227 = tpu.vector_load_idx %arg9[%broadcast_in_dim3A_111, %add3A_226, %gather3A_216] : memref<2x64x512xf32, #tpu.memory_space<vmem>>[vector<16xi32>, vector<16xi32>, vector<16xi32>], vector<16xf32>,
          %swap3A_228 = arith.index_cast %and3A_180 : i32 to index
          %swap3A_229 = arith.index_cast %while3A_213 : i32 to index
          %swap3A_230 = arith.constant 16 : index
          %swap3A_231 = tpu.vector_load %arg10[%swap3A_228, %swap3A_229, %swap3A_230] {strides = array<i32>} : memref<8x16x128xf32, #tpu.memory_space<vmem>>, vector<16xf32>,
          tpu.vector_store %arg10[%swap3A_228, %swap3A_229, %swap3A_230], %gather3A_227 {strides = array<i32>} : memref<8x16x128xf32, #tpu.memory_space<vmem>>, vector<16xf32>,
          %add3A_232 = arith.constant 32 : i32
          %add3A_233 = vector.broadcast %add3A_232 : i32 to vector<16xi32>
          %add3A_234 = arith.addi %add3A_233, %iota3A : vector<16xi32>
          %gather3A_235 = tpu.vector_load_idx %arg9[%broadcast_in_dim3A_111, %add3A_234, %gather3A_216] : memref<2x64x512xf32, #tpu.memory_space<vmem>>[vector<16xi32>, vector<16xi32>, vector<16xi32>], vector<16xf32>,
          %swap3A_236 = arith.index_cast %and3A_180 : i32 to index
          %swap3A_237 = arith.index_cast %while3A_213 : i32 to index
          %swap3A_238 = arith.constant 32 : index
          %swap3A_239 = tpu.vector_load %arg10[%swap3A_236, %swap3A_237, %swap3A_238] {strides = array<i32>} : memref<8x16x128xf32, #tpu.memory_space<vmem>>, vector<16xf32>,
          tpu.vector_store %arg10[%swap3A_236, %swap3A_237, %swap3A_238], %gather3A_235 {strides = array<i32>} : memref<8x16x128xf32, #tpu.memory_space<vmem>>, vector<16xf32>,
          %add3A_240 = arith.constant 48 : i32
          %add3A_241 = vector.broadcast %add3A_240 : i32 to vector<16xi32>
          %add3A_242 = arith.addi %add3A_241, %iota3A : vector<16xi32>
          %gather3A_243 = tpu.vector_load_idx %arg9[%broadcast_in_dim3A_111, %add3A_242, %gather3A_216] : memref<2x64x512xf32, #tpu.memory_space<vmem>>[vector<16xi32>, vector<16xi32>, vector<16xi32>], vector<16xf32>,
          %swap3A_244 = arith.index_cast %and3A_180 : i32 to index
          %swap3A_245 = arith.index_cast %while3A_213 : i32 to index
          %swap3A_246 = arith.constant 48 : index
          %swap3A_247 = tpu.vector_load %arg10[%swap3A_244, %swap3A_245, %swap3A_246] {strides = array<i32>} : memref<8x16x128xf32, #tpu.memory_space<vmem>>, vector<16xf32>,
          tpu.vector_store %arg10[%swap3A_244, %swap3A_245, %swap3A_246], %gather3A_243 {strides = array<i32>} : memref<8x16x128xf32, #tpu.memory_space<vmem>>, vector<16xf32>,
          %while3A_248 = arith.constant 0 : i32
          scf.yield %while3A_248 : i32
        }
        %lt3A_193 = vector.broadcast %reduce_sum3A_170 : i32 to vector<16xi32>
        %lt3A_194 = arith.cmpi slt, %iota3A, %lt3A_193 : vector<16xi32>
        %add3A_195 = arith.constant 16384 : i32
        %add3A_196 = arith.addi %add3A_195, %add3A : i32
        %broadcast_in_dim3A_197 = vector.broadcast %add3A_196 : i32 to vector<16xi32>
        %select_n3A_198 = arith.select %lt3A_194, %masked_sort3A_165, %broadcast_in_dim3A_197 : vector<16xi1>, vector<16xi32>
        %dma_start3A = arith.constant 0 : i32
        %dma_start3A_199 = arith.constant 0 : i32
        %dma_start3A_200 = tpu.memref_slice %arg10[%and3A_180, %dma_start3A, %dma_start3A_199] : memref<8x16x128xf32, #tpu.memory_space<vmem>> -> memref<1x16x128xf32, #tpu.memory_space<vmem>>
        %dma_start3A_201 = tpu.memref_squeeze %dma_start3A_200 : memref<1x16x128xf32, #tpu.memory_space<vmem>> -> memref<16x128xf32, #tpu.memory_space<vmem>>
        %dma_start3A_202 = arith.constant 0 : i32
        %dma_start3A_203 = arith.constant 0 : i32
        %dma_start3A_204 = tpu.memref_slice %arg4[%dma_start3A_202, %dma_start3A_203] : memref<16416x128xf32, #tpu.memory_space<hbm>> -> memref<16416x128xf32, #tpu.memory_space<hbm>>
        tpu.enqueue_indirect_dma source(%dma_start3A_201 : memref<16x128xf32, #tpu.memory_space<vmem>>) target(%dma_start3A_204 : memref<16416x128xf32, #tpu.memory_space<hbm>>) offsets(%select_n3A_198 : vector<16xi32>) semaphore(%arg13 : memref<!tpu.dma_semaphore, #tpu.memory_space<semaphore_mem>>)
        %and3A_205 = arith.constant 7 : i32
        %and3A_206 = arith.andi %while3A_135, %and3A_205 : i32
        %eq3A = arith.constant 7 : i32
        %eq3A_207 = arith.cmpi eq, %and3A_206, %eq3A : i32
        %convert_element_type3A_208 = arith.extui %eq3A_207 : i1 to i32
        %cond3A_209 = arith.constant 0 : i32
        %cond3A_210 = arith.cmpi ne, %convert_element_type3A_208, %cond3A_209 : i32
        scf.if %cond3A_210 {
          %scan3A_213 = arith.constant 0 : i32
          %scan3A_214 = arith.constant 0 : i32
          %scan3A_215 = arith.constant 8 : i32
          %scan3A_216 = arith.addi %scan3A_214, %scan3A_215 : i32
          %scan3A_217 = arith.constant 1 : i32
          %scan3A_218 = scf.for %scan3A_220 = %scan3A_214 to %scan3A_216 step %scan3A_217 iter_args(%scan3A_221 = %scan3A_213) -> (i32)  : i32 {
            %dma_wait3A = arith.constant 0 : i32
            %dma_wait3A_222 = arith.constant 0 : i32
            %dma_wait3A_223 = arith.constant 0 : i32
            %dma_wait3A_224 = tpu.memref_slice %arg10[%dma_wait3A, %dma_wait3A_222, %dma_wait3A_223] : memref<8x16x128xf32, #tpu.memory_space<vmem>> -> memref<1x16x128xf32, #tpu.memory_space<vmem>>
            %dma_wait3A_225 = tpu.memref_squeeze %dma_wait3A_224 : memref<1x16x128xf32, #tpu.memory_space<vmem>> -> memref<16x128xf32, #tpu.memory_space<vmem>>
            %dma_wait3A_226 = arith.constant 0 : i32
            %dma_wait3A_227 = arith.constant 0 : i32
            %dma_wait3A_228 = tpu.memref_slice %arg4[%dma_wait3A_226, %dma_wait3A_227] : memref<16416x128xf32, #tpu.memory_space<hbm>> -> memref<16x128xf32, #tpu.memory_space<hbm>>
            %dma_wait3A_229 = arith.constant 0 : i32
            %dma_wait3A_230 = arith.constant 0 : i32
            %dma_wait3A_231 = tpu.memref_slice %arg4[%dma_wait3A_229, %dma_wait3A_230] : memref<16416x128xf32, #tpu.memory_space<hbm>> -> memref<16x128xf32, #tpu.memory_space<hbm>>
            %dma_wait3A_232 = arith.constant 0 : i32
            %dma_wait3A_233 = arith.constant 0 : i32
            %dma_wait3A_234 = tpu.memref_slice %arg10[%dma_wait3A, %dma_wait3A_232, %dma_wait3A_233] : memref<8x16x128xf32, #tpu.memory_space<vmem>> -> memref<1x16x128xf32, #tpu.memory_space<vmem>>
            %dma_wait3A_235 = tpu.memref_squeeze %dma_wait3A_234 : memref<1x16x128xf32, #tpu.memory_space<vmem>> -> memref<16x128xf32, #tpu.memory_space<vmem>>
            tpu.wait_dma2 semaphore(%arg13 : memref<!tpu.dma_semaphore, #tpu.memory_space<semaphore_mem>>) src(%dma_wait3A_235 : memref<16x128xf32, #tpu.memory_space<vmem>>) dst(%dma_wait3A_231 : memref<16x128xf32, #tpu.memory_space<hbm>>)
            %scan3A_236 = arith.constant 0 : i32
            scf.yield %scan3A_236 : i32
          }
          %scan3A_219 = arith.constant 8 : i32
        } else {
        }
        %add3A_211 = arith.constant 1 : i32
        %add3A_212 = arith.addi %while3A_135, %add3A_211 : i32
        scf.yield %add3A_212 : i32
      }
      %add3A_128 = arith.constant 2 : i32
      %add3A_129 = arith.addi %add3A_93, %add3A_128 : i32
      %lt3A_130 = arith.cmpi slt, %add3A_129, %min3A : i32
      %convert_element_type3A_131 = arith.extui %lt3A_130 : i1 to i32
      %cond3A_132 = arith.constant 0 : i32
      %cond3A_133 = arith.cmpi ne, %convert_element_type3A_131, %cond3A_132 : i32
      scf.if %cond3A_133 {
        %add3A_134 = arith.constant 2 : i32
        %add3A_135 = arith.addi %add3A_93, %add3A_134 : i32
        %add3A_136 = arith.addi %mul3A_2, %add3A_135 : i32
        %mul3A_137 = arith.constant 512 : i32
        %mul3A_138 = arith.muli %add3A_136, %mul3A_137 : i32
        %min3A_139 = arith.constant 999552 : i32
        %min3A_140 = arith.minsi %mul3A_138, %min3A_139 : i32
        %dma_start3A = arith.constant 1 : i32
        %dma_start3A_141 = arith.constant 0 : i32
        %dma_start3A_142 = arith.constant 0 : i32
        %dma_start3A_143 = tpu.memref_slice %arg9[%dma_start3A, %dma_start3A_141, %dma_start3A_142] : memref<2x64x512xf32, #tpu.memory_space<vmem>> -> memref<1x64x512xf32, #tpu.memory_space<vmem>>
        %dma_start3A_144 = tpu.memref_squeeze %dma_start3A_143 : memref<1x64x512xf32, #tpu.memory_space<vmem>> -> memref<64x512xf32, #tpu.memory_space<vmem>>
        %dma_start3A_145 = arith.constant 0 : i32
        %dma_start3A_146 = tpu.memref_slice %arg3[%dma_start3A_145, %min3A_140] : memref<64x1000000xf32, #tpu.memory_space<hbm>> -> memref<64x512xf32, #tpu.memory_space<hbm>>
        %dma_start3A_147 = arith.constant 0 : i32
        %dma_start3A_148 = arith.constant 0 : i32
        %dma_start3A_149 = tpu.memref_slice %arg9[%dma_start3A, %dma_start3A_147, %dma_start3A_148] : memref<2x64x512xf32, #tpu.memory_space<vmem>> -> memref<1x64x512xf32, #tpu.memory_space<vmem>>
        %dma_start3A_150 = tpu.memref_squeeze %dma_start3A_149 : memref<1x64x512xf32, #tpu.memory_space<vmem>> -> memref<64x512xf32, #tpu.memory_space<vmem>>
        %dma_start3A_151 = arith.constant 0 : i32
        %dma_start3A_152 = tpu.memref_slice %arg3[%dma_start3A_151, %min3A_140] : memref<64x1000000xf32, #tpu.memory_space<hbm>> -> memref<64x512xf32, #tpu.memory_space<hbm>>
        tpu.enqueue_dma source(%dma_start3A_152 : memref<64x512xf32, #tpu.memory_space<hbm>>) target(%dma_start3A_150 : memref<64x512xf32, #tpu.memory_space<vmem>>) target_semaphore(%arg12 : memref<!tpu.dma_semaphore, #tpu.memory_space<semaphore_mem>>)
      } else {
      }
      scf.yield %while3A_127 : i32
    }
    %scan3A_34 = arith.constant 31 : i32
    %and3A = arith.constant 7 : i32
    %and3A_35 = arith.andi %scan3A_33, %and3A : i32
    %while3A = arith.constant 0 : i32
    %while3A_36 = arith.constant 0 : i32
    %while3A_37 = arith.subi %and3A_35, %while3A : i32
    %while3A_38 = arith.addi %while3A, %while3A_37 : i32
    %while3A_39 = arith.constant 1 : i32
    %while3A_40 = arith.divsi %while3A_37, %while3A_39 : i32
    %while3A_41 = arith.muli %while3A_40, %while3A_39 : i32
    %while3A_42 = arith.addi %while3A, %while3A_41 : i32
    %while3A_43 = arith.constant 1 : i32
    %while3A_44 = scf.for %while3A_47 = %while3A to %while3A_42 step %while3A_43 iter_args(%while3A_48 = %while3A_36) -> (i32)  : i32 {
      %dma_wait3A = arith.constant 0 : i32
      %dma_wait3A_49 = arith.constant 0 : i32
      %dma_wait3A_50 = arith.constant 0 : i32
      %dma_wait3A_51 = tpu.memref_slice %arg10[%dma_wait3A, %dma_wait3A_49, %dma_wait3A_50] : memref<8x16x128xf32, #tpu.memory_space<vmem>> -> memref<1x16x128xf32, #tpu.memory_space<vmem>>
      %dma_wait3A_52 = tpu.memref_squeeze %dma_wait3A_51 : memref<1x16x128xf32, #tpu.memory_space<vmem>> -> memref<16x128xf32, #tpu.memory_space<vmem>>
      %dma_wait3A_53 = arith.constant 0 : i32
      %dma_wait3A_54 = arith.constant 0 : i32
      %dma_wait3A_55 = tpu.memref_slice %arg4[%dma_wait3A_53, %dma_wait3A_54] : memref<16416x128xf32, #tpu.memory_space<hbm>> -> memref<16x128xf32, #tpu.memory_space<hbm>>
      %dma_wait3A_56 = arith.constant 0 : i32
      %dma_wait3A_57 = arith.constant 0 : i32
      %dma_wait3A_58 = tpu.memref_slice %arg4[%dma_wait3A_56, %dma_wait3A_57] : memref<16416x128xf32, #tpu.memory_space<hbm>> -> memref<16x128xf32, #tpu.memory_space<hbm>>
      %dma_wait3A_59 = arith.constant 0 : i32
      %dma_wait3A_60 = arith.constant 0 : i32
      %dma_wait3A_61 = tpu.memref_slice %arg10[%dma_wait3A, %dma_wait3A_59, %dma_wait3A_60] : memref<8x16x128xf32, #tpu.memory_space<vmem>> -> memref<1x16x128xf32, #tpu.memory_space<vmem>>
      %dma_wait3A_62 = tpu.memref_squeeze %dma_wait3A_61 : memref<1x16x128xf32, #tpu.memory_space<vmem>> -> memref<16x128xf32, #tpu.memory_space<vmem>>
      tpu.wait_dma2 semaphore(%arg13 : memref<!tpu.dma_semaphore, #tpu.memory_space<semaphore_mem>>) src(%dma_wait3A_62 : memref<16x128xf32, #tpu.memory_space<vmem>>) dst(%dma_wait3A_58 : memref<16x128xf32, #tpu.memory_space<hbm>>)
      %while3A_63 = arith.constant 0 : i32
      scf.yield %while3A_63 : i32
    }
    %while3A_45 = arith.constant 1 : i32
    %while3A_46 = scf.for %while3A_47 = %while3A_42 to %while3A_38 step %while3A_45 iter_args(%while3A_48 = %while3A_44) -> (i32)  : i32 {
      %dma_wait3A = arith.constant 0 : i32
      %dma_wait3A_49 = arith.constant 0 : i32
      %dma_wait3A_50 = arith.constant 0 : i32
      %dma_wait3A_51 = tpu.memref_slice %arg10[%dma_wait3A, %dma_wait3A_49, %dma_wait3A_50] : memref<8x16x128xf32, #tpu.memory_space<vmem>> -> memref<1x16x128xf32, #tpu.memory_space<vmem>>
      %dma_wait3A_52 = tpu.memref_squeeze %dma_wait3A_51 : memref<1x16x128xf32, #tpu.memory_space<vmem>> -> memref<16x128xf32, #tpu.memory_space<vmem>>
      %dma_wait3A_53 = arith.constant 0 : i32
      %dma_wait3A_54 = arith.constant 0 : i32
      %dma_wait3A_55 = tpu.memref_slice %arg4[%dma_wait3A_53, %dma_wait3A_54] : memref<16416x128xf32, #tpu.memory_space<hbm>> -> memref<16x128xf32, #tpu.memory_space<hbm>>
      %dma_wait3A_56 = arith.constant 0 : i32
      %dma_wait3A_57 = arith.constant 0 : i32
      %dma_wait3A_58 = tpu.memref_slice %arg4[%dma_wait3A_56, %dma_wait3A_57] : memref<16416x128xf32, #tpu.memory_space<hbm>> -> memref<16x128xf32, #tpu.memory_space<hbm>>
      %dma_wait3A_59 = arith.constant 0 : i32
      %dma_wait3A_60 = arith.constant 0 : i32
      %dma_wait3A_61 = tpu.memref_slice %arg10[%dma_wait3A, %dma_wait3A_59, %dma_wait3A_60] : memref<8x16x128xf32, #tpu.memory_space<vmem>> -> memref<1x16x128xf32, #tpu.memory_space<vmem>>
      %dma_wait3A_62 = tpu.memref_squeeze %dma_wait3A_61 : memref<1x16x128xf32, #tpu.memory_space<vmem>> -> memref<16x128xf32, #tpu.memory_space<vmem>>
      tpu.wait_dma2 semaphore(%arg13 : memref<!tpu.dma_semaphore, #tpu.memory_space<semaphore_mem>>) src(%dma_wait3A_62 : memref<16x128xf32, #tpu.memory_space<vmem>>) dst(%dma_wait3A_58 : memref<16x128xf32, #tpu.memory_space<hbm>>)
      %while3A_63 = arith.constant 0 : i32
      scf.yield %while3A_63 : i32
    }
    return
  }
}

#map = affine_map<(d0, d1) -> (0, 0)>
module attributes {stable_mosaic.version = 14 : i64} {
  func.func @_dot_body(%arg0: i32, %arg1: i32, %arg2: memref<16416x128xf32, #tpu.memory_space<hbm>>, %arg3: memref<16416x128xf32, #tpu.memory_space<hbm>>, %arg4: memref<32x512xf32, #tpu.memory_space<hbm>>, %arg5: memref<128x128xf32, #tpu.memory_space<vmem>>, %arg6: memref<128x128xf32, #tpu.memory_space<vmem>>, %arg7: memref<512xf32, #tpu.memory_space<vmem>>, %arg8: memref<!tpu.dma_semaphore, #tpu.memory_space<semaphore_mem>>, %arg9: memref<!tpu.dma_semaphore, #tpu.memory_space<semaphore_mem>>) attributes {dimension_semantics = [#tpu.dimension_semantics<core_parallel>, #tpu.dimension_semantics<subcore_parallel>], iteration_bounds = array<i64: 2, 16>, scalar_prefetch = 0 : i64, scratch_operands = 5 : i64, tpu.core_type = #tpu.core_type<sc_vector_subcore>, window_params = [{transform_indices = #map}, {transform_indices = #map}, {transform_indices = #map}]} {
    %mul3A = arith.constant 2 : i32
    %mul3A_0 = arith.muli %arg1, %mul3A : i32
    %add3A = arith.addi %mul3A_0, %arg0 : i32
    %iota3A = tpu.iota {dimensions = array<i32: 0>} : vector<16xi32>
    %scan3A = arith.constant 0 : i32
    %scan3A_1 = arith.constant 0 : i32
    %scan3A_2 = arith.constant 4 : i32
    %scan3A_3 = arith.addi %scan3A_1, %scan3A_2 : i32
    %scan3A_4 = arith.constant 1 : i32
    %scan3A_5 = scf.for %scan3A_7 = %scan3A_1 to %scan3A_3 step %scan3A_4 iter_args(%scan3A_8 = %scan3A) -> (i32)  : i32 {
      %mul3A_9 = arith.constant 512 : i32
      %mul3A_10 = arith.muli %add3A, %mul3A_9 : i32
      %mul3A_11 = arith.constant 128 : i32
      %mul3A_12 = arith.muli %scan3A_7, %mul3A_11 : i32
      %add3A_13 = arith.addi %mul3A_10, %mul3A_12 : i32
      %dma_start3A = arith.constant 0 : i32
      %dma_start3A_14 = tpu.memref_slice %arg2[%add3A_13, %dma_start3A] : memref<16416x128xf32, #tpu.memory_space<hbm>> -> memref<128x128xf32, #tpu.memory_space<hbm>>
      %dma_start3A_15 = arith.constant 0 : i32
      %dma_start3A_16 = tpu.memref_slice %arg2[%add3A_13, %dma_start3A_15] : memref<16416x128xf32, #tpu.memory_space<hbm>> -> memref<128x128xf32, #tpu.memory_space<hbm>>
      tpu.enqueue_dma source(%dma_start3A_16 : memref<128x128xf32, #tpu.memory_space<hbm>>) target(%arg5 : memref<128x128xf32, #tpu.memory_space<vmem>>) target_semaphore(%arg8 : memref<!tpu.dma_semaphore, #tpu.memory_space<semaphore_mem>>)
      %dma_start3A_17 = arith.constant 0 : i32
      %dma_start3A_18 = tpu.memref_slice %arg3[%add3A_13, %dma_start3A_17] : memref<16416x128xf32, #tpu.memory_space<hbm>> -> memref<128x128xf32, #tpu.memory_space<hbm>>
      %dma_start3A_19 = arith.constant 0 : i32
      %dma_start3A_20 = tpu.memref_slice %arg3[%add3A_13, %dma_start3A_19] : memref<16416x128xf32, #tpu.memory_space<hbm>> -> memref<128x128xf32, #tpu.memory_space<hbm>>
      tpu.enqueue_dma source(%dma_start3A_20 : memref<128x128xf32, #tpu.memory_space<hbm>>) target(%arg6 : memref<128x128xf32, #tpu.memory_space<vmem>>) target_semaphore(%arg9 : memref<!tpu.dma_semaphore, #tpu.memory_space<semaphore_mem>>)
      %dma_wait3A = arith.constant 0 : i32
      %dma_wait3A_21 = tpu.memref_slice %arg2[%add3A_13, %dma_wait3A] : memref<16416x128xf32, #tpu.memory_space<hbm>> -> memref<128x128xf32, #tpu.memory_space<hbm>>
      %dma_wait3A_22 = arith.constant 0 : i32
      %dma_wait3A_23 = tpu.memref_slice %arg2[%add3A_13, %dma_wait3A_22] : memref<16416x128xf32, #tpu.memory_space<hbm>> -> memref<128x128xf32, #tpu.memory_space<hbm>>
      tpu.wait_dma2 semaphore(%arg8 : memref<!tpu.dma_semaphore, #tpu.memory_space<semaphore_mem>>) src(%dma_wait3A_23 : memref<128x128xf32, #tpu.memory_space<hbm>>) dst(%arg5 : memref<128x128xf32, #tpu.memory_space<vmem>>)
      %dma_wait3A_24 = arith.constant 0 : i32
      %dma_wait3A_25 = tpu.memref_slice %arg3[%add3A_13, %dma_wait3A_24] : memref<16416x128xf32, #tpu.memory_space<hbm>> -> memref<128x128xf32, #tpu.memory_space<hbm>>
      %dma_wait3A_26 = arith.constant 0 : i32
      %dma_wait3A_27 = tpu.memref_slice %arg3[%add3A_13, %dma_wait3A_26] : memref<16416x128xf32, #tpu.memory_space<hbm>> -> memref<128x128xf32, #tpu.memory_space<hbm>>
      tpu.wait_dma2 semaphore(%arg9 : memref<!tpu.dma_semaphore, #tpu.memory_space<semaphore_mem>>) src(%dma_wait3A_27 : memref<128x128xf32, #tpu.memory_space<hbm>>) dst(%arg6 : memref<128x128xf32, #tpu.memory_space<vmem>>)
      %scan3A_28 = arith.constant 0 : i32
      %scan3A_29 = arith.constant 0 : i32
      %scan3A_30 = arith.constant 8 : i32
      %scan3A_31 = arith.addi %scan3A_29, %scan3A_30 : i32
      %scan3A_32 = arith.constant 1 : i32
      %scan3A_33 = scf.for %scan3A_36 = %scan3A_29 to %scan3A_31 step %scan3A_32 iter_args(%scan3A_37 = %scan3A_28) -> (i32)  : i32 {
        %mul3A_38 = arith.constant 16 : i32
        %mul3A_39 = arith.muli %scan3A_36, %mul3A_38 : i32
        %add3A_40 = vector.broadcast %mul3A_39 : i32 to vector<16xi32>
        %add3A_41 = arith.addi %add3A_40, %iota3A : vector<16xi32>
        %broadcast_in_dim3A = arith.constant 0.000000e+00 : f32
        %broadcast_in_dim3A_42 = vector.broadcast %broadcast_in_dim3A : f32 to vector<16xf32>
        %scan3A_43 = arith.constant 0 : i32
        %scan3A_44 = arith.constant 64 : i32
        %scan3A_45 = arith.addi %scan3A_43, %scan3A_44 : i32
        %scan3A_46 = arith.constant 1 : i32
        %scan3A_47 = scf.for %scan3A_56 = %scan3A_43 to %scan3A_45 step %scan3A_46 iter_args(%scan3A_57 = %broadcast_in_dim3A_42) -> (vector<16xf32>)  : i32 {
          %broadcast_in_dim3A_58 = vector.broadcast %scan3A_56 : i32 to vector<16xi32>
          %gather3A = tpu.vector_load_idx %arg5[%add3A_41, %broadcast_in_dim3A_58] : memref<128x128xf32, #tpu.memory_space<vmem>>[vector<16xi32>, vector<16xi32>], vector<16xf32>,
          %gather3A_59 = tpu.vector_load_idx %arg6[%add3A_41, %broadcast_in_dim3A_58] : memref<128x128xf32, #tpu.memory_space<vmem>>[vector<16xi32>, vector<16xi32>], vector<16xf32>,
          %mul3A_60 = arith.mulf %gather3A, %gather3A_59 : vector<16xf32>
          %add3A_61 = arith.addf %scan3A_57, %mul3A_60 : vector<16xf32>
          scf.yield %add3A_61 : vector<16xf32>
        }
        %scan3A_48 = arith.constant 64 : i32
        %mul3A_49 = arith.constant 128 : i32
        %mul3A_50 = arith.muli %scan3A_7, %mul3A_49 : i32
        %mul3A_51 = arith.constant 16 : i32
        %mul3A_52 = arith.muli %scan3A_36, %mul3A_51 : i32
        %add3A_53 = arith.addi %mul3A_50, %mul3A_52 : i32
        %swap3A = arith.index_cast %add3A_53 : i32 to index
        %swap3A_54 = tpu.vector_load %arg7[%swap3A] {strides = array<i32>} : memref<512xf32, #tpu.memory_space<vmem>>, vector<16xf32>,
        tpu.vector_store %arg7[%swap3A], %scan3A_47 {strides = array<i32>} : memref<512xf32, #tpu.memory_space<vmem>>, vector<16xf32>,
        %scan3A_55 = arith.constant 0 : i32
        scf.yield %scan3A_55 : i32
      }
      %scan3A_34 = arith.constant 8 : i32
      %scan3A_35 = arith.constant 0 : i32
      scf.yield %scan3A_35 : i32
    }
    %scan3A_6 = arith.constant 4 : i32
    "tpu.region"() ({
      %run_scoped3A = tpu.sem_alloc : memref<!tpu.dma_semaphore, #tpu.memory_space<semaphore_mem>>
      %dma_start3A = arith.constant 0 : i32
      %dma_start3A_7 = tpu.memref_slice %arg4[%add3A, %dma_start3A] : memref<32x512xf32, #tpu.memory_space<hbm>> -> memref<1x512xf32, #tpu.memory_space<hbm>>
      %dma_start3A_8 = tpu.memref_squeeze %dma_start3A_7 : memref<1x512xf32, #tpu.memory_space<hbm>> -> memref<512xf32, #tpu.memory_space<hbm>>
      %dma_start3A_9 = arith.constant 0 : i32
      %dma_start3A_10 = tpu.memref_slice %arg4[%add3A, %dma_start3A_9] : memref<32x512xf32, #tpu.memory_space<hbm>> -> memref<1x512xf32, #tpu.memory_space<hbm>>
      %dma_start3A_11 = tpu.memref_squeeze %dma_start3A_10 : memref<1x512xf32, #tpu.memory_space<hbm>> -> memref<512xf32, #tpu.memory_space<hbm>>
      tpu.enqueue_dma source(%arg7 : memref<512xf32, #tpu.memory_space<vmem>>) target(%dma_start3A_11 : memref<512xf32, #tpu.memory_space<hbm>>) target_semaphore(%run_scoped3A : memref<!tpu.dma_semaphore, #tpu.memory_space<semaphore_mem>>)
      %dma_wait3A = arith.constant 0 : i32
      %dma_wait3A_12 = tpu.memref_slice %arg4[%add3A, %dma_wait3A] : memref<32x512xf32, #tpu.memory_space<hbm>> -> memref<1x512xf32, #tpu.memory_space<hbm>>
      %dma_wait3A_13 = tpu.memref_squeeze %dma_wait3A_12 : memref<1x512xf32, #tpu.memory_space<hbm>> -> memref<512xf32, #tpu.memory_space<hbm>>
      %dma_wait3A_14 = arith.constant 0 : i32
      %dma_wait3A_15 = tpu.memref_slice %arg4[%add3A, %dma_wait3A_14] : memref<32x512xf32, #tpu.memory_space<hbm>> -> memref<1x512xf32, #tpu.memory_space<hbm>>
      %dma_wait3A_16 = tpu.memref_squeeze %dma_wait3A_15 : memref<1x512xf32, #tpu.memory_space<hbm>> -> memref<512xf32, #tpu.memory_space<hbm>>
      tpu.wait_dma2 semaphore(%run_scoped3A : memref<!tpu.dma_semaphore, #tpu.memory_space<semaphore_mem>>) src(%arg7 : memref<512xf32, #tpu.memory_space<vmem>>) dst(%dma_wait3A_16 : memref<512xf32, #tpu.memory_space<hbm>>)
      tpu.yield
    }) : () -> ()
    return
  }
}

</mosaic_0001>

<sc_bundles>
// kernel: _mf_dot.11.cloned.1.call-start
scs
__scs_entry_jumppad:
0x0: {  	(pc) =	sbr.rel $0x88, $3  }
0x1: {  	(tag) =	ssettag $0x0;
	lr =	simm.s32 $0x1  }
0x2: {  	[smem:$0x3F9D] =	sst lr;
	_ =	strace $0xD0000000  }
0x3: {  	_ = 	snop  }
0x4: {  	_ = 	snop  }
0x5: {  	_ = 	snop  }
0x6: {  	_ = 	snop  }
0x7: {  	_ = 	snop  }
__scs_overlays_trampoline_lowered:
0x8: {  	[smem:$0x3FAC] =	sst s0  }
0x9: {  	[smem:$0x3FAD] =	sst s1  }
0xa: {  	[smem:$0x3FAE] =	sst s2  }
0xb: {  	[smem:$0x3FAF] =	sst s3  }
0xc: {  	[smem:$0x3FB0] =	sst s4  }
0xd: {  	[smem:$0x3FB1] =	sst s5  }
0xe: {  	[smem:$0x3FB2] =	sst s6  }
0xf: {  	[smem:$0x3FB3] =	sst s7  }
0x10: {  	[smem:$0x3FB4] =	sst s8  }
0x11: {  	[smem:$0x3FB5] =	sst s9;
	s0 =	simm.s32 @!p0 $0x0  }
0x12: {  	s1 =	sld [smem:$0x3F9B];
	s0 =	simm.s32 @p0 $0x1  }
0x13: {  	[smem:$0x3FB6] =	sst s0;
	s0 =	simm.s32 @!p1 $0x0  }
0x14: {  	s2 =	sld [smem:$0x3F9A];
	s0 =	simm.s32 @p1 $0x1  }
0x15: {  	[smem:$0x3FB7] =	sst s0;
	s0 =	simm.s32 @!p2 $0x0  }
0x16: {  	s3 =	sld [smem:$0x3FDB];
	s0 =	simm.s32 @p2 $0x1  }
0x17: {  	s4 =	simm.s32 $0x1BF5;
	[smem:$0x3FB9] =	sst s0  }
0x18: {  	s0 =	sld [smem:$0x3F9C];
	_ =	swait.ge [sflag:s4], $0x0  }
0x19: {  	s7 =	sld [smem:$0x3F9D]  }
0x1a: {  	s8 =	sadd.s32 $0xFFFFE003, lr  }
0x1b: {  	s9 =	sadd.s32 $0xFFFFFEF7, lr;
	s5 =	simm.s32 $0xFFFFFFFF;
	p2 =	slt.u32 s8, $0xFFFFF086  }
0x1c: {  	p1 =	slt.u32 s9, $0xF7A;
	s5 =	simm.s32 @!p2 $0x0  }
0x1d: {  	s5 =	simm.s32 @p1 $0x1;
	p0 =	seq.s32 s7, s2  }
0x1e: {  	s7 =	smul.u32 @!p0 $0xF7A, s2;
	p2 =	seq.s32 @!p0 s5, $0x0  }
0x1f: {  	s9 =	smul.u32 $0xF7A, s1;
	s8 =	simm.s32 @!p0 $0x1BF5;
	p2 =	por !p2, p0  }
0x20: {  	[sflag:s8] =	ssyncset.s32 @!p0 $0xFFFFF086;
	s6 =	sadd.s32 @!p0 s3, s7;
	s7 =	simm.s32 @!p0 $0x108  }
0x21: {  	s3 =	sadd.s32 s3, s9;
	s6 =	sadd.s32 @!p0 $0x88, s6;
	s7 =	simm.s32 @p2 $0x1082  }
0x22: {  	[simem:s7], [sflag:s8] =	dma.local @!p0 [hbm:s6], $0xF7A  }
0x23: {  	s9 =	sor.u32 $0xD0000000, s2;
	s6 =	simm.s32 $0x108;
	_ =	swait.ge @!p0 [sflag:s8], $0x0  }
0x24: {  	s3 =	sadd.s32 $0x88, s3;
	s6 =	simm.s32 @!p1 $0x1082;
	[sflag:s4] =	ssyncset.s32 $0xFFFFF086  }
0x25: {  	[simem:s6], [sflag:s4] =	dma.local [hbm:s3], $0xF7A  }
0x26: {  	[smem:$0x3F9D] =	sst s1;
	(tag) =	ssettag s2;
	_ =	strace s9  }
0x27: {  	s1 =	sld [smem:$0x3FAD]  }
0x28: {  	s2 =	sld [smem:$0x3FAE]  }
0x29: {  	s4 =	sld [smem:$0x3FB0]  }
0x2a: {  	p0 =	seq.s32 s5, $0x0;
	s5 =	sld [smem:$0x3FB1]  }
0x2b: {  	s6 =	sld [smem:$0x3FB2]  }
0x2c: {  	s7 =	sld [smem:$0x3FB3]  }
0x2d: {  	s3 =	simm.s32 $0x108;
	s8 =	sld [smem:$0x3FB4]  }
0x2e: {  	s3 =	simm.s32 @!p0 $0x1082;
	s9 =	sld [smem:$0x3FB5]  }
0x2f: {  	lr =	sadd.s32 s0, s3;
	s0 =	sld [smem:$0x3FAC]  }
0x30: {  	s3 =	sld [smem:$0x3FAF]  }
0x31: {  	[smem:$0x3FB8] =	sst s10  }
0x32: {  	s10 =	sld [smem:$0x3FB6];
	_ =	sdelay $0x3  }
0x33: {  	p0 =	seq.s32 s10, $0x1;
	s10 =	sld [smem:$0x3FB8];
	_ =	sdelay $0x3  }
0x34: {  	[smem:$0x3FB8] =	sst s10  }
0x35: {  	s10 =	sld [smem:$0x3FB7];
	_ =	sdelay $0x3  }
0x36: {  	p1 =	seq.s32 s10, $0x1;
	s10 =	sld [smem:$0x3FB8];
	_ =	sdelay $0x3  }
0x37: {  	[smem:$0x3FB8] =	sst s10  }
0x38: {  	s10 =	sld [smem:$0x3FB9]  }
0x39: {  	_ = 	snop;
	(pc) =	sbr.ind lr, $3  }
0x3a: {  	_ = 	snop  }
0x3b: {  	_ = 	snop  }
0x3c: {  	p2 =	seq.s32 s10, $0x1;
	s10 =	sld [smem:$0x3FB8]  }
0x3d: {  	_ =	shalt  }
0x3e: {  	_ =	shalt  }
0x3f: {  	_ =	shalt  }
0x40: {  	_ =	shalt  }
0x41: {  	_ =	shalt  }
0x42: {  	_ =	shalt  }
0x43: {  	_ =	shalt  }
0x44: {  	_ =	shalt  }
0x45: {  	_ =	shalt  }
0x46: {  	_ =	shalt  }
0x47: {  	_ =	shalt  }
0x48: {  	_ =	shalt  }
0x49: {  	_ =	shalt  }
0x4a: {  	_ =	shalt  }
0x4b: {  	_ =	shalt  }
0x4c: {  	_ =	shalt  }
0x4d: {  	_ =	shalt  }
0x4e: {  	_ =	shalt  }
0x4f: {  	_ =	shalt  }
0x50: {  	_ =	shalt  }
0x51: {  	_ =	shalt  }
0x52: {  	_ =	shalt  }
0x53: {  	_ =	shalt  }
0x54: {  	_ =	shalt  }
0x55: {  	_ =	shalt  }
0x56: {  	_ =	shalt  }
0x57: {  	_ =	shalt  }
0x58: {  	_ =	shalt  }
0x59: {  	_ =	shalt  }
0x5a: {  	_ =	shalt  }
0x5b: {  	_ =	shalt  }
0x5c: {  	_ =	shalt  }
0x5d: {  	_ =	shalt  }
0x5e: {  	_ =	shalt  }
0x5f: {  	_ =	shalt  }
0x60: {  	_ =	shalt  }
0x61: {  	_ =	shalt  }
0x62: {  	_ =	shalt  }
0x63: {  	_ =	shalt  }
0x64: {  	_ =	shalt  }
0x65: {  	_ =	shalt  }
0x66: {  	_ =	shalt  }
0x67: {  	_ =	shalt  }
0x68: {  	_ =	shalt  }
0x69: {  	_ =	shalt  }
0x6a: {  	_ =	shalt  }
0x6b: {  	_ =	shalt  }
0x6c: {  	_ =	shalt  }
0x6d: {  	_ =	shalt  }
0x6e: {  	_ =	shalt  }
0x6f: {  	_ =	shalt  }
0x70: {  	_ =	shalt  }
0x71: {  	_ =	shalt  }
0x72: {  	_ =	shalt  }
0x73: {  	_ =	shalt  }
0x74: {  	_ =	shalt  }
0x75: {  	_ =	shalt  }
0x76: {  	_ =	shalt  }
0x77: {  	_ =	shalt  }
0x78: {  	_ =	shalt  }
0x79: {  	_ =	shalt  }
0x7a: {  	_ =	shalt  }
0x7b: {  	_ =	shalt  }
0x7c: {  	_ =	shalt  }
0x7d: {  	_ =	shalt  }
0x7e: {  	_ =	shalt  }
0x7f: {  	_ =	shalt  }
0x80: {  	_ =	shalt  }
0x81: {  	_ =	shalt  }
0x82: {  	_ =	shalt  }
0x83: {  	_ =	shalt  }
0x84: {  	_ =	shalt  }
0x85: {  	_ =	shalt  }
0x86: {  	_ =	shalt  }
0x87: {  	_ =	shalt  }
.Lfunc_end0:
.L_simem_size_0:
called_computation.2_lowered:
.L_overlay_start_0:
0x88: {  	s2 =	sld [smem:$0x3FD9]  }
0x89: {  	s3 =	sld [smem:$0x3FFE];
	_ =	sdelay $0x1  }
0x8a: {  	s1 =	srdreg.scid  }
0x8b: {  	s0 =	sand.u32 $0x1, s1  }
0x8c: {  	s16 =	sshll.u32 s0, $0xA;
	s2 =	sadd.s32 s3, s2  }
0x8d: {  	s2 =	sadd.s32 s2, s16  }
0x8e: {  	[smem:$0x3FC4] =	sst s2  }
0x8f: {  	_ = 	snop  }
0x90: {  	(tm) =	ssettm $0x1  }
0x91: {  	s17 =	sld [smem:$0x3FFB];
	_ =	sdelay $0x3  }
0x92: {  	_ =	strace s17  }
0x93: {  	s2 =	sld [smem:$0x3FFC];
	_ =	sdelay $0x3  }
0x94: {  	_ =	strace s2  }
0x95: {  	s2 =	sld [smem:$0x3FFD];
	_ =	sdelay $0x3  }
0x96: {  	_ =	strace s2  }
0x97: {  	_ =	strace $0x8FFFFFFF  }
0x98: {  	s18 =	sld [smem:$0x3FDB];
	_ =	sdelay $0x1  }
0x99: {  	s19 =	simm.s32 $_scs_section_size  }
0x9a: {  	s4 =	simm.s32 $_size__tile_overlayer_lowered;
	s5 =	simm.s32 $_tile_overlayer_lowered  }
0x9b: {  	s22 =	simm.s32 $0x1BFF;
	s21 =	sshll.u32 s5, $0x1;
	s2 =	sadd.s32 s19, s18  }
0x9c: {  	s6 =	simm.s32 $0x0;
	s20 =	sshll.u32 s4, $0x1;
	s4 =	sadd.s32 s21, s2  }
0x9d: {  	[timem:s6], [sflag:s22] =	dma.local [hbm:s4], s20  }
0x9e: {  	_ =	swait.ge [sflag:s22], s20  }
0x9f: {  	s3 =	ssub.s32 $0x0, s20;
	[sflag:s22] =	ssyncset.done $0x0  }
0xa0: {  	[sflag:s22] =	ssyncadd.s32 s3;
	_ =	sdelay $0x1  }
0xa1: {  	s23 =	simm.s32 $0x1B8B  }
0xa2: {  	_ =	swait.ge [sflag:s23], $0x1  }
0xa3: {  	[sflag:s23] =	ssyncset.done $0x0  }
0xa4: {  	s25 =	simm.s32 $0x1B8E;
	s24 =	sld [smem:$0x3FFE];
	[sflag:s23] =	ssyncadd.s32 $0xFFFFFFFF  }
0xa5: {  	s26 =	simm.s32 $execute0_lowered;
	[smem:$0x3FD2] =	sst s25  }
0xa6: {  	s4 =	sshll.u32 s26, $0x1;
	_ =	strace $0x8000004C;
	[dreg:$0x1] =	wrdreg $0xFFFFFFFF  }
0xa7: {  	s28 =	simm.s32 $_size_execute0_lowered;
	s2 =	sadd.s32 s2, s4;
	[dreg:$0x0] =	wrdreg $0x0  }
0xa8: {  	s4 =	sshll.u32 s28, $0x1;
	[dreg:$0x2] =	wrdreg s2  }
0xa9: {  	[dreg:$0x3] =	wrdreg s4  }
0xaa: {  	[dreg:$0x4] =	wrdreg $0xC0  }
0xab: {  	_ =	task [dreg:s6], $0x5FFFF  }
0xac: {  	[dreg:$0x1] =	wrdreg $0xFFFFFFFF  }
0xad: {  	[dreg:$0x0] =	wrdreg $0x60  }
0xae: {  	[dreg:$0x2] =	wrdreg s24  }
0xaf: {  	[dreg:$0x3] =	wrdreg $0x9  }
0xb0: {  	_ =	task.clear_ibuf [dreg:s6], $0x4FFFF;
	_ =	strace $0x9000004C  }
0xb1: {  	s29 =	simm.s32 $0x9;
	_ =	strace $0x8000004E  }
0xb2: {  	_ =	swait.ge [sflag:s29], $0x1  }
0xb3: {  	[sflag:s29] =	ssyncadd.s32 $0xFFFFFFFF  }
0xb4: {  	_ =	strace $0x9000004E  }
0xb5: {  	_ =	sfence  }
0xb6: {  	s30 =	sld [smem:$0x0];
	_ =	sdelay $0x2  }
0xb7: {  	s31 =	sshll.u32 s1, $0xD;
	s1 =	sshrl.u32 s1, $0x2  }
0xb8: {  	s3 =	sand.u32 $0x4000, s31;
	s1 =	sadd.s32 s1, s30  }
0xb9: {  	s0 =	sor.u32 s3, s0;
	s1 =	sshll.u32 s1, $0x11  }
0xba: {  	s0 =	sor.u32 s1, s0  }
0xbb: {  	s0 =	sadd.s32 $0x8F2B, s0  }
0xbc: {  	[sflag:s0] =	ssyncadd.remote.s32 $0x1  }
0xbd: {  	_ =	sfence.sel $0xFFFF  }
0xbe: {  	[dreg:$0x0] =	wrdreg $0xFFFFFFFF;
	(pc) =	sbr.abs _section_cstart, $3  }
0xbf: {  	[dreg:$0x1] =	wrdreg $0xFFFFFFFF  }
0xc0: {  	_ =	task.clear_ibuf [dreg:s6], $0x2FFFF;
	_ =	strace $0x9FFFFFFF  }
0xc1: {  	(tm) =	ssettm $0x7FFFFFFF  }
tec
execute0_lowered:
.L_overlay_start_1:
0x0: {  	(tag) =	ssettag $0x1  }
0x1: {  	s4 =	rddreg [dreg:$0x0]  }
0x2: {  	s0 =	rddreg [dreg:$0x1]  }
0x3: {  	s2 =	simm.s32 $0x0;
	s1 =	stileid.u32;
	s3 =	srdreg.scid  }
0x4: {  	s10 =	simm.s32 $0x2;
	s11 =	simm.s32 $0x80;
	s12 =	simm.s32 $0x400  }
0x5: {  	s13 =	simm.s32 $0x8000;
	s14 =	simm.s32 $0x3;
	s15 =	simm.s32 $0x0  }
0x6: {  	[smem:$0x7FF] =	sst s2;
	s5 =	sand.u32 $0x1, s3;
	s30 =	sshll.u32 s1, $0x1  }
0x7: {  	s6 =	sshll.u32 s1, $0x7;
	s3 =	sadd.s32 $0xC00, s4;
	_ =	strace $0x8000004D  }
0x8: {  	s7 =	sor.u32 s5, s30;
	s6 =	sand.u32 $0x600, s6;
	s5 =	ssub.s32 $0x2, s5  }
0x9: {  	s8 =	sshll.u32 s7, $0x4;
	s6 =	sadd.s32 s6, s4;
	s9 =	sshrl.u32 s5, $0x1  }
0xa: {  	s4 =	sadd.s32 $0x40E00, s4;
	s8 =	sand.u32 $0x70, s8;
	s31 =	ssub.s32 s5, s9  }
0xb: {  	v0 =	vlaneseq.u32;
	s5 =	sshll.u32 s7, $0xD;
	s9 =	simm.s32 $0x1;
	s6 =	sadd.s32 s8, s6  }
0xc: {  	v0 =	vmul.u32 $0x80, v0;
	s7 =	smax.u32 s31, $0x1;
	s8 =	simm.s32 $0x4000;
	s6 =	sadd.s32 $0x81000, s6  }
.LBB2_1:
0xd: {  	s16 =	simm.s32 $0x0  }
.LBB2_2:
0xe: {  	s17 =	sshll.u32 s16, $0xB  }
0xf: {  	s18 =	sadd.s32 s5, s17  }
0x10: {  	s17 =	simm.s32 $0x0;
	s19 =	sadd.s32 s3, s18  }
0x11: {  	[tilespmem:s17], [sflag:$0x1] =	stream.linear.gather [hbm4b:s19+s17], $0x4000, $0x38;
	[tilespmem:$0x8200] =	vst v63  }
0x12: {  	s18 =	sadd.s32 s4, s18  }
0x13: {  	[tilespmem:s8], [sflag:$0x2] =	stream.linear.gather [hbm4b:s18+s17], $0x4000, $0x38;
	[tilespmem:$0x8200] =	vst v63  }
0x14: {  	_ =	swait.ge [sflag:s9], $0x4000  }
0x15: {  	[sflag:s9] =	ssyncset.done $0x0  }
0x16: {  	s31 =	sshll.u32 s16, $0x7;
	[sflag:s9] =	ssyncadd.s32 $0xFFFFC000  }
0x17: {  	s18 =	sand.u32 $0x3FFFFF80, s31;
	_ =	swait.ge [sflag:s10], $0x4000  }
0x18: {  	s18 =	sadd.s32 $0x8000, s18;
	[sflag:s10] =	ssyncset.done $0x0  }
0x19: {  	v1 =	vmov s18;
	s18 =	simm.s32 $0x0;
	[sflag:s10] =	ssyncadd.s32 $0xFFFFC000  }
.LBB2_3:
0x1a: {  	s19 =	sshll.u32 s18, $0x4;
	v2 =	vmov s17  }
0x1b: {  	v3 =	vmov s19;
	v2 =	vand.u32 $0x7F, v2  }
0x1c: {  	v3 =	vshll.u32 v3, $0x7;
	v4 =	vbroadcast v2, $0x0  }
0x1d: {  	v2 =	vor.u32 v0, v3  }
0x1e: {  	s20 =	simm.s32 $0x1;
	v3 =	vor.u32 v2, v4  }
0x1f: {  	v4 =	vmov s20  }
0x20: {  	v4 =	vand.u32 $0x7F, v4  }
0x21: {  	v4 =	vbroadcast v4, $0x0;
	_ =	sdelay $0x1  }
0x22: {  	v5 =	vor.u32 v2, v4;
	v7 =	vld.idx.msk [tilespmem:v3+s2+$0x0], $0xffff  }
0x23: {  	s31 =	simm.s32 $0x2;
	v8 =	vld.idx.msk [tilespmem:v3+s8+$0x0], $0xffff  }
0x24: {  	v3 =	vmov s31  }
0x25: {  	v3 =	vand.u32 $0x7F, v3  }
0x26: {  	v6 =	vbroadcast v3, $0x0  }
0x27: {  	v3 =	vld.idx.msk [tilespmem:v5+s2+$0x0], $0xffff  }
0x28: {  	s20 =	simm.s32 $0x3;
	v4 =	vimm.f32 $0.0e+00;
	v6 =	vor.u32 v2, v6;
	v5 =	vld.idx.msk [tilespmem:v5+s8+$0x0], $0xffff;
	v7 =	vmul.f32 v8, v7  }
.LBB2_4:
0x29: {  	p0 =	sne.s32 s20, $0x3F  }
.Ltmp0:
0x2a: {  	v8 =	vmov s20;
	v4 =	vadd.f32 v7, v4;
	(pc) =	sbr.rel @p0 .LBB2_4-.Ltmp0, $4  }
0x2b: {  	s20 =	sadd.s32 $0x1, s20;
	v9 =	vand.u32 $0x7F, v8  }
0x2c: {  	v8 =	vbroadcast v9, $0x0  }
0x2d: {  	v7 =	vmov v3;
	v3 =	vld.idx.msk [tilespmem:v6+s2+$0x0], $0xffff  }
0x2e: {  	v7 =	vmul.f32 v5, v7;
	v5 =	vld.idx.msk [tilespmem:v6+s8+$0x0], $0xffff;
	v6 =	vor.u32 v2, v8  }
0x2f: {  	_ =	sdelay $0x3  }
0x30: {  	v2 =	vld.idx.msk [tilespmem:v6+s2+$0x0], $0xffff  }
0x31: {  	v63 =	vld.idx.msk [tilespmem:v6+s8+$0x0], $0xffff;
	_ =	sdelay $0x2  }
0x32: {  	s18 =	sadd.s32 $0x1, s18;
	v4 =	vadd.f32 v7, v4;
	v3 =	vmul.f32 v5, v3  }
0x33: {  	p0 =	sne.s32 s18, $0x8  }
.Ltmp1:
0x34: {  	v2 =	vmul.f32 v63, v2;
	v3 =	vadd.f32 v3, v4;
	(pc) =	sbr.rel @p0 .LBB2_3-.Ltmp1, $3  }
0x35: {  	_ = 	snop  }
0x36: {  	v2 =	vadd.f32 v2, v3;
	_ =	sdelay $0x1  }
0x37: {  	[tilespmem:v1+s19+$0x0 ss:$0x1] =	vst.idx.msk $0xffff, v2  }
0x38: {  	s16 =	sadd.s32 $0x1, s16  }
0x39: {  	p0 =	sne.s32 s16, $0x4  }
.Ltmp2:
0x3a: {  	_ = 	snop;
	(pc) =	sbr.rel @p0 .LBB2_2-.Ltmp2, $1  }
0x3b: {  	_ =	sdelay $0x3  }
0x3c: {  	s15 =	sadd.s32 $0x1, s15  }
0x3d: {  	p0 =	sne.s32 s15, s7  }
.Ltmp3:
0x3e: {  	_ = 	snop;
	(pc) =	sbr.rel @p0 .LBB2_1-.Ltmp3, $4  }
0x3f: {  	[hbm4b:s6+s11] =	stream.strided.scatter [tilespmem:s13], [sflag:$0x3], $0x200, s12, s11, $0x38;
	[tilespmem:$0x8200] =	vst v63  }
0x40: {  	_ =	swait.ge [sflag:s14], $0x200  }
0x41: {  	[sflag:s14] =	ssyncset.done $0x0  }
0x42: {  	[sflag:s14] =	ssyncadd.s32 $0xFFFFFE00  }
0x43: {  	_ =	sfence.sel $0x180000  }
0x44: {  	[bflag:$0x0] =	sbarrier.arrive $0xFFFF  }
0x45: {  	p0 =	sne.s32 s1, $0x0;
	_ =	strace $0x9000004D  }
0x46: {  	s0 =	sadd.s32 @!p0 $0x100000, s0;
	[bflag:$0x2] =	sbarrier.arrive $0xFFFF  }
0x47: {  	[sflag:s0] =	ssyncadd.tile.s32 @!p0 $0x1;
	_ =	shalt  }
.Lfunc_end2:
_tile_overlayer_lowered:
.L_overlay_start_2:
0x48: {  	(tag) =	ssettag $0x2  }
0x49: {  	s0 =	rddreg [dreg:$0x0];
	s2 =	stileid.u32  }
0x4a: {  	s1 =	rddreg [dreg:$0x1];
	p0 =	sne.s32 s2, $0x0  }
0x4b: {  	s3 =	rddreg [dreg:$0x2];
	[bflag:$0x3] =	sbarrier.arrive $0xFFFF;
	s2 =	simm.s32 @!p0 $0x1C03  }
0x4c: {  	[timem:s3], [sflag:s2] =	dma.local @!p0 [hbm:s0], s1  }
0x4d: {  	s0 =	simm.s32 @!p0 $0x3  }
0x4e: {  	_ =	swait.ge @!p0 [sflag:s0], s1  }
0x4f: {  	s1 =	ssub.s32 @!p0 $0x0, s1;
	[sflag:s0] =	ssyncset.done @!p0 $0x0  }
0x50: {  	[sflag:s0] =	ssyncadd.s32 @!p0 s1  }
0x51: {  	[bflag:$0x3] =	sbarrier.arrive $0xFFFF  }
0x52: {  	_ =	shalt  }

// kernel: _mf_dot.5.cloned.1.call-start
scs
__scs_entry_jumppad:
0x0: {  	(pc) =	sbr.rel $0x88, $3  }
0x1: {  	(tag) =	ssettag $0x0;
	lr =	simm.s32 $0x1  }
0x2: {  	[smem:$0x3F9D] =	sst lr;
	_ =	strace $0xD0000000  }
0x3: {  	_ = 	snop  }
0x4: {  	_ = 	snop  }
0x5: {  	_ = 	snop  }
0x6: {  	_ = 	snop  }
0x7: {  	_ = 	snop  }
__scs_overlays_trampoline_lowered:
0x8: {  	[smem:$0x3FAC] =	sst s0  }
0x9: {  	[smem:$0x3FAD] =	sst s1  }
0xa: {  	[smem:$0x3FAE] =	sst s2  }
0xb: {  	[smem:$0x3FAF] =	sst s3  }
0xc: {  	[smem:$0x3FB0] =	sst s4  }
0xd: {  	[smem:$0x3FB1] =	sst s5  }
0xe: {  	[smem:$0x3FB2] =	sst s6  }
0xf: {  	[smem:$0x3FB3] =	sst s7  }
0x10: {  	[smem:$0x3FB4] =	sst s8  }
0x11: {  	[smem:$0x3FB5] =	sst s9;
	s0 =	simm.s32 @!p0 $0x0  }
0x12: {  	s1 =	sld [smem:$0x3F9B];
	s0 =	simm.s32 @p0 $0x1  }
0x13: {  	[smem:$0x3FB6] =	sst s0;
	s0 =	simm.s32 @!p1 $0x0  }
0x14: {  	s2 =	sld [smem:$0x3F9A];
	s0 =	simm.s32 @p1 $0x1  }
0x15: {  	[smem:$0x3FB7] =	sst s0;
	s0 =	simm.s32 @!p2 $0x0  }
0x16: {  	s3 =	sld [smem:$0x3FDB];
	s0 =	simm.s32 @p2 $0x1  }
0x17: {  	s4 =	simm.s32 $0x1BF5;
	[smem:$0x3FB9] =	sst s0  }
0x18: {  	s0 =	sld [smem:$0x3F9C];
	_ =	swait.ge [sflag:s4], $0x0  }
0x19: {  	s7 =	sld [smem:$0x3F9D]  }
0x1a: {  	s8 =	sadd.s32 $0xFFFFE003, lr  }
0x1b: {  	s9 =	sadd.s32 $0xFFFFFEF7, lr;
	s5 =	simm.s32 $0xFFFFFFFF;
	p2 =	slt.u32 s8, $0xFFFFF086  }
0x1c: {  	p1 =	slt.u32 s9, $0xF7A;
	s5 =	simm.s32 @!p2 $0x0  }
0x1d: {  	s5 =	simm.s32 @p1 $0x1;
	p0 =	seq.s32 s7, s2  }
0x1e: {  	s7 =	smul.u32 @!p0 $0xF7A, s2;
	p2 =	seq.s32 @!p0 s5, $0x0  }
0x1f: {  	s9 =	smul.u32 $0xF7A, s1;
	s8 =	simm.s32 @!p0 $0x1BF5;
	p2 =	por !p2, p0  }
0x20: {  	[sflag:s8] =	ssyncset.s32 @!p0 $0xFFFFF086;
	s6 =	sadd.s32 @!p0 s3, s7;
	s7 =	simm.s32 @!p0 $0x108  }
0x21: {  	s3 =	sadd.s32 s3, s9;
	s6 =	sadd.s32 @!p0 $0x88, s6;
	s7 =	simm.s32 @p2 $0x1082  }
0x22: {  	[simem:s7], [sflag:s8] =	dma.local @!p0 [hbm:s6], $0xF7A  }
0x23: {  	s9 =	sor.u32 $0xD0000000, s2;
	s6 =	simm.s32 $0x108;
	_ =	swait.ge @!p0 [sflag:s8], $0x0  }
0x24: {  	s3 =	sadd.s32 $0x88, s3;
	s6 =	simm.s32 @!p1 $0x1082;
	[sflag:s4] =	ssyncset.s32 $0xFFFFF086  }
0x25: {  	[simem:s6], [sflag:s4] =	dma.local [hbm:s3], $0xF7A  }
0x26: {  	[smem:$0x3F9D] =	sst s1;
	(tag) =	ssettag s2;
	_ =	strace s9  }
0x27: {  	s1 =	sld [smem:$0x3FAD]  }
0x28: {  	s2 =	sld [smem:$0x3FAE]  }
0x29: {  	s4 =	sld [smem:$0x3FB0]  }
0x2a: {  	p0 =	seq.s32 s5, $0x0;
	s5 =	sld [smem:$0x3FB1]  }
0x2b: {  	s6 =	sld [smem:$0x3FB2]  }
0x2c: {  	s7 =	sld [smem:$0x3FB3]  }
0x2d: {  	s3 =	simm.s32 $0x108;
	s8 =	sld [smem:$0x3FB4]  }
0x2e: {  	s3 =	simm.s32 @!p0 $0x1082;
	s9 =	sld [smem:$0x3FB5]  }
0x2f: {  	lr =	sadd.s32 s0, s3;
	s0 =	sld [smem:$0x3FAC]  }
0x30: {  	s3 =	sld [smem:$0x3FAF]  }
0x31: {  	[smem:$0x3FB8] =	sst s10  }
0x32: {  	s10 =	sld [smem:$0x3FB6];
	_ =	sdelay $0x3  }
0x33: {  	p0 =	seq.s32 s10, $0x1;
	s10 =	sld [smem:$0x3FB8];
	_ =	sdelay $0x3  }
0x34: {  	[smem:$0x3FB8] =	sst s10  }
0x35: {  	s10 =	sld [smem:$0x3FB7];
	_ =	sdelay $0x3  }
0x36: {  	p1 =	seq.s32 s10, $0x1;
	s10 =	sld [smem:$0x3FB8];
	_ =	sdelay $0x3  }
0x37: {  	[smem:$0x3FB8] =	sst s10  }
0x38: {  	s10 =	sld [smem:$0x3FB9]  }
0x39: {  	_ = 	snop;
	(pc) =	sbr.ind lr, $3  }
0x3a: {  	_ = 	snop  }
0x3b: {  	_ = 	snop  }
0x3c: {  	p2 =	seq.s32 s10, $0x1;
	s10 =	sld [smem:$0x3FB8]  }
0x3d: {  	_ =	shalt  }
0x3e: {  	_ =	shalt  }
0x3f: {  	_ =	shalt  }
0x40: {  	_ =	shalt  }
0x41: {  	_ =	shalt  }
0x42: {  	_ =	shalt  }
0x43: {  	_ =	shalt  }
0x44: {  	_ =	shalt  }
0x45: {  	_ =	shalt  }
0x46: {  	_ =	shalt  }
0x47: {  	_ =	shalt  }
0x48: {  	_ =	shalt  }
0x49: {  	_ =	shalt  }
0x4a: {  	_ =	shalt  }
0x4b: {  	_ =	shalt  }
0x4c: {  	_ =	shalt  }
0x4d: {  	_ =	shalt  }
0x4e: {  	_ =	shalt  }
0x4f: {  	_ =	shalt  }
0x50: {  	_ =	shalt  }
0x51: {  	_ =	shalt  }
0x52: {  	_ =	shalt  }
0x53: {  	_ =	shalt  }
0x54: {  	_ =	shalt  }
0x55: {  	_ =	shalt  }
0x56: {  	_ =	shalt  }
0x57: {  	_ =	shalt  }
0x58: {  	_ =	shalt  }
0x59: {  	_ =	shalt  }
0x5a: {  	_ =	shalt  }
0x5b: {  	_ =	shalt  }
0x5c: {  	_ =	shalt  }
0x5d: {  	_ =	shalt  }
0x5e: {  	_ =	shalt  }
0x5f: {  	_ =	shalt  }
0x60: {  	_ =	shalt  }
0x61: {  	_ =	shalt  }
0x62: {  	_ =	shalt  }
0x63: {  	_ =	shalt  }
0x64: {  	_ =	shalt  }
0x65: {  	_ =	shalt  }
0x66: {  	_ =	shalt  }
0x67: {  	_ =	shalt  }
0x68: {  	_ =	shalt  }
0x69: {  	_ =	shalt  }
0x6a: {  	_ =	shalt  }
0x6b: {  	_ =	shalt  }
0x6c: {  	_ =	shalt  }
0x6d: {  	_ =	shalt  }
0x6e: {  	_ =	shalt  }
0x6f: {  	_ =	shalt  }
0x70: {  	_ =	shalt  }
0x71: {  	_ =	shalt  }
0x72: {  	_ =	shalt  }
0x73: {  	_ =	shalt  }
0x74: {  	_ =	shalt  }
0x75: {  	_ =	shalt  }
0x76: {  	_ =	shalt  }
0x77: {  	_ =	shalt  }
0x78: {  	_ =	shalt  }
0x79: {  	_ =	shalt  }
0x7a: {  	_ =	shalt  }
0x7b: {  	_ =	shalt  }
0x7c: {  	_ =	shalt  }
0x7d: {  	_ =	shalt  }
0x7e: {  	_ =	shalt  }
0x7f: {  	_ =	shalt  }
0x80: {  	_ =	shalt  }
0x81: {  	_ =	shalt  }
0x82: {  	_ =	shalt  }
0x83: {  	_ =	shalt  }
0x84: {  	_ =	shalt  }
0x85: {  	_ =	shalt  }
0x86: {  	_ =	shalt  }
0x87: {  	_ =	shalt  }
.Lfunc_end0:
.L_simem_size_0:
called_computation_lowered:
.L_overlay_start_0:
0x88: {  	s2 =	sld [smem:$0x3FD9]  }
0x89: {  	s3 =	sld [smem:$0x3FFE];
	_ =	sdelay $0x1  }
0x8a: {  	s1 =	srdreg.scid  }
0x8b: {  	s0 =	sand.u32 $0x1, s1  }
0x8c: {  	s17 =	sshll.u32 s0, $0xA;
	s2 =	sadd.s32 s3, s2  }
0x8d: {  	s2 =	sadd.s32 s2, s17  }
0x8e: {  	[smem:$0x3FC4] =	sst s2  }
0x8f: {  	_ = 	snop  }
0x90: {  	s2 =	sld [smem:$0x3FC9]  }
0x91: {  	s18 =	sld [smem:$0x3FC7];
	(tm) =	ssettm $0x1  }
0x92: {  	s4 =	sld [smem:$0x3FFB];
	_ =	sdelay $0x3  }
0x93: {  	_ =	strace s4  }
0x94: {  	s4 =	sld [smem:$0x3FFC];
	_ =	sdelay $0x3  }
0x95: {  	_ =	strace s4  }
0x96: {  	s4 =	sld [smem:$0x3FFD];
	_ =	sdelay $0x3  }
0x97: {  	_ =	strace s4  }
0x98: {  	_ =	strace $0x8FFFFFFF  }
0x99: {  	s19 =	sld [smem:$0x3FDB];
	_ =	sdelay $0x1  }
0x9a: {  	s5 =	simm.s32 $_scs_section_size  }
0x9b: {  	s6 =	simm.s32 $_size__tile_overlayer_lowered;
	s7 =	simm.s32 $_tile_overlayer_lowered  }
0x9c: {  	s22 =	simm.s32 $0x1BFF;
	s21 =	sshll.u32 s7, $0x1;
	s4 =	sadd.s32 s5, s19  }
0x9d: {  	s8 =	simm.s32 $0x0;
	s20 =	sshll.u32 s6, $0x1;
	s6 =	sadd.s32 s21, s4  }
0x9e: {  	[timem:s8], [sflag:s22] =	dma.local [hbm:s6], s20  }
0x9f: {  	_ =	swait.ge [sflag:s22], s20  }
0xa0: {  	s5 =	ssub.s32 $0x0, s20;
	[sflag:s22] =	ssyncset.done $0x0  }
0xa1: {  	[sflag:s22] =	ssyncadd.s32 s5;
	_ =	sdelay $0x1  }
0xa2: {  	s23 =	simm.s32 $0x1B8B  }
0xa3: {  	_ =	swait.ge [sflag:s23], $0x1  }
0xa4: {  	[sflag:s23] =	ssyncset.done $0x0  }
0xa5: {  	s25 =	simm.s32 $0x1B8E;
	s24 =	sld [smem:$0x3FFE];
	[sflag:s23] =	ssyncadd.s32 $0xFFFFFFFF  }
0xa6: {  	s26 =	simm.s32 $execute0_lowered;
	[smem:$0x3FD2] =	sst s25  }
0xa7: {  	s6 =	sshll.u32 s26, $0x1;
	_ =	strace $0x80000046;
	[dreg:$0x1] =	wrdreg $0xFFFFFFFF  }
0xa8: {  	s28 =	simm.s32 $_size_execute0_lowered;
	s4 =	sadd.s32 s4, s6;
	[dreg:$0x0] =	wrdreg $0x0  }
0xa9: {  	s6 =	sshll.u32 s28, $0x1;
	[dreg:$0x2] =	wrdreg s4  }
0xaa: {  	[dreg:$0x3] =	wrdreg s6  }
0xab: {  	[dreg:$0x4] =	wrdreg $0xC0  }
0xac: {  	_ =	task [dreg:s8], $0x5FFFF  }
0xad: {  	[dreg:$0x1] =	wrdreg $0xFFFFFFFF  }
0xae: {  	[dreg:$0x0] =	wrdreg $0x60  }
0xaf: {  	[dreg:$0x2] =	wrdreg s2  }
0xb0: {  	[dreg:$0x3] =	wrdreg s18  }
0xb1: {  	[dreg:$0x4] =	wrdreg s24  }
0xb2: {  	[dreg:$0x5] =	wrdreg $0x9  }
0xb3: {  	_ =	task.clear_ibuf [dreg:s8], $0x6FFFF;
	_ =	strace $0x90000046  }
0xb4: {  	s29 =	simm.s32 $0x9;
	_ =	strace $0x80000048  }
0xb5: {  	_ =	swait.ge [sflag:s29], $0x1  }
0xb6: {  	[sflag:s29] =	ssyncadd.s32 $0xFFFFFFFF  }
0xb7: {  	_ =	strace $0x90000048  }
0xb8: {  	_ =	sfence  }
0xb9: {  	s30 =	sld [smem:$0x0];
	_ =	sdelay $0x2  }
0xba: {  	s31 =	sshll.u32 s1, $0xD;
	s1 =	sshrl.u32 s1, $0x2  }
0xbb: {  	s3 =	sand.u32 $0x4000, s31;
	s1 =	sadd.s32 s1, s30  }
0xbc: {  	s0 =	sor.u32 s3, s0;
	s1 =	sshll.u32 s1, $0x11  }
0xbd: {  	s0 =	sor.u32 s1, s0  }
0xbe: {  	s0 =	sadd.s32 $0x8F2B, s0  }
0xbf: {  	[sflag:s0] =	ssyncadd.remote.s32 $0x1  }
0xc0: {  	_ =	sfence.sel $0xFFFF  }
0xc1: {  	[dreg:$0x0] =	wrdreg $0xFFFFFFFF;
	(pc) =	sbr.abs _section_cstart, $3  }
0xc2: {  	[dreg:$0x1] =	wrdreg $0xFFFFFFFF  }
0xc3: {  	_ =	task.clear_ibuf [dreg:s8], $0x2FFFF;
	_ =	strace $0x9FFFFFFF  }
0xc4: {  	(tm) =	ssettm $0x7FFFFFFF  }
0xc5: {  	_ =	shalt  }
tec
execute0_lowered:
.L_overlay_start_1:
0x0: {  	(tag) =	ssettag $0x1  }
0x1: {  	v3 =	vimm.s32 $0x0;
	v4 =	vlaneseq.u32;
	v5 =	vimm.s32 $0x1  }
0x2: {  	v6 =	vimm.s32 $0x1380;
	vm12 =	vcmask $0x300;
	v7 =	vimm.s32 $0x3380  }
0x3: {  	vm13 =	vcmask $0x704;
	vm14 =	vcmask $0xB08;
	vm15 =	vcmask $0xF0C  }
0x4: {  	vm11 =	vcmask $0x1310;
	vm10 =	vcmask $0x1714;
	vm9 =	vcmask $0x1B18  }
0x5: {  	vm8 =	vcmask $0x1F1C;
	vm7 =	vcmask $0x2320;
	vm6 =	vcmask $0x2724  }
0x6: {  	vm5 =	vcmask $0x2B28;
	vm4 =	vcmask $0x2F2C;
	vm3 =	vcmask $0x3330  }
0x7: {  	vm2 =	vcmask $0x3734;
	vm1 =	vcmask $0x3B38;
	v8 =	vimm.s32 $0x5380  }
0x8: {  	v9 =	vimm.s32 $0x7380;
	v10 =	vimm.s32 $0x9380;
	vm0 =	vmmov $0xffff  }
0x9: {  	v11 =	vimm.s32 $0xB380;
	v12 =	vimm.s32 $0xD380;
	v13 =	vimm.s32 $0xF380  }
0xa: {  	v6 =	vsel vm12, $0x0, v6;
	v7 =	vsel vm12, $0x2000, v7;
	v8 =	vsel vm12, $0x4000, v8  }
0xb: {  	v9 =	vsel vm12, $0x6000, v9;
	v10 =	vsel vm12, $0x8000, v10;
	v11 =	vsel vm12, $0xA000, v11  }
0xc: {  	v12 =	vsel vm12, $0xC000, v12;
	v13 =	vsel vm12, $0xE000, v13;
	v6 =	vsel vm13, $0x80, v6  }
0xd: {  	v7 =	vsel vm13, $0x2080, v7;
	v8 =	vsel vm13, $0x4080, v8;
	v9 =	vsel vm13, $0x6080, v9  }
0xe: {  	s1 =	srdreg.scid;
	s0 =	stileid.u32;
	v10 =	vsel vm13, $0x8080, v10;
	v11 =	vsel vm13, $0xA080, v11;
	v12 =	vsel vm13, $0xC080, v12  }
0xf: {  	s7 =	sand.u32 $0x1, s1;
	s30 =	sshll.u32 s0, $0x1;
	v13 =	vsel vm13, $0xE080, v13;
	v6 =	vsel vm14, $0x100, v6;
	v7 =	vsel vm14, $0x2100, v7  }
0x10: {  	s8 =	sor.u32 s7, s30;
	v8 =	vsel vm14, $0x4100, v8;
	v9 =	vsel vm14, $0x6100, v9;
	v10 =	vsel vm14, $0x8100, v10  }
0x11: {  	s3 =	sor.u32 $0x4000, s8;
	v11 =	vsel vm14, $0xA100, v11;
	v12 =	vsel vm14, $0xC100, v12;
	v13 =	vsel vm14, $0xE100, v13  }
0x12: {  	v2 =	vmov s3;
	v6 =	vsel vm15, $0x180, v6;
	v7 =	vsel vm15, $0x2180, v7  }
0x13: {  	s1 =	smul.u32 $0x3E, s8;
	v8 =	vsel vm15, $0x4180, v8;
	v9 =	vsel vm15, $0x6180, v9;
	v10 =	vsel vm15, $0x8180, v10  }
0x14: {  	v11 =	vsel vm15, $0xA180, v11;
	v12 =	vsel vm15, $0xC180, v12;
	v13 =	vsel vm15, $0xE180, v13  }
0x15: {  	v0 =	vmov s1;
	v6 =	vsel vm11, $0x200, v6;
	v7 =	vsel vm11, $0x2200, v7  }
0x16: {  	v8 =	vsel vm11, $0x4200, v8;
	v9 =	vsel vm11, $0x6200, v9;
	v10 =	vsel vm11, $0x8200, v10  }
0x17: {  	v11 =	vsel vm11, $0xA200, v11;
	v12 =	vsel vm11, $0xC200, v12;
	v13 =	vsel vm11, $0xE200, v13  }
0x18: {  	s2 =	ssub.s32 $0x7A2, s1;
	v6 =	vsel vm10, $0x280, v6;
	v7 =	vsel vm10, $0x2280, v7;
	v8 =	vsel vm10, $0x4280, v8  }
0x19: {  	s2 =	smin.u32 s2, $0x3E;
	v9 =	vsel vm10, $0x6280, v9;
	v10 =	vsel vm10, $0x8280, v10;
	v11 =	vsel vm10, $0xA280, v11  }
0x1a: {  	v12 =	vsel vm10, $0xC280, v12;
	v13 =	vsel vm10, $0xE280, v13;
	v1 =	vmov s2  }
0x1b: {  	v6 =	vsel vm9, $0x300, v6;
	v7 =	vsel vm9, $0x2300, v7;
	v8 =	vsel vm9, $0x4300, v8  }
0x1c: {  	v9 =	vsel vm9, $0x6300, v9;
	v10 =	vsel vm9, $0x8300, v10;
	v11 =	vsel vm9, $0xA300, v11  }
0x1d: {  	v12 =	vsel vm9, $0xC300, v12;
	v13 =	vsel vm9, $0xE300, v13;
	v6 =	vsel vm8, $0x380, v6  }
0x1e: {  	v7 =	vsel vm8, $0x2380, v7;
	v8 =	vsel vm8, $0x4380, v8;
	v9 =	vsel vm8, $0x6380, v9  }
0x1f: {  	v10 =	vsel vm8, $0x8380, v10;
	v11 =	vsel vm8, $0xA380, v11;
	v12 =	vsel vm8, $0xC380, v12  }
0x20: {  	v13 =	vsel vm8, $0xE380, v13;
	v6 =	vsel vm7, $0x1000, v6;
	v7 =	vsel vm7, $0x3000, v7  }
0x21: {  	v8 =	vsel vm7, $0x5000, v8;
	v9 =	vsel vm7, $0x7000, v9;
	v10 =	vsel vm7, $0x9000, v10  }
0x22: {  	v11 =	vsel vm7, $0xB000, v11;
	v12 =	vsel vm7, $0xD000, v12;
	v13 =	vsel vm7, $0xF000, v13  }
0x23: {  	v6 =	vsel vm6, $0x1080, v6;
	v7 =	vsel vm6, $0x3080, v7;
	v8 =	vsel vm6, $0x5080, v8  }
0x24: {  	v9 =	vsel vm6, $0x7080, v9;
	v10 =	vsel vm6, $0x9080, v10;
	v11 =	vsel vm6, $0xB080, v11  }
0x25: {  	v12 =	vsel vm6, $0xD080, v12;
	v13 =	vsel vm6, $0xF080, v13;
	v6 =	vsel vm5, $0x1100, v6  }
0x26: {  	v7 =	vsel vm5, $0x3100, v7;
	v8 =	vsel vm5, $0x5100, v8;
	v9 =	vsel vm5, $0x7100, v9  }
0x27: {  	v10 =	vsel vm5, $0x9100, v10;
	v11 =	vsel vm5, $0xB100, v11;
	v12 =	vsel vm5, $0xD100, v12  }
0x28: {  	v13 =	vsel vm5, $0xF100, v13;
	v6 =	vsel vm4, $0x1180, v6;
	v7 =	vsel vm4, $0x3180, v7  }
0x29: {  	v8 =	vsel vm4, $0x5180, v8;
	v9 =	vsel vm4, $0x7180, v9;
	v10 =	vsel vm4, $0x9180, v10  }
0x2a: {  	s4 =	rddreg [dreg:$0x1];
	v11 =	vsel vm4, $0xB180, v11;
	v12 =	vsel vm4, $0xD180, v12;
	v13 =	vsel vm4, $0xF180, v13  }
0x2b: {  	s5 =	rddreg [dreg:$0x2];
	s6 =	simm.s32 $0x0;
	s11 =	simm.s32 $0x4000;
	v6 =	vsel vm3, $0x1200, v6;
	v7 =	vsel vm3, $0x3200, v7;
	v8 =	vsel vm3, $0x5200, v8  }
0x2c: {  	s12 =	simm.s32 $0x4400;
	s13 =	simm.s32 $0x7280;
	s14 =	simm.s32 $0x1000;
	v9 =	vsel vm3, $0x7200, v9;
	v10 =	vsel vm3, $0x9200, v10;
	v11 =	vsel vm3, $0xB200, v11  }
0x2d: {  	s15 =	simm.s32 $0x4;
	s16 =	simm.s32 $0x7A1400;
	s17 =	simm.s32 $0xA100;
	v12 =	vsel vm3, $0xD200, v12;
	v13 =	vsel vm3, $0xF200, v13;
	v6 =	vsel vm2, $0x1280, v6  }
.Ltmp0:
0x2e: {  	s18 =	simm.s32 $0x12100;
	s19 =	simm.s32 $0x3;
	v7 =	vsel vm2, $0x3280, v7;
	v8 =	vsel vm2, $0x5280, v8;
	v9 =	vsel vm2, $0x7280, v9;
	(pc) =	sbr.rel .LBB2_1-.Ltmp0, $4  }
0x2f: {  	s20 =	simm.s32 $0x0;
	s9 =	ssub.s32 $0x2, s7;
	s8 =	smul.u32 $0x7C00, s8;
	v10 =	vsel vm2, $0x9280, v10;
	v11 =	vsel vm2, $0xB280, v11;
	v12 =	vsel vm2, $0xD280, v12  }
0x30: {  	[smem:$0x7FF] =	sst s6;
	s7 =	sadd.s32 $0xC00, s5;
	s10 =	sshrl.u32 s9, $0x1;
	v13 =	vsel vm2, $0xF280, v13;
	v6 =	vsel vm1, $0x1300, v6;
	v7 =	vsel vm1, $0x3300, v7  }
0x31: {  	s3 =	rddreg [dreg:$0x0];
	s31 =	ssub.s32 s9, s10;
	s8 =	sadd.s32 s4, s8;
	v8 =	vsel vm1, $0x5300, v8;
	v9 =	vsel vm1, $0x7300, v9;
	v10 =	vsel vm1, $0x9300, v10  }
0x32: {  	_ =	strace $0x80000047;
	s10 =	smax.u32 s31, $0x1;
	s9 =	sadd.s32 $0x200, s8;
	v11 =	vsel vm1, $0xB300, v11;
	v12 =	vsel vm1, $0xD300, v12;
	v13 =	vsel vm1, $0xF300, v13  }
.LBB2_24:
0x33: {  	[sflag:s19] =	ssyncadd.s32 $0xFFFFF800  }
.LBB2_25:
0x34: {  	s20 =	sadd.s32 $0x1, s20  }
0x35: {  	p0 =	sne.s32 s20, s10  }
.Ltmp1:
0x36: {  	_ = 	snop;
	(pc) =	sbr.rel @!p0 .LBB2_26-.Ltmp1, $1  }
0x37: {  	_ =	sdelay $0x3  }
.LBB2_1:
0x38: {  	[tilespmem:s6], [sflag:$0x4] =	stream.linear.gather [hbm4b:s3+s6], $0x4000, $0x38;
	[tilespmem:$0x1E100] =	vst v63  }
0x39: {  	_ =	swait.ge [sflag:s15], $0x4000  }
0x3a: {  	[sflag:s15] =	ssyncset.done $0x0  }
0x3b: {  	s5 =	simm.s32 $0x0;
	[sflag:s15] =	ssyncadd.s32 $0xFFFFC000  }
.LBB2_2:
0x3c: {  	p0 =	sne.s32 s5, $0xF80  }
.Ltmp2:
0x3d: {  	_ = 	snop;
	(pc) =	sbr.rel @p0 .LBB2_2-.Ltmp2, $3  }
0x3e: {  	_ =	sdelay $0x1  }
0x3f: {  	s21 =	sshra.s32 s5, $0x2  }
0x40: {  	s5 =	sadd.s32 $0x40, s5;
	[tilespmem:s21+$0x4000] =	vst v3  }
0x41: {  	s5 =	simm.s32 $0x0;
	s21 =	simm.s32 $0x0  }
.LBB2_4:
0x42: {  	v14 =	vld [tilespmem:s5+$0x0];
	_ =	sdelay $0x4  }
0x43: {  	v15 =	vshrl.u32 v14, $0x9  }
0x44: {  	v15 =	vsub.s32 v15, v0  }
0x45: {  	vm1 =	vgt.s32 v15, $0x0  }
0x46: {  	v16 =	vnsel vm1, $0x0, v15  }
0x47: {  	v16 =	vmin.u32 v16, $0x3D  }
0x48: {  	v17 =	vshll.u32 v16, $0x4  }
0x49: {  	v17 =	vor.u32 v4, v17;
	_ =	sdelay $0x4  }
0x4a: {  	v18 =	vld.idx.msk [tilespmem:v17+s11+$0x0], $0xffff;
	_ =	sdelay $0x4  }
0x4b: {  	v16 =	vmul.u32 $0xC, v16;
	vm1 =	vlt.s32 v18, $0xB  }
0x4c: {  	v18 =	vnsel vm1, $0xB, v18  }
0x4d: {  	vm2 =	vlt.s32 v15, v1;
	vm1 =	vgt.s32 v15, $0xFFFFFFFF;
	v15 =	vadd.s32 v18, v16  }
0x4e: {  	vm1 =	vmand vm1, vm2;
	v15 =	vshll.u32 v15, $0x4  }
0x4f: {  	v15 =	vor.u32 v4, v15;
	_ =	sdelay $0x1  }
0x50: {  	p0 =	sne.s32 s21, $0x3FF0  }
.Ltmp3:
0x51: {  	_ = 	snop;
	(pc) =	sbr.rel @p0 .LBB2_4-.Ltmp3, $4  }
0x52: {  	_ = 	snop  }
0x53: {  	[tilespmem:v15+s12+$0x0] =	vst.idx.msk vm1, v14;
	v14 =	vor.u32 s21, v4  }
0x54: {  	[tilespmem:v15+s13+$0x0] =	vst.idx.msk vm1, v14  }
0x55: {  	s5 =	sadd.s32 $0x10, s5;
	s21 =	sadd.s32 $0x10, s21;
	[tilespmem:v17+s11+$0x0] =	vst.idx.add.s32.msk vm1, v5  }
.Ltmp4:
0x56: {  	(pc) =	sbr.rel .LBB2_6-.Ltmp4, $4  }
0x57: {  	_ = 	snop  }
0x58: {  	[tilespmem:s17], [sflag:$0x1] =	stream.strided.gather [hbm4b:s8+s14], $0x8000, s16, s14, $0x38;
	[tilespmem:$0x1E100] =	vst v63  }
0x59: {  	s21 =	simm.s32 $0x0;
	s22 =	simm.s32 $0x0  }
0x5a: {  	[tilespmem:s18], [sflag:$0x2] =	stream.strided.gather [hbm4b:s9+s14], $0x8000, s16, s14, $0x38;
	[tilespmem:$0x1E100] =	vst v63  }
.LBB2_20:
0x5b: {  	s5 =	sadd.s32 $0x3, s23  }
0x5c: {  	p0 =	sge.u32 s5, s2  }
0x5d: {  	s5 =	sadd.s32 @!p0 s1, s5  }
0x5e: {  	s5 =	sshll.u32 @!p0 s5, $0x9  }
0x5f: {  	s22 =	sadd.s32 $0x1, s22;
	s23 =	simm.s32 @!p0 $0x1000;
	s5 =	smin.u32 @!p0 s5, $0xF4080  }
0x60: {  	s24 =	simm.s32 @!p0 $0x7A1400;
	s25 =	simm.s32 @!p0 $0x12100;
	s5 =	sadd.s32 @!p0 s4, s5  }
0x61: {  	[tilespmem:s25], [sflag:$0x2] =	stream.strided.gather @!p0 [hbm4b:s5+s23], $0x8000, s24, s23, $0x38;
	[tilespmem:$0x1E100] =	vst v63  }
0x62: {  	p0 =	sne.s32 s22, $0x1F  }
.Ltmp5:
0x63: {  	_ = 	snop;
	(pc) =	sbr.rel @!p0 .LBB2_21-.Ltmp5, $1  }
0x64: {  	_ =	sdelay $0x3  }
.LBB2_6:
0x65: {  	s23 =	sshll.u32 s22, $0x1  }
0x66: {  	p0 =	sge.u32 s23, s2  }
0x67: {  	s5 =	simm.s32 @!p0 $0x1  }
0x68: {  	_ =	swait.ge @!p0 [sflag:s5], $0x8000  }
0x69: {  	s24 =	sshll.u32 s22, $0x5;
	[sflag:s5] =	ssyncset.done @!p0 $0x0  }
0x6a: {  	s30 =	sand.u32 $0x3FFFFFE0, s24;
	[sflag:s5] =	ssyncadd.s32 @!p0 $0xFFFF8000  }
0x6b: {  	v14 =	vld [tilespmem:s30+$0x4000];
	_ =	sdelay $0x4  }
0x6c: {  	v15 =	vxor.u32 $0x80000000, v14  }
0x6d: {  	(xrf0) =	vmax.scan.msk.u32 $0xffff, v15;
	_ =	sdelay $0x5  }
0x6e: {  	v15, _, _ =	vpop (xrf0)  }
0x6f: {  	(v2sf) =	vpush v15, $0xF;
	_ =	sdelay $0xe  }
0x70: {  	s31 =	spop (v2sf)  }
0x71: {  	s24 =	sxor.u32 $0x80000000, s31  }
0x72: {  	p0 =	slt.s32 s24, $0x1  }
.Ltmp6:
0x73: {  	_ = 	snop;
	(pc) =	sbr.rel @p0 .LBB2_13-.Ltmp6, $1  }
0x74: {  	_ =	sdelay $0x3  }
.Ltmp7:
0x75: {  	(pc) =	sbr.rel .LBB2_8-.Ltmp7, $4  }
0x76: {  	s5 =	sadd.s32 s1, s23  }
0x77: {  	s5 =	sshll.u32 s5, $0x9  }
0x78: {  	s25 =	smul.u32 $0x18, s22;
	s5 =	smin.u32 s5, $0xF4080  }
0x79: {  	s26 =	simm.s32 $0x0;
	s28 =	smov.u32 s21;
	s29 =	simm.s32 $0x0;
	v15 =	vmov s5  }
.LBB2_11:
0x7a: {  	_ =	sdelay $0x2  }
0x7b: {  	[tilespmem:s31+$0x0] =	vst v20  }
0x7c: {  	v18 =	vld.idx.msk [tilespmem:v19+s17+$0x0], $0xffff;
	_ =	sdelay $0x4  }
0x7d: {  	[tilespmem:s31+$0x10] =	vst v18  }
.LBB2_12:
0x7e: {  	v16 =	vbroadcast v16, $0xF;
	_ =	sdelay $0x1  }
0x7f: {  	vm1 =	vgt.s32 v16, v4  }
0x80: {  	v16 =	vsel vm1, v17, v2  }
0x81: {  	s5 =	sand.u32 $0x7, s21  }
0x82: {  	s30 =	sshll.u32 s5, $0xD  }
0x83: {  	p0 =	sne.s32 s5, $0x7;
	s30 =	sshrl.u32 s30, $0x2  }
0x84: {  	s5 =	simm.s32 @!p0 $0x3;
	s30 =	sadd.s32 $0x1A100, s30  }
0x85: {  	[hbm4b:s7+s6] =	stream.indirect_vreg.scatter [tilespmem:s30], [sflag:$0x3], $0x80, v16, vm0, $0xb8;
	[tilespmem:$0x1E100] =	vst v63  }
0x86: {  	_ =	swait.ge @!p0 [sflag:s5], $0x800  }
0x87: {  	[sflag:s5] =	ssyncset.done @!p0 $0x0  }
0x88: {  	[sflag:s5] =	ssyncadd.s32 @!p0 $0xFFFFF800  }
0x89: {  	_ =	swait.ge @!p0 [sflag:s5], $0x800  }
0x8a: {  	[sflag:s5] =	ssyncset.done @!p0 $0x0  }
0x8b: {  	[sflag:s5] =	ssyncadd.s32 @!p0 $0xFFFFF800  }
0x8c: {  	_ =	swait.ge @!p0 [sflag:s5], $0x800  }
0x8d: {  	[sflag:s5] =	ssyncset.done @!p0 $0x0  }
0x8e: {  	[sflag:s5] =	ssyncadd.s32 @!p0 $0xFFFFF800  }
0x8f: {  	_ =	swait.ge @!p0 [sflag:s5], $0x800  }
0x90: {  	[sflag:s5] =	ssyncset.done @!p0 $0x0  }
0x91: {  	[sflag:s5] =	ssyncadd.s32 @!p0 $0xFFFFF800  }
0x92: {  	_ =	swait.ge @!p0 [sflag:s5], $0x800  }
0x93: {  	[sflag:s5] =	ssyncset.done @!p0 $0x0  }
0x94: {  	[sflag:s5] =	ssyncadd.s32 @!p0 $0xFFFFF800  }
0x95: {  	_ =	swait.ge @!p0 [sflag:s5], $0x800  }
0x96: {  	[sflag:s5] =	ssyncset.done @!p0 $0x0  }
0x97: {  	s29 =	sadd.s32 $0x1, s29;
	[sflag:s5] =	ssyncadd.s32 @!p0 $0xFFFFF800  }
0x98: {  	p1 =	sne.s32 s29, s24;
	_ =	swait.ge @!p0 [sflag:s5], $0x800  }
.Ltmp8:
0x99: {  	[sflag:s5] =	ssyncset.done @!p0 $0x0;
	(pc) =	sbr.rel @!p1 .LBB2_13-.Ltmp8, $4  }
0x9a: {  	[sflag:s5] =	ssyncadd.s32 @!p0 $0xFFFFF800  }
0x9b: {  	_ =	swait.ge @!p0 [sflag:s5], $0x800  }
0x9c: {  	[sflag:s5] =	ssyncset.done @!p0 $0x0  }
0x9d: {  	s21 =	sadd.s32 $0x1, s21;
	s28 =	sadd.s32 $0x1, s28;
	[sflag:s5] =	ssyncadd.s32 @!p0 $0xFFFFF800  }
.LBB2_8:
0x9e: {  	vm1 =	vgt.s32 v14, s29  }
0x9f: {  	v16 =	vsel vm1, $0x1, v3  }
0xa0: {  	(xrf0) =	vadd.scan.msk.s32 $0xffff, v16;
	_ =	sdelay $0x5  }
0xa1: {  	s5 =	sadd.s32 s25, s29;
	v16, _, _ =	vpop (xrf0)  }
0xa2: {  	s5 =	sshll.u32 s5, $0x4;
	(v2sf) =	vpush v16, $0xF  }
0xa3: {  	v17 =	vld [tilespmem:s5+$0x4400]  }
0xa4: {  	v18 =	vld [tilespmem:s5+$0x7280]  }
0xa5: {  	vm1 =	vle.s32 v14, s29  }
0xa6: {  	v19 =	vsel vm1, $0x1, v3  }
0xa7: {  	v19 =	vor.u32 $0x80000000, v19  }
0xa8: {  	(xrf1) =	vsort.ascd.msk.u32 $0xffff, v19, v17  }
0xa9: {  	(xrf1) =	vsort.ascd.msk.u32 $0xffff, v19, v18;
	_ =	sdelay $0x7  }
0xaa: {  	s30 =	spop (v2sf)  }
0xab: {  	p0 =	slt.s32 s30, $0x1  }
.Ltmp9:
0xac: {  	_ = 	snop;
	(pc) =	sbr.rel @p0 .LBB2_12-.Ltmp9, $3  }
0xad: {  	_ =	sdelay $0x1  }
0xae: {  	_, v18, _ =	vpop (xrf1)  }
0xaf: {  	_, v17, _ =	vpop (xrf1)  }
0xb0: {  	v18 =	vsub.s32 v18, v15  }
0xb1: {  	vm1 =	vgt.s32 v18, $0x0  }
0xb2: {  	v18 =	vnsel vm1, $0x0, v18  }
0xb3: {  	v19 =	vmov s26;
	v18 =	vmin.u32 v18, $0x1FF  }
0xb4: {  	v19 =	vperm.xlane v18, v19;
	_ =	sdelay $0x1  }
0xb5: {  	v20 =	vshll.u32 v19, $0x3  }
0xb6: {  	v19 =	vand.u32 $0x7F, v19;
	v20 =	vand.u32 $0xFFFFFC00, v20  }
0xb7: {  	v19 =	vor.u32 v19, v20  }
0xb8: {  	v20 =	vadd.s32 v6, v19;
	_ =	sdelay $0x4  }
0xb9: {  	v20 =	vld.idx.msk [tilespmem:v20+s17+$0x0], $0xffff  }
0xba: {  	v21 =	vadd.s32 v7, v19  }
0xbb: {  	s5 =	sand.u32 $0x7, s28  }
0xbc: {  	s5 =	sshll.u32 s5, $0xB  }
0xbd: {  	s31 =	sadd.s32 $0x1A120, s5  }
0xbe: {  	[tilespmem:s31+$0xFFFFFFE0] =	vst v20  }
0xbf: {  	v20 =	vld.idx.msk [tilespmem:v21+s17+$0x0], $0xffff  }
0xc0: {  	v21 =	vadd.s32 v8, v19  }
0xc1: {  	p0 =	sne.s32 s30, $0x1  }
.Ltmp10:
0xc2: {  	_ = 	snop;
	(pc) =	sbr.rel @!p0 .LBB2_11-.Ltmp10, $4  }
0xc3: {  	_ = 	snop  }
0xc4: {  	[tilespmem:s31+$0xFFFFFFF0] =	vst v20  }
0xc5: {  	v20 =	vld.idx.msk [tilespmem:v21+s17+$0x0], $0xffff  }
0xc6: {  	s5 =	simm.s32 $0x1;
	v19 =	vadd.s32 v9, v19  }
.LBB2_10:
0xc7: {  	v21 =	vmov s5;
	s5 =	sadd.s32 $0x1, s5  }
0xc8: {  	v21 =	vperm.xlane v18, v21;
	p0 =	sne.s32 s30, s5;
	_ =	sdelay $0x1  }
0xc9: {  	v22 =	vshll.u32 v21, $0x3;
	[tilespmem:s31+$0x0] =	vst v20  }
0xca: {  	v20 =	vand.u32 $0x7F, v21;
	v21 =	vand.u32 $0xFFFFFC00, v22;
	v19 =	vld.idx.msk [tilespmem:v19+s17+$0x0], $0xffff  }
0xcb: {  	v21 =	vor.u32 v20, v21  }
0xcc: {  	v20 =	vadd.s32 v6, v21;
	_ =	sdelay $0x3  }
0xcd: {  	[tilespmem:s31+$0x10] =	vst v19  }
0xce: {  	v19 =	vld.idx.msk [tilespmem:v20+s17+$0x0], $0xffff;
	_ =	sdelay $0x1  }
0xcf: {  	v20 =	vadd.s32 v7, v21;
	_ =	sdelay $0x2  }
0xd0: {  	s31 =	sadd.s32 $0x80, s31  }
0xd1: {  	[tilespmem:s31+$0xFFFFFFE0] =	vst v19  }
0xd2: {  	v19 =	vld.idx.msk [tilespmem:v20+s17+$0x0], $0xffff;
	_ =	sdelay $0x1  }
0xd3: {  	v20 =	vadd.s32 v8, v21;
	_ =	sdelay $0x2  }
.Ltmp11:
0xd4: {  	(pc) =	sbr.rel @p0 .LBB2_10-.Ltmp11, $3  }
0xd5: {  	[tilespmem:s31+$0xFFFFFFF0] =	vst v19  }
0xd6: {  	v20 =	vld.idx.msk [tilespmem:v20+s17+$0x0], $0xffff;
	_ =	sdelay $0x1  }
0xd7: {  	v19 =	vadd.s32 v9, v21  }
.Ltmp12:
0xd8: {  	_ = 	snop;
	(pc) =	sbr.rel .LBB2_11-.Ltmp12, $1  }
0xd9: {  	_ =	sdelay $0x3  }
.LBB2_13:
0xda: {  	s5 =	sadd.s32 $0x2, s23  }
0xdb: {  	p0 =	sge.u32 s5, s2  }
0xdc: {  	s5 =	sadd.s32 @!p0 s1, s5  }
0xdd: {  	s5 =	sshll.u32 @!p0 s5, $0x9  }
0xde: {  	s24 =	simm.s32 @!p0 $0x1000;
	s5 =	smin.u32 @!p0 s5, $0xF4080  }
0xdf: {  	s25 =	simm.s32 @!p0 $0x7A1400;
	s26 =	simm.s32 @!p0 $0xA100;
	s5 =	sadd.s32 @!p0 s4, s5  }
0xe0: {  	[tilespmem:s26], [sflag:$0x1] =	stream.strided.gather @!p0 [hbm4b:s5+s24], $0x8000, s25, s24, $0x38;
	[tilespmem:$0x1E100] =	vst v63  }
0xe1: {  	s5 =	sor.u32 $0x1, s23  }
0xe2: {  	p0 =	sge.u32 s5, s2  }
0xe3: {  	s24 =	simm.s32 @!p0 $0x2  }
0xe4: {  	_ =	swait.ge @!p0 [sflag:s24], $0x8000  }
0xe5: {  	s29 =	sshll.u32 s5, $0x4;
	[sflag:s24] =	ssyncset.done @!p0 $0x0  }
0xe6: {  	s30 =	sand.u32 $0x3FFFFFF0, s29;
	[sflag:s24] =	ssyncadd.s32 @!p0 $0xFFFF8000  }
0xe7: {  	v14 =	vld [tilespmem:s30+$0x4000];
	_ =	sdelay $0x4  }
0xe8: {  	v15 =	vxor.u32 $0x80000000, v14  }
0xe9: {  	(xrf0) =	vmax.scan.msk.u32 $0xffff, v15;
	_ =	sdelay $0x5  }
0xea: {  	v15, _, _ =	vpop (xrf0)  }
0xeb: {  	(v2sf) =	vpush v15, $0xF;
	_ =	sdelay $0xe  }
0xec: {  	s31 =	spop (v2sf)  }
0xed: {  	s24 =	sxor.u32 $0x80000000, s31  }
0xee: {  	p0 =	slt.s32 s24, $0x1  }
.Ltmp13:
0xef: {  	_ = 	snop;
	(pc) =	sbr.rel @p0 .LBB2_20-.Ltmp13, $1  }
0xf0: {  	_ =	sdelay $0x3  }
.Ltmp14:
0xf1: {  	(pc) =	sbr.rel .LBB2_15-.Ltmp14, $4  }
0xf2: {  	s25 =	sadd.s32 s1, s5  }
0xf3: {  	s25 =	sshll.u32 s25, $0x9  }
0xf4: {  	s28 =	smov.u32 s21;
	s26 =	smin.u32 s25, $0xF4080  }
0xf5: {  	s29 =	simm.s32 $0x0;
	s25 =	smul.u32 $0xC, s5;
	v15 =	vmov s26;
	s26 =	simm.s32 $0x0  }
.LBB2_18:
0xf6: {  	_ =	sdelay $0x2  }
0xf7: {  	[tilespmem:s31+$0x0] =	vst v20  }
0xf8: {  	v18 =	vld.idx.msk [tilespmem:v19+s17+$0x0], $0xffff;
	_ =	sdelay $0x4  }
0xf9: {  	[tilespmem:s31+$0x10] =	vst v18  }
.LBB2_19:
0xfa: {  	v16 =	vbroadcast v16, $0xF;
	_ =	sdelay $0x1  }
0xfb: {  	vm1 =	vgt.s32 v16, v4  }
0xfc: {  	v16 =	vsel vm1, v17, v2  }
0xfd: {  	s5 =	sand.u32 $0x7, s21  }
0xfe: {  	s30 =	sshll.u32 s5, $0xD  }
0xff: {  	p0 =	sne.s32 s5, $0x7;
	s30 =	sshrl.u32 s30, $0x2  }
0x100: {  	s5 =	simm.s32 @!p0 $0x3;
	s30 =	sadd.s32 $0x1A100, s30  }
0x101: {  	[hbm4b:s7+s6] =	stream.indirect_vreg.scatter [tilespmem:s30], [sflag:$0x3], $0x80, v16, vm0, $0xb8;
	[tilespmem:$0x1E100] =	vst v63  }
0x102: {  	_ =	swait.ge @!p0 [sflag:s5], $0x800  }
0x103: {  	[sflag:s5] =	ssyncset.done @!p0 $0x0  }
0x104: {  	[sflag:s5] =	ssyncadd.s32 @!p0 $0xFFFFF800  }
0x105: {  	_ =	swait.ge @!p0 [sflag:s5], $0x800  }
0x106: {  	[sflag:s5] =	ssyncset.done @!p0 $0x0  }
0x107: {  	[sflag:s5] =	ssyncadd.s32 @!p0 $0xFFFFF800  }
0x108: {  	_ =	swait.ge @!p0 [sflag:s5], $0x800  }
0x109: {  	[sflag:s5] =	ssyncset.done @!p0 $0x0  }
0x10a: {  	[sflag:s5] =	ssyncadd.s32 @!p0 $0xFFFFF800  }
0x10b: {  	_ =	swait.ge @!p0 [sflag:s5], $0x800  }
0x10c: {  	[sflag:s5] =	ssyncset.done @!p0 $0x0  }
0x10d: {  	[sflag:s5] =	ssyncadd.s32 @!p0 $0xFFFFF800  }
0x10e: {  	_ =	swait.ge @!p0 [sflag:s5], $0x800  }
0x10f: {  	[sflag:s5] =	ssyncset.done @!p0 $0x0  }
0x110: {  	[sflag:s5] =	ssyncadd.s32 @!p0 $0xFFFFF800  }
0x111: {  	_ =	swait.ge @!p0 [sflag:s5], $0x800  }
0x112: {  	[sflag:s5] =	ssyncset.done @!p0 $0x0  }
0x113: {  	s29 =	sadd.s32 $0x1, s29;
	[sflag:s5] =	ssyncadd.s32 @!p0 $0xFFFFF800  }
0x114: {  	p1 =	sne.s32 s29, s24;
	_ =	swait.ge @!p0 [sflag:s5], $0x800  }
.Ltmp15:
0x115: {  	[sflag:s5] =	ssyncset.done @!p0 $0x0;
	(pc) =	sbr.rel @!p1 .LBB2_20-.Ltmp15, $4  }
0x116: {  	[sflag:s5] =	ssyncadd.s32 @!p0 $0xFFFFF800  }
0x117: {  	_ =	swait.ge @!p0 [sflag:s5], $0x800  }
0x118: {  	[sflag:s5] =	ssyncset.done @!p0 $0x0  }
0x119: {  	s21 =	sadd.s32 $0x1, s21;
	s28 =	sadd.s32 $0x1, s28;
	[sflag:s5] =	ssyncadd.s32 @!p0 $0xFFFFF800  }
.LBB2_15:
0x11a: {  	vm1 =	vgt.s32 v14, s29  }
0x11b: {  	v16 =	vsel vm1, $0x1, v3  }
0x11c: {  	(xrf0) =	vadd.scan.msk.s32 $0xffff, v16;
	_ =	sdelay $0x5  }
0x11d: {  	s5 =	sadd.s32 s25, s29;
	v16, _, _ =	vpop (xrf0)  }
0x11e: {  	s5 =	sshll.u32 s5, $0x4;
	(v2sf) =	vpush v16, $0xF  }
0x11f: {  	v17 =	vld [tilespmem:s5+$0x4400]  }
0x120: {  	v18 =	vld [tilespmem:s5+$0x7280]  }
0x121: {  	vm1 =	vle.s32 v14, s29  }
0x122: {  	v19 =	vsel vm1, $0x1, v3  }
0x123: {  	v19 =	vor.u32 $0x80000000, v19  }
0x124: {  	(xrf1) =	vsort.ascd.msk.u32 $0xffff, v19, v17  }
0x125: {  	(xrf1) =	vsort.ascd.msk.u32 $0xffff, v19, v18;
	_ =	sdelay $0x7  }
0x126: {  	s30 =	spop (v2sf)  }
0x127: {  	p0 =	slt.s32 s30, $0x1  }
.Ltmp16:
0x128: {  	_ = 	snop;
	(pc) =	sbr.rel @p0 .LBB2_19-.Ltmp16, $3  }
0x129: {  	_ =	sdelay $0x1  }
0x12a: {  	_, v18, _ =	vpop (xrf1)  }
0x12b: {  	_, v17, _ =	vpop (xrf1)  }
0x12c: {  	v18 =	vsub.s32 v18, v15  }
0x12d: {  	vm1 =	vgt.s32 v18, $0x0  }
0x12e: {  	v18 =	vnsel vm1, $0x0, v18  }
0x12f: {  	v19 =	vmov s26;
	v18 =	vmin.u32 v18, $0x1FF  }
0x130: {  	v19 =	vperm.xlane v18, v19;
	_ =	sdelay $0x1  }
0x131: {  	v20 =	vshll.u32 v19, $0x3  }
0x132: {  	v19 =	vand.u32 $0x7F, v19;
	v20 =	vand.u32 $0xFFFFFC00, v20  }
0x133: {  	v19 =	vor.u32 v19, v20  }
0x134: {  	v20 =	vadd.s32 v10, v19;
	_ =	sdelay $0x4  }
0x135: {  	v20 =	vld.idx.msk [tilespmem:v20+s17+$0x0], $0xffff  }
0x136: {  	v21 =	vadd.s32 v11, v19  }
0x137: {  	s5 =	sand.u32 $0x7, s28  }
0x138: {  	s5 =	sshll.u32 s5, $0xB  }
0x139: {  	s31 =	sadd.s32 $0x1A120, s5  }
0x13a: {  	[tilespmem:s31+$0xFFFFFFE0] =	vst v20  }
0x13b: {  	v20 =	vld.idx.msk [tilespmem:v21+s17+$0x0], $0xffff  }
0x13c: {  	v21 =	vadd.s32 v12, v19  }
0x13d: {  	p0 =	sne.s32 s30, $0x1  }
.Ltmp17:
0x13e: {  	_ = 	snop;
	(pc) =	sbr.rel @!p0 .LBB2_18-.Ltmp17, $4  }
0x13f: {  	_ = 	snop  }
0x140: {  	[tilespmem:s31+$0xFFFFFFF0] =	vst v20  }
0x141: {  	v20 =	vld.idx.msk [tilespmem:v21+s17+$0x0], $0xffff  }
0x142: {  	s5 =	simm.s32 $0x1;
	v19 =	vadd.s32 v13, v19  }
.LBB2_17:
0x143: {  	v21 =	vmov s5;
	s5 =	sadd.s32 $0x1, s5  }
0x144: {  	v21 =	vperm.xlane v18, v21;
	p0 =	sne.s32 s30, s5;
	_ =	sdelay $0x1  }
0x145: {  	v22 =	vshll.u32 v21, $0x3;
	[tilespmem:s31+$0x0] =	vst v20  }
0x146: {  	v20 =	vand.u32 $0x7F, v21;
	v21 =	vand.u32 $0xFFFFFC00, v22;
	v19 =	vld.idx.msk [tilespmem:v19+s17+$0x0], $0xffff  }
0x147: {  	v21 =	vor.u32 v20, v21  }
0x148: {  	v20 =	vadd.s32 v10, v21;
	_ =	sdelay $0x3  }
0x149: {  	[tilespmem:s31+$0x10] =	vst v19  }
0x14a: {  	v19 =	vld.idx.msk [tilespmem:v20+s17+$0x0], $0xffff;
	_ =	sdelay $0x1  }
0x14b: {  	v20 =	vadd.s32 v11, v21;
	_ =	sdelay $0x2  }
0x14c: {  	s31 =	sadd.s32 $0x80, s31  }
0x14d: {  	[tilespmem:s31+$0xFFFFFFE0] =	vst v19  }
0x14e: {  	v19 =	vld.idx.msk [tilespmem:v20+s17+$0x0], $0xffff;
	_ =	sdelay $0x1  }
0x14f: {  	v20 =	vadd.s32 v12, v21;
	_ =	sdelay $0x2  }
.Ltmp18:
0x150: {  	(pc) =	sbr.rel @p0 .LBB2_17-.Ltmp18, $3  }
0x151: {  	[tilespmem:s31+$0xFFFFFFF0] =	vst v19  }
0x152: {  	v20 =	vld.idx.msk [tilespmem:v20+s17+$0x0], $0xffff;
	_ =	sdelay $0x1  }
0x153: {  	v19 =	vadd.s32 v13, v21  }
.Ltmp19:
0x154: {  	_ = 	snop;
	(pc) =	sbr.rel .LBB2_18-.Ltmp19, $1  }
0x155: {  	_ =	sdelay $0x3  }
.LBB2_21:
0x156: {  	s5 =	sand.u32 $0x7, s21  }
0x157: {  	p0 =	seq.s32 s5, $0x0  }
.Ltmp20:
0x158: {  	_ = 	snop;
	(pc) =	sbr.rel @p0 .LBB2_25-.Ltmp20, $1  }
0x159: {  	_ =	sdelay $0x3  }
0x15a: {  	p0 =	sne.s32 s5, $0x1  }
.Ltmp21:
0x15b: {  	_ = 	snop;
	(pc) =	sbr.rel @!p0 .LBB2_24-.Ltmp21, $3  }
0x15c: {  	_ =	sdelay $0x1  }
0x15d: {  	_ =	swait.ge [sflag:s19], $0x800  }
0x15e: {  	s5 =	sadd.s32 $0xFFFFFFFF, s5;
	[sflag:s19] =	ssyncset.done $0x0  }
.LBB2_23:
0x15f: {  	p0 =	sne.s32 s5, $0x1;
	s5 =	sadd.s32 $0xFFFFFFFF, s5;
	[sflag:s19] =	ssyncadd.s32 $0xFFFFF800  }
.Ltmp22:
0x160: {  	(pc) =	sbr.rel @p0 .LBB2_23-.Ltmp22, $3  }
0x161: {  	_ =	sdelay $0x1  }
0x162: {  	_ =	swait.ge [sflag:s19], $0x800  }
0x163: {  	[sflag:s19] =	ssyncset.done $0x0  }
.Ltmp23:
0x164: {  	_ = 	snop;
	(pc) =	sbr.rel .LBB2_24-.Ltmp23, $1  }
0x165: {  	_ =	sdelay $0x3  }
.LBB2_26:
0x166: {  	_ =	sfence.sel $0x180000  }
0x167: {  	[bflag:$0x0] =	sbarrier.arrive $0xFFFF  }
0x168: {  	_ =	strace $0x90000047  }
0x169: {  	[bflag:$0x2] =	sbarrier.arrive $0xFFFF  }
0x16a: {  	p0 =	sne.s32 s0, $0x0;
	s0 =	rddreg [dreg:$0x3]  }
0x16b: {  	s0 =	sadd.s32 @!p0 $0x100000, s0  }
0x16c: {  	[sflag:s0] =	ssyncadd.tile.s32 @!p0 $0x1;
	_ =	shalt  }
.Lfunc_end2:
_tile_overlayer_lowered:
.L_overlay_start_2:
0x16d: {  	(tag) =	ssettag $0x2  }
0x16e: {  	s0 =	rddreg [dreg:$0x0];
	s2 =	stileid.u32  }
0x16f: {  	s1 =	rddreg [dreg:$0x1];
	p0 =	sne.s32 s2, $0x0  }
0x170: {  	s3 =	rddreg [dreg:$0x2];
	[bflag:$0x3] =	sbarrier.arrive $0xFFFF;
	s2 =	simm.s32 @!p0 $0x1C04  }
0x171: {  	[timem:s3], [sflag:s2] =	dma.local @!p0 [hbm:s0], s1  }
0x172: {  	s0 =	simm.s32 @!p0 $0x4  }
0x173: {  	_ =	swait.ge @!p0 [sflag:s0], s1  }
0x174: {  	s1 =	ssub.s32 @!p0 $0x0, s1;
	[sflag:s0] =	ssyncset.done @!p0 $0x0  }
0x175: {  	[sflag:s0] =	ssyncadd.s32 @!p0 s1  }
0x176: {  	[bflag:$0x3] =	sbarrier.arrive $0xFFFF  }
0x177: {  	_ =	shalt  }

// kernel: _mf_dot.8.cloned.1.call-start
scs
__scs_entry_jumppad:
0x0: {  	(pc) =	sbr.rel $0x88, $3  }
0x1: {  	(tag) =	ssettag $0x0;
	lr =	simm.s32 $0x1  }
0x2: {  	[smem:$0x3F9D] =	sst lr;
	_ =	strace $0xD0000000  }
0x3: {  	_ = 	snop  }
0x4: {  	_ = 	snop  }
0x5: {  	_ = 	snop  }
0x6: {  	_ = 	snop  }
0x7: {  	_ = 	snop  }
__scs_overlays_trampoline_lowered:
0x8: {  	[smem:$0x3FAC] =	sst s0  }
0x9: {  	[smem:$0x3FAD] =	sst s1  }
0xa: {  	[smem:$0x3FAE] =	sst s2  }
0xb: {  	[smem:$0x3FAF] =	sst s3  }
0xc: {  	[smem:$0x3FB0] =	sst s4  }
0xd: {  	[smem:$0x3FB1] =	sst s5  }
0xe: {  	[smem:$0x3FB2] =	sst s6  }
0xf: {  	[smem:$0x3FB3] =	sst s7  }
0x10: {  	[smem:$0x3FB4] =	sst s8  }
0x11: {  	[smem:$0x3FB5] =	sst s9;
	s0 =	simm.s32 @!p0 $0x0  }
0x12: {  	s1 =	sld [smem:$0x3F9B];
	s0 =	simm.s32 @p0 $0x1  }
0x13: {  	[smem:$0x3FB6] =	sst s0;
	s0 =	simm.s32 @!p1 $0x0  }
0x14: {  	s2 =	sld [smem:$0x3F9A];
	s0 =	simm.s32 @p1 $0x1  }
0x15: {  	[smem:$0x3FB7] =	sst s0;
	s0 =	simm.s32 @!p2 $0x0  }
0x16: {  	s3 =	sld [smem:$0x3FDB];
	s0 =	simm.s32 @p2 $0x1  }
0x17: {  	s4 =	simm.s32 $0x1BF5;
	[smem:$0x3FB9] =	sst s0  }
0x18: {  	s0 =	sld [smem:$0x3F9C];
	_ =	swait.ge [sflag:s4], $0x0  }
0x19: {  	s7 =	sld [smem:$0x3F9D]  }
0x1a: {  	s8 =	sadd.s32 $0xFFFFE003, lr  }
0x1b: {  	s9 =	sadd.s32 $0xFFFFFEF7, lr;
	s5 =	simm.s32 $0xFFFFFFFF;
	p2 =	slt.u32 s8, $0xFFFFF086  }
0x1c: {  	p1 =	slt.u32 s9, $0xF7A;
	s5 =	simm.s32 @!p2 $0x0  }
0x1d: {  	s5 =	simm.s32 @p1 $0x1;
	p0 =	seq.s32 s7, s2  }
0x1e: {  	s7 =	smul.u32 @!p0 $0xF7A, s2;
	p2 =	seq.s32 @!p0 s5, $0x0  }
0x1f: {  	s9 =	smul.u32 $0xF7A, s1;
	s8 =	simm.s32 @!p0 $0x1BF5;
	p2 =	por !p2, p0  }
0x20: {  	[sflag:s8] =	ssyncset.s32 @!p0 $0xFFFFF086;
	s6 =	sadd.s32 @!p0 s3, s7;
	s7 =	simm.s32 @!p0 $0x108  }
0x21: {  	s3 =	sadd.s32 s3, s9;
	s6 =	sadd.s32 @!p0 $0x88, s6;
	s7 =	simm.s32 @p2 $0x1082  }
0x22: {  	[simem:s7], [sflag:s8] =	dma.local @!p0 [hbm:s6], $0xF7A  }
0x23: {  	s9 =	sor.u32 $0xD0000000, s2;
	s6 =	simm.s32 $0x108;
	_ =	swait.ge @!p0 [sflag:s8], $0x0  }
0x24: {  	s3 =	sadd.s32 $0x88, s3;
	s6 =	simm.s32 @!p1 $0x1082;
	[sflag:s4] =	ssyncset.s32 $0xFFFFF086  }
0x25: {  	[simem:s6], [sflag:s4] =	dma.local [hbm:s3], $0xF7A  }
0x26: {  	[smem:$0x3F9D] =	sst s1;
	(tag) =	ssettag s2;
	_ =	strace s9  }
0x27: {  	s1 =	sld [smem:$0x3FAD]  }
0x28: {  	s2 =	sld [smem:$0x3FAE]  }
0x29: {  	s4 =	sld [smem:$0x3FB0]  }
0x2a: {  	p0 =	seq.s32 s5, $0x0;
	s5 =	sld [smem:$0x3FB1]  }
0x2b: {  	s6 =	sld [smem:$0x3FB2]  }
0x2c: {  	s7 =	sld [smem:$0x3FB3]  }
0x2d: {  	s3 =	simm.s32 $0x108;
	s8 =	sld [smem:$0x3FB4]  }
0x2e: {  	s3 =	simm.s32 @!p0 $0x1082;
	s9 =	sld [smem:$0x3FB5]  }
0x2f: {  	lr =	sadd.s32 s0, s3;
	s0 =	sld [smem:$0x3FAC]  }
0x30: {  	s3 =	sld [smem:$0x3FAF]  }
0x31: {  	[smem:$0x3FB8] =	sst s10  }
0x32: {  	s10 =	sld [smem:$0x3FB6];
	_ =	sdelay $0x3  }
0x33: {  	p0 =	seq.s32 s10, $0x1;
	s10 =	sld [smem:$0x3FB8];
	_ =	sdelay $0x3  }
0x34: {  	[smem:$0x3FB8] =	sst s10  }
0x35: {  	s10 =	sld [smem:$0x3FB7];
	_ =	sdelay $0x3  }
0x36: {  	p1 =	seq.s32 s10, $0x1;
	s10 =	sld [smem:$0x3FB8];
	_ =	sdelay $0x3  }
0x37: {  	[smem:$0x3FB8] =	sst s10  }
0x38: {  	s10 =	sld [smem:$0x3FB9]  }
0x39: {  	_ = 	snop;
	(pc) =	sbr.ind lr, $3  }
0x3a: {  	_ = 	snop  }
0x3b: {  	_ = 	snop  }
0x3c: {  	p2 =	seq.s32 s10, $0x1;
	s10 =	sld [smem:$0x3FB8]  }
0x3d: {  	_ =	shalt  }
0x3e: {  	_ =	shalt  }
0x3f: {  	_ =	shalt  }
0x40: {  	_ =	shalt  }
0x41: {  	_ =	shalt  }
0x42: {  	_ =	shalt  }
0x43: {  	_ =	shalt  }
0x44: {  	_ =	shalt  }
0x45: {  	_ =	shalt  }
0x46: {  	_ =	shalt  }
0x47: {  	_ =	shalt  }
0x48: {  	_ =	shalt  }
0x49: {  	_ =	shalt  }
0x4a: {  	_ =	shalt  }
0x4b: {  	_ =	shalt  }
0x4c: {  	_ =	shalt  }
0x4d: {  	_ =	shalt  }
0x4e: {  	_ =	shalt  }
0x4f: {  	_ =	shalt  }
0x50: {  	_ =	shalt  }
0x51: {  	_ =	shalt  }
0x52: {  	_ =	shalt  }
0x53: {  	_ =	shalt  }
0x54: {  	_ =	shalt  }
0x55: {  	_ =	shalt  }
0x56: {  	_ =	shalt  }
0x57: {  	_ =	shalt  }
0x58: {  	_ =	shalt  }
0x59: {  	_ =	shalt  }
0x5a: {  	_ =	shalt  }
0x5b: {  	_ =	shalt  }
0x5c: {  	_ =	shalt  }
0x5d: {  	_ =	shalt  }
0x5e: {  	_ =	shalt  }
0x5f: {  	_ =	shalt  }
0x60: {  	_ =	shalt  }
0x61: {  	_ =	shalt  }
0x62: {  	_ =	shalt  }
0x63: {  	_ =	shalt  }
0x64: {  	_ =	shalt  }
0x65: {  	_ =	shalt  }
0x66: {  	_ =	shalt  }
0x67: {  	_ =	shalt  }
0x68: {  	_ =	shalt  }
0x69: {  	_ =	shalt  }
0x6a: {  	_ =	shalt  }
0x6b: {  	_ =	shalt  }
0x6c: {  	_ =	shalt  }
0x6d: {  	_ =	shalt  }
0x6e: {  	_ =	shalt  }
0x6f: {  	_ =	shalt  }
0x70: {  	_ =	shalt  }
0x71: {  	_ =	shalt  }
0x72: {  	_ =	shalt  }
0x73: {  	_ =	shalt  }
0x74: {  	_ =	shalt  }
0x75: {  	_ =	shalt  }
0x76: {  	_ =	shalt  }
0x77: {  	_ =	shalt  }
0x78: {  	_ =	shalt  }
0x79: {  	_ =	shalt  }
0x7a: {  	_ =	shalt  }
0x7b: {  	_ =	shalt  }
0x7c: {  	_ =	shalt  }
0x7d: {  	_ =	shalt  }
0x7e: {  	_ =	shalt  }
0x7f: {  	_ =	shalt  }
0x80: {  	_ =	shalt  }
0x81: {  	_ =	shalt  }
0x82: {  	_ =	shalt  }
0x83: {  	_ =	shalt  }
0x84: {  	_ =	shalt  }
0x85: {  	_ =	shalt  }
0x86: {  	_ =	shalt  }
0x87: {  	_ =	shalt  }
.Lfunc_end0:
.L_simem_size_0:
called_computation.1_lowered:
.L_overlay_start_0:
0x88: {  	s2 =	sld [smem:$0x3FD9]  }
0x89: {  	s3 =	sld [smem:$0x3FFE];
	_ =	sdelay $0x1  }
0x8a: {  	s1 =	srdreg.scid  }
0x8b: {  	s0 =	sand.u32 $0x1, s1  }
0x8c: {  	s17 =	sshll.u32 s0, $0xA;
	s2 =	sadd.s32 s3, s2  }
0x8d: {  	s2 =	sadd.s32 s2, s17  }
0x8e: {  	[smem:$0x3FC4] =	sst s2  }
0x8f: {  	_ = 	snop  }
0x90: {  	s18 =	sld [smem:$0x3FC8]  }
0x91: {  	s4 =	sld [smem:$0x3FC6];
	(tm) =	ssettm $0x1  }
0x92: {  	s19 =	sld [smem:$0x3FFB];
	_ =	sdelay $0x3  }
0x93: {  	_ =	strace s19  }
0x94: {  	s2 =	sld [smem:$0x3FFC];
	_ =	sdelay $0x3  }
0x95: {  	_ =	strace s2  }
0x96: {  	s2 =	sld [smem:$0x3FFD];
	_ =	sdelay $0x3  }
0x97: {  	_ =	strace s2  }
0x98: {  	_ =	strace $0x8FFFFFFF  }
0x99: {  	s20 =	sld [smem:$0x3FDB];
	_ =	sdelay $0x1  }
0x9a: {  	s5 =	simm.s32 $_scs_section_size  }
0x9b: {  	s6 =	simm.s32 $_size__tile_overlayer_lowered;
	s7 =	simm.s32 $_tile_overlayer_lowered  }
0x9c: {  	s8 =	simm.s32 $0x1BFF;
	s21 =	sshll.u32 s7, $0x1;
	s5 =	sadd.s32 s5, s20  }
0x9d: {  	s22 =	simm.s32 $0x0;
	s6 =	sshll.u32 s6, $0x1;
	s7 =	sadd.s32 s21, s5  }
0x9e: {  	[timem:s22], [sflag:s8] =	dma.local [hbm:s7], s6  }
0x9f: {  	_ =	swait.ge [sflag:s8], s6  }
0xa0: {  	s6 =	ssub.s32 $0x0, s6;
	[sflag:s8] =	ssyncset.done $0x0  }
0xa1: {  	[sflag:s8] =	ssyncadd.s32 s6;
	_ =	sdelay $0x1  }
0xa2: {  	s23 =	simm.s32 $0x1B8B  }
0xa3: {  	_ =	swait.ge [sflag:s23], $0x1  }
0xa4: {  	[sflag:s23] =	ssyncset.done $0x0  }
0xa5: {  	[sflag:s23] =	ssyncadd.s32 $0xFFFFFFFF  }
0xa6: {  	s6 =	sld [smem:$0x0]  }
0xa7: {  	s7 =	sand.u32 $0xFFFFFFFE, s1  }
0xa8: {  	p0 =	sne.s32 s1, s7  }
0xa9: {  	s7 =	sshll.u32 @p0 s7, $0xE  }
0xaa: {  	s7 =	sadd.s32 @p0 $0x11B8D, s7;
	s8 =	sshll.u32 @p0 s6, $0x11  }
0xab: {  	s7 =	sor.u32 @p0 s8, s7  }
0xac: {  	[sflag:s7] =	ssyncadd.remote.s32 @p0 $0x1;
	_ =	sdelay $0x1  }
0xad: {  	s7 =	simm.s32 @p0 $0x1B8D  }
0xae: {  	_ =	swait.eq @p0 [sflag:s7], $0x1  }
0xaf: {  	[sflag:s7] =	ssyncadd.s32 @p0 $0xFFFFFFFF  }
0xb0: {  	s8 =	sshll.u32 @!p0 s1, $0xE  }
0xb1: {  	s8 =	sor.u32 @!p0 $0x4000, s8;
	s7 =	simm.s32 @!p0 $0x1B8D  }
0xb2: {  	s6 =	sshll.u32 @!p0 s6, $0x11;
	s8 =	sadd.s32 @!p0 $0x11B8D, s8;
	_ =	swait.eq @!p0 [sflag:s7], $0x1  }
0xb3: {  	s6 =	sor.u32 @!p0 s6, s8;
	[sflag:s7] =	ssyncadd.s32 @!p0 $0xFFFFFFFF  }
0xb4: {  	s25 =	simm.s32 $0x1B8E;
	s24 =	sld [smem:$0x3FFE];
	[sflag:s6] =	ssyncadd.remote.s32 @!p0 $0x1  }
0xb5: {  	s26 =	simm.s32 $execute0_lowered;
	[smem:$0x3FD2] =	sst s25  }
0xb6: {  	s7 =	sshll.u32 s26, $0x1;
	_ =	strace $0x80000049;
	[dreg:$0x1] =	wrdreg $0xFFFFFFFF  }
0xb7: {  	s28 =	simm.s32 $_size_execute0_lowered;
	s5 =	sadd.s32 s5, s7;
	[dreg:$0x0] =	wrdreg $0x0  }
0xb8: {  	s7 =	sshll.u32 s28, $0x1;
	[dreg:$0x2] =	wrdreg s5  }
0xb9: {  	[dreg:$0x3] =	wrdreg s7  }
0xba: {  	[dreg:$0x4] =	wrdreg $0xC0  }
0xbb: {  	_ =	task [dreg:s22], $0x5FFFF  }
0xbc: {  	[dreg:$0x1] =	wrdreg $0xFFFFFFFF  }
0xbd: {  	[dreg:$0x0] =	wrdreg $0x60  }
0xbe: {  	[dreg:$0x2] =	wrdreg s18  }
0xbf: {  	[dreg:$0x3] =	wrdreg s4  }
0xc0: {  	[dreg:$0x4] =	wrdreg s24  }
0xc1: {  	[dreg:$0x5] =	wrdreg $0xA  }
0xc2: {  	_ =	task.clear_ibuf [dreg:s22], $0x6FFFF;
	_ =	strace $0x90000049  }
0xc3: {  	s29 =	simm.s32 $0xA;
	_ =	strace $0x8000004B  }
0xc4: {  	_ =	swait.ge [sflag:s29], $0x1  }
0xc5: {  	[sflag:s29] =	ssyncadd.s32 $0xFFFFFFFF  }
0xc6: {  	_ =	strace $0x9000004B  }
0xc7: {  	_ =	sfence  }
0xc8: {  	s30 =	sld [smem:$0x0];
	_ =	sdelay $0x2  }
0xc9: {  	s31 =	sshll.u32 s1, $0xD;
	s1 =	sshrl.u32 s1, $0x2  }
0xca: {  	s4 =	sand.u32 $0x4000, s31;
	s1 =	sadd.s32 s1, s30  }
0xcb: {  	s0 =	sor.u32 s4, s0;
	s1 =	sshll.u32 s1, $0x11  }
0xcc: {  	s0 =	sor.u32 s1, s0  }
0xcd: {  	s0 =	sadd.s32 $0x8F2B, s0  }
0xce: {  	[sflag:s0] =	ssyncadd.remote.s32 $0x1  }
0xcf: {  	_ =	sfence.sel $0xFFFF  }
0xd0: {  	[dreg:$0x0] =	wrdreg $0xFFFFFFFF;
	(pc) =	sbr.abs _section_cstart, $3  }
0xd1: {  	[dreg:$0x1] =	wrdreg $0xFFFFFFFF  }
0xd2: {  	_ =	task.clear_ibuf [dreg:s22], $0x2FFFF;
	_ =	strace $0x9FFFFFFF  }
0xd3: {  	(tm) =	ssettm $0x7FFFFFFF  }
tec
execute0_lowered:
.L_overlay_start_1:
0x0: {  	(tag) =	ssettag $0x1  }
0x1: {  	v3 =	vimm.s32 $0x0;
	v4 =	vlaneseq.u32;
	v5 =	vimm.s32 $0x1  }
0x2: {  	v6 =	vimm.s32 $0x1380;
	vm12 =	vcmask $0x300;
	v7 =	vimm.s32 $0x3380  }
0x3: {  	vm13 =	vcmask $0x704;
	vm14 =	vcmask $0xB08;
	vm15 =	vcmask $0xF0C  }
0x4: {  	vm11 =	vcmask $0x1310;
	vm10 =	vcmask $0x1714;
	vm9 =	vcmask $0x1B18  }
0x5: {  	vm8 =	vcmask $0x1F1C;
	vm7 =	vcmask $0x2320;
	vm6 =	vcmask $0x2724  }
0x6: {  	vm5 =	vcmask $0x2B28;
	vm4 =	vcmask $0x2F2C;
	vm3 =	vcmask $0x3330  }
0x7: {  	vm2 =	vcmask $0x3734;
	vm1 =	vcmask $0x3B38;
	v8 =	vimm.s32 $0x5380  }
0x8: {  	v9 =	vimm.s32 $0x7380;
	v10 =	vimm.s32 $0x9380;
	vm0 =	vmmov $0xffff  }
0x9: {  	v11 =	vimm.s32 $0xB380;
	v12 =	vimm.s32 $0xD380;
	v13 =	vimm.s32 $0xF380  }
0xa: {  	v6 =	vsel vm12, $0x0, v6;
	v7 =	vsel vm12, $0x2000, v7;
	v8 =	vsel vm12, $0x4000, v8  }
0xb: {  	v9 =	vsel vm12, $0x6000, v9;
	v10 =	vsel vm12, $0x8000, v10;
	v11 =	vsel vm12, $0xA000, v11  }
0xc: {  	v12 =	vsel vm12, $0xC000, v12;
	v13 =	vsel vm12, $0xE000, v13;
	v6 =	vsel vm13, $0x80, v6  }
0xd: {  	v7 =	vsel vm13, $0x2080, v7;
	v8 =	vsel vm13, $0x4080, v8;
	v9 =	vsel vm13, $0x6080, v9  }
0xe: {  	s1 =	srdreg.scid;
	s0 =	stileid.u32;
	v10 =	vsel vm13, $0x8080, v10;
	v11 =	vsel vm13, $0xA080, v11;
	v12 =	vsel vm13, $0xC080, v12  }
0xf: {  	s7 =	sand.u32 $0x1, s1;
	s30 =	sshll.u32 s0, $0x1;
	v13 =	vsel vm13, $0xE080, v13;
	v6 =	vsel vm14, $0x100, v6;
	v7 =	vsel vm14, $0x2100, v7  }
0x10: {  	s8 =	sor.u32 s7, s30;
	v8 =	vsel vm14, $0x4100, v8;
	v9 =	vsel vm14, $0x6100, v9;
	v10 =	vsel vm14, $0x8100, v10  }
0x11: {  	s3 =	sor.u32 $0x4000, s8;
	v11 =	vsel vm14, $0xA100, v11;
	v12 =	vsel vm14, $0xC100, v12;
	v13 =	vsel vm14, $0xE100, v13  }
0x12: {  	v2 =	vmov s3;
	v6 =	vsel vm15, $0x180, v6;
	v7 =	vsel vm15, $0x2180, v7  }
0x13: {  	s1 =	smul.u32 $0x3E, s8;
	v8 =	vsel vm15, $0x4180, v8;
	v9 =	vsel vm15, $0x6180, v9;
	v10 =	vsel vm15, $0x8180, v10  }
0x14: {  	v11 =	vsel vm15, $0xA180, v11;
	v12 =	vsel vm15, $0xC180, v12;
	v13 =	vsel vm15, $0xE180, v13  }
0x15: {  	v0 =	vmov s1;
	v6 =	vsel vm11, $0x200, v6;
	v7 =	vsel vm11, $0x2200, v7  }
0x16: {  	v8 =	vsel vm11, $0x4200, v8;
	v9 =	vsel vm11, $0x6200, v9;
	v10 =	vsel vm11, $0x8200, v10  }
0x17: {  	v11 =	vsel vm11, $0xA200, v11;
	v12 =	vsel vm11, $0xC200, v12;
	v13 =	vsel vm11, $0xE200, v13  }
0x18: {  	s2 =	ssub.s32 $0x7A2, s1;
	v6 =	vsel vm10, $0x280, v6;
	v7 =	vsel vm10, $0x2280, v7;
	v8 =	vsel vm10, $0x4280, v8  }
0x19: {  	s2 =	smin.u32 s2, $0x3E;
	v9 =	vsel vm10, $0x6280, v9;
	v10 =	vsel vm10, $0x8280, v10;
	v11 =	vsel vm10, $0xA280, v11  }
0x1a: {  	v12 =	vsel vm10, $0xC280, v12;
	v13 =	vsel vm10, $0xE280, v13;
	v1 =	vmov s2  }
0x1b: {  	v6 =	vsel vm9, $0x300, v6;
	v7 =	vsel vm9, $0x2300, v7;
	v8 =	vsel vm9, $0x4300, v8  }
0x1c: {  	v9 =	vsel vm9, $0x6300, v9;
	v10 =	vsel vm9, $0x8300, v10;
	v11 =	vsel vm9, $0xA300, v11  }
0x1d: {  	v12 =	vsel vm9, $0xC300, v12;
	v13 =	vsel vm9, $0xE300, v13;
	v6 =	vsel vm8, $0x380, v6  }
0x1e: {  	v7 =	vsel vm8, $0x2380, v7;
	v8 =	vsel vm8, $0x4380, v8;
	v9 =	vsel vm8, $0x6380, v9  }
0x1f: {  	v10 =	vsel vm8, $0x8380, v10;
	v11 =	vsel vm8, $0xA380, v11;
	v12 =	vsel vm8, $0xC380, v12  }
0x20: {  	v13 =	vsel vm8, $0xE380, v13;
	v6 =	vsel vm7, $0x1000, v6;
	v7 =	vsel vm7, $0x3000, v7  }
0x21: {  	v8 =	vsel vm7, $0x5000, v8;
	v9 =	vsel vm7, $0x7000, v9;
	v10 =	vsel vm7, $0x9000, v10  }
0x22: {  	v11 =	vsel vm7, $0xB000, v11;
	v12 =	vsel vm7, $0xD000, v12;
	v13 =	vsel vm7, $0xF000, v13  }
0x23: {  	v6 =	vsel vm6, $0x1080, v6;
	v7 =	vsel vm6, $0x3080, v7;
	v8 =	vsel vm6, $0x5080, v8  }
0x24: {  	v9 =	vsel vm6, $0x7080, v9;
	v10 =	vsel vm6, $0x9080, v10;
	v11 =	vsel vm6, $0xB080, v11  }
0x25: {  	v12 =	vsel vm6, $0xD080, v12;
	v13 =	vsel vm6, $0xF080, v13;
	v6 =	vsel vm5, $0x1100, v6  }
0x26: {  	v7 =	vsel vm5, $0x3100, v7;
	v8 =	vsel vm5, $0x5100, v8;
	v9 =	vsel vm5, $0x7100, v9  }
0x27: {  	v10 =	vsel vm5, $0x9100, v10;
	v11 =	vsel vm5, $0xB100, v11;
	v12 =	vsel vm5, $0xD100, v12  }
0x28: {  	v13 =	vsel vm5, $0xF100, v13;
	v6 =	vsel vm4, $0x1180, v6;
	v7 =	vsel vm4, $0x3180, v7  }
0x29: {  	v8 =	vsel vm4, $0x5180, v8;
	v9 =	vsel vm4, $0x7180, v9;
	v10 =	vsel vm4, $0x9180, v10  }
0x2a: {  	s4 =	rddreg [dreg:$0x1];
	v11 =	vsel vm4, $0xB180, v11;
	v12 =	vsel vm4, $0xD180, v12;
	v13 =	vsel vm4, $0xF180, v13  }
0x2b: {  	s5 =	rddreg [dreg:$0x2];
	s6 =	simm.s32 $0x0;
	s11 =	simm.s32 $0x4000;
	v6 =	vsel vm3, $0x1200, v6;
	v7 =	vsel vm3, $0x3200, v7;
	v8 =	vsel vm3, $0x5200, v8  }
0x2c: {  	s12 =	simm.s32 $0x4400;
	s13 =	simm.s32 $0x7280;
	s14 =	simm.s32 $0x1000;
	v9 =	vsel vm3, $0x7200, v9;
	v10 =	vsel vm3, $0x9200, v10;
	v11 =	vsel vm3, $0xB200, v11  }
0x2d: {  	s15 =	simm.s32 $0x4;
	s16 =	simm.s32 $0x7A1400;
	s17 =	simm.s32 $0xA100;
	v12 =	vsel vm3, $0xD200, v12;
	v13 =	vsel vm3, $0xF200, v13;
	v6 =	vsel vm2, $0x1280, v6  }
.Ltmp0:
0x2e: {  	s18 =	simm.s32 $0x12100;
	s19 =	simm.s32 $0x3;
	v7 =	vsel vm2, $0x3280, v7;
	v8 =	vsel vm2, $0x5280, v8;
	v9 =	vsel vm2, $0x7280, v9;
	(pc) =	sbr.rel .LBB2_1-.Ltmp0, $4  }
0x2f: {  	s20 =	simm.s32 $0x0;
	s9 =	ssub.s32 $0x2, s7;
	s8 =	smul.u32 $0x7C00, s8;
	v10 =	vsel vm2, $0x9280, v10;
	v11 =	vsel vm2, $0xB280, v11;
	v12 =	vsel vm2, $0xD280, v12  }
0x30: {  	[smem:$0x7FF] =	sst s6;
	s7 =	sadd.s32 $0x40E00, s5;
	s10 =	sshrl.u32 s9, $0x1;
	v13 =	vsel vm2, $0xF280, v13;
	v6 =	vsel vm1, $0x1300, v6;
	v7 =	vsel vm1, $0x3300, v7  }
0x31: {  	s3 =	rddreg [dreg:$0x0];
	s31 =	ssub.s32 s9, s10;
	s8 =	sadd.s32 s4, s8;
	v8 =	vsel vm1, $0x5300, v8;
	v9 =	vsel vm1, $0x7300, v9;
	v10 =	vsel vm1, $0x9300, v10  }
0x32: {  	_ =	strace $0x8000004A;
	s10 =	smax.u32 s31, $0x1;
	s9 =	sadd.s32 $0x200, s8;
	v11 =	vsel vm1, $0xB300, v11;
	v12 =	vsel vm1, $0xD300, v12;
	v13 =	vsel vm1, $0xF300, v13  }
.LBB2_24:
0x33: {  	[sflag:s19] =	ssyncadd.s32 $0xFFFFF800  }
.LBB2_25:
0x34: {  	s20 =	sadd.s32 $0x1, s20  }
0x35: {  	p0 =	sne.s32 s20, s10  }
.Ltmp1:
0x36: {  	_ = 	snop;
	(pc) =	sbr.rel @!p0 .LBB2_26-.Ltmp1, $1  }
0x37: {  	_ =	sdelay $0x3  }
.LBB2_1:
0x38: {  	[tilespmem:s6], [sflag:$0x4] =	stream.linear.gather [hbm4b:s3+s6], $0x4000, $0x38;
	[tilespmem:$0x1E100] =	vst v63  }
0x39: {  	_ =	swait.ge [sflag:s15], $0x4000  }
0x3a: {  	[sflag:s15] =	ssyncset.done $0x0  }
0x3b: {  	s5 =	simm.s32 $0x0;
	[sflag:s15] =	ssyncadd.s32 $0xFFFFC000  }
.LBB2_2:
0x3c: {  	p0 =	sne.s32 s5, $0xF80  }
.Ltmp2:
0x3d: {  	_ = 	snop;
	(pc) =	sbr.rel @p0 .LBB2_2-.Ltmp2, $3  }
0x3e: {  	_ =	sdelay $0x1  }
0x3f: {  	s21 =	sshra.s32 s5, $0x2  }
0x40: {  	s5 =	sadd.s32 $0x40, s5;
	[tilespmem:s21+$0x4000] =	vst v3  }
0x41: {  	s5 =	simm.s32 $0x0;
	s21 =	simm.s32 $0x0  }
.LBB2_4:
0x42: {  	v14 =	vld [tilespmem:s5+$0x0];
	_ =	sdelay $0x4  }
0x43: {  	v15 =	vshrl.u32 v14, $0x9  }
0x44: {  	v15 =	vsub.s32 v15, v0  }
0x45: {  	vm1 =	vgt.s32 v15, $0x0  }
0x46: {  	v16 =	vnsel vm1, $0x0, v15  }
0x47: {  	v16 =	vmin.u32 v16, $0x3D  }
0x48: {  	v17 =	vshll.u32 v16, $0x4  }
0x49: {  	v17 =	vor.u32 v4, v17;
	_ =	sdelay $0x4  }
0x4a: {  	v18 =	vld.idx.msk [tilespmem:v17+s11+$0x0], $0xffff;
	_ =	sdelay $0x4  }
0x4b: {  	v16 =	vmul.u32 $0xC, v16;
	vm1 =	vlt.s32 v18, $0xB  }
0x4c: {  	v18 =	vnsel vm1, $0xB, v18  }
0x4d: {  	vm2 =	vlt.s32 v15, v1;
	vm1 =	vgt.s32 v15, $0xFFFFFFFF;
	v15 =	vadd.s32 v18, v16  }
0x4e: {  	vm1 =	vmand vm1, vm2;
	v15 =	vshll.u32 v15, $0x4  }
0x4f: {  	v15 =	vor.u32 v4, v15;
	_ =	sdelay $0x1  }
0x50: {  	p0 =	sne.s32 s21, $0x3FF0  }
.Ltmp3:
0x51: {  	_ = 	snop;
	(pc) =	sbr.rel @p0 .LBB2_4-.Ltmp3, $4  }
0x52: {  	_ = 	snop  }
0x53: {  	[tilespmem:v15+s12+$0x0] =	vst.idx.msk vm1, v14;
	v14 =	vor.u32 s21, v4  }
0x54: {  	[tilespmem:v15+s13+$0x0] =	vst.idx.msk vm1, v14  }
0x55: {  	s5 =	sadd.s32 $0x10, s5;
	s21 =	sadd.s32 $0x10, s21;
	[tilespmem:v17+s11+$0x0] =	vst.idx.add.s32.msk vm1, v5  }
.Ltmp4:
0x56: {  	(pc) =	sbr.rel .LBB2_6-.Ltmp4, $4  }
0x57: {  	_ = 	snop  }
0x58: {  	[tilespmem:s17], [sflag:$0x1] =	stream.strided.gather [hbm4b:s8+s14], $0x8000, s16, s14, $0x38;
	[tilespmem:$0x1E100] =	vst v63  }
0x59: {  	s21 =	simm.s32 $0x0;
	s22 =	simm.s32 $0x0  }
0x5a: {  	[tilespmem:s18], [sflag:$0x2] =	stream.strided.gather [hbm4b:s9+s14], $0x8000, s16, s14, $0x38;
	[tilespmem:$0x1E100] =	vst v63  }
.LBB2_20:
0x5b: {  	s5 =	sadd.s32 $0x3, s23  }
0x5c: {  	p0 =	sge.u32 s5, s2  }
0x5d: {  	s5 =	sadd.s32 @!p0 s1, s5  }
0x5e: {  	s5 =	sshll.u32 @!p0 s5, $0x9  }
0x5f: {  	s22 =	sadd.s32 $0x1, s22;
	s23 =	simm.s32 @!p0 $0x1000;
	s5 =	smin.u32 @!p0 s5, $0xF4080  }
0x60: {  	s24 =	simm.s32 @!p0 $0x7A1400;
	s25 =	simm.s32 @!p0 $0x12100;
	s5 =	sadd.s32 @!p0 s4, s5  }
0x61: {  	[tilespmem:s25], [sflag:$0x2] =	stream.strided.gather @!p0 [hbm4b:s5+s23], $0x8000, s24, s23, $0x38;
	[tilespmem:$0x1E100] =	vst v63  }
0x62: {  	p0 =	sne.s32 s22, $0x1F  }
.Ltmp5:
0x63: {  	_ = 	snop;
	(pc) =	sbr.rel @!p0 .LBB2_21-.Ltmp5, $1  }
0x64: {  	_ =	sdelay $0x3  }
.LBB2_6:
0x65: {  	s23 =	sshll.u32 s22, $0x1  }
0x66: {  	p0 =	sge.u32 s23, s2  }
0x67: {  	s5 =	simm.s32 @!p0 $0x1  }
0x68: {  	_ =	swait.ge @!p0 [sflag:s5], $0x8000  }
0x69: {  	s24 =	sshll.u32 s22, $0x5;
	[sflag:s5] =	ssyncset.done @!p0 $0x0  }
0x6a: {  	s30 =	sand.u32 $0x3FFFFFE0, s24;
	[sflag:s5] =	ssyncadd.s32 @!p0 $0xFFFF8000  }
0x6b: {  	v14 =	vld [tilespmem:s30+$0x4000];
	_ =	sdelay $0x4  }
0x6c: {  	v15 =	vxor.u32 $0x80000000, v14  }
0x6d: {  	(xrf0) =	vmax.scan.msk.u32 $0xffff, v15;
	_ =	sdelay $0x5  }
0x6e: {  	v15, _, _ =	vpop (xrf0)  }
0x6f: {  	(v2sf) =	vpush v15, $0xF;
	_ =	sdelay $0xe  }
0x70: {  	s31 =	spop (v2sf)  }
0x71: {  	s24 =	sxor.u32 $0x80000000, s31  }
0x72: {  	p0 =	slt.s32 s24, $0x1  }
.Ltmp6:
0x73: {  	_ = 	snop;
	(pc) =	sbr.rel @p0 .LBB2_13-.Ltmp6, $1  }
0x74: {  	_ =	sdelay $0x3  }
.Ltmp7:
0x75: {  	(pc) =	sbr.rel .LBB2_8-.Ltmp7, $4  }
0x76: {  	s5 =	sadd.s32 s1, s23  }
0x77: {  	s5 =	sshll.u32 s5, $0x9  }
0x78: {  	s25 =	smul.u32 $0x18, s22;
	s5 =	smin.u32 s5, $0xF4080  }
0x79: {  	s26 =	simm.s32 $0x0;
	s28 =	smov.u32 s21;
	s29 =	simm.s32 $0x0;
	v15 =	vmov s5  }
.LBB2_11:
0x7a: {  	_ =	sdelay $0x2  }
0x7b: {  	[tilespmem:s31+$0x0] =	vst v20  }
0x7c: {  	v18 =	vld.idx.msk [tilespmem:v19+s17+$0x0], $0xffff;
	_ =	sdelay $0x4  }
0x7d: {  	[tilespmem:s31+$0x10] =	vst v18  }
.LBB2_12:
0x7e: {  	v16 =	vbroadcast v16, $0xF;
	_ =	sdelay $0x1  }
0x7f: {  	vm1 =	vgt.s32 v16, v4  }
0x80: {  	v16 =	vsel vm1, v17, v2  }
0x81: {  	s5 =	sand.u32 $0x7, s21  }
0x82: {  	s30 =	sshll.u32 s5, $0xD  }
0x83: {  	p0 =	sne.s32 s5, $0x7;
	s30 =	sshrl.u32 s30, $0x2  }
0x84: {  	s5 =	simm.s32 @!p0 $0x3;
	s30 =	sadd.s32 $0x1A100, s30  }
0x85: {  	[hbm4b:s7+s6] =	stream.indirect_vreg.scatter [tilespmem:s30], [sflag:$0x3], $0x80, v16, vm0, $0xb8;
	[tilespmem:$0x1E100] =	vst v63  }
0x86: {  	_ =	swait.ge @!p0 [sflag:s5], $0x800  }
0x87: {  	[sflag:s5] =	ssyncset.done @!p0 $0x0  }
0x88: {  	[sflag:s5] =	ssyncadd.s32 @!p0 $0xFFFFF800  }
0x89: {  	_ =	swait.ge @!p0 [sflag:s5], $0x800  }
0x8a: {  	[sflag:s5] =	ssyncset.done @!p0 $0x0  }
0x8b: {  	[sflag:s5] =	ssyncadd.s32 @!p0 $0xFFFFF800  }
0x8c: {  	_ =	swait.ge @!p0 [sflag:s5], $0x800  }
0x8d: {  	[sflag:s5] =	ssyncset.done @!p0 $0x0  }
0x8e: {  	[sflag:s5] =	ssyncadd.s32 @!p0 $0xFFFFF800  }
0x8f: {  	_ =	swait.ge @!p0 [sflag:s5], $0x800  }
0x90: {  	[sflag:s5] =	ssyncset.done @!p0 $0x0  }
0x91: {  	[sflag:s5] =	ssyncadd.s32 @!p0 $0xFFFFF800  }
0x92: {  	_ =	swait.ge @!p0 [sflag:s5], $0x800  }
0x93: {  	[sflag:s5] =	ssyncset.done @!p0 $0x0  }
0x94: {  	[sflag:s5] =	ssyncadd.s32 @!p0 $0xFFFFF800  }
0x95: {  	_ =	swait.ge @!p0 [sflag:s5], $0x800  }
0x96: {  	[sflag:s5] =	ssyncset.done @!p0 $0x0  }
0x97: {  	s29 =	sadd.s32 $0x1, s29;
	[sflag:s5] =	ssyncadd.s32 @!p0 $0xFFFFF800  }
0x98: {  	p1 =	sne.s32 s29, s24;
	_ =	swait.ge @!p0 [sflag:s5], $0x800  }
.Ltmp8:
0x99: {  	[sflag:s5] =	ssyncset.done @!p0 $0x0;
	(pc) =	sbr.rel @!p1 .LBB2_13-.Ltmp8, $4  }
0x9a: {  	[sflag:s5] =	ssyncadd.s32 @!p0 $0xFFFFF800  }
0x9b: {  	_ =	swait.ge @!p0 [sflag:s5], $0x800  }
0x9c: {  	[sflag:s5] =	ssyncset.done @!p0 $0x0  }
0x9d: {  	s21 =	sadd.s32 $0x1, s21;
	s28 =	sadd.s32 $0x1, s28;
	[sflag:s5] =	ssyncadd.s32 @!p0 $0xFFFFF800  }
.LBB2_8:
0x9e: {  	vm1 =	vgt.s32 v14, s29  }
0x9f: {  	v16 =	vsel vm1, $0x1, v3  }
0xa0: {  	(xrf0) =	vadd.scan.msk.s32 $0xffff, v16;
	_ =	sdelay $0x5  }
0xa1: {  	s5 =	sadd.s32 s25, s29;
	v16, _, _ =	vpop (xrf0)  }
0xa2: {  	s5 =	sshll.u32 s5, $0x4;
	(v2sf) =	vpush v16, $0xF  }
0xa3: {  	v17 =	vld [tilespmem:s5+$0x4400]  }
0xa4: {  	v18 =	vld [tilespmem:s5+$0x7280]  }
0xa5: {  	vm1 =	vle.s32 v14, s29  }
0xa6: {  	v19 =	vsel vm1, $0x1, v3  }
0xa7: {  	v19 =	vor.u32 $0x80000000, v19  }
0xa8: {  	(xrf1) =	vsort.ascd.msk.u32 $0xffff, v19, v17  }
0xa9: {  	(xrf1) =	vsort.ascd.msk.u32 $0xffff, v19, v18;
	_ =	sdelay $0x7  }
0xaa: {  	s30 =	spop (v2sf)  }
0xab: {  	p0 =	slt.s32 s30, $0x1  }
.Ltmp9:
0xac: {  	_ = 	snop;
	(pc) =	sbr.rel @p0 .LBB2_12-.Ltmp9, $3  }
0xad: {  	_ =	sdelay $0x1  }
0xae: {  	_, v18, _ =	vpop (xrf1)  }
0xaf: {  	_, v17, _ =	vpop (xrf1)  }
0xb0: {  	v18 =	vsub.s32 v18, v15  }
0xb1: {  	vm1 =	vgt.s32 v18, $0x0  }
0xb2: {  	v18 =	vnsel vm1, $0x0, v18  }
0xb3: {  	v19 =	vmov s26;
	v18 =	vmin.u32 v18, $0x1FF  }
0xb4: {  	v19 =	vperm.xlane v18, v19;
	_ =	sdelay $0x1  }
0xb5: {  	v20 =	vshll.u32 v19, $0x3  }
0xb6: {  	v19 =	vand.u32 $0x7F, v19;
	v20 =	vand.u32 $0xFFFFFC00, v20  }
0xb7: {  	v19 =	vor.u32 v19, v20  }
0xb8: {  	v20 =	vadd.s32 v6, v19;
	_ =	sdelay $0x4  }
0xb9: {  	v20 =	vld.idx.msk [tilespmem:v20+s17+$0x0], $0xffff  }
0xba: {  	v21 =	vadd.s32 v7, v19  }
0xbb: {  	s5 =	sand.u32 $0x7, s28  }
0xbc: {  	s5 =	sshll.u32 s5, $0xB  }
0xbd: {  	s31 =	sadd.s32 $0x1A120, s5  }
0xbe: {  	[tilespmem:s31+$0xFFFFFFE0] =	vst v20  }
0xbf: {  	v20 =	vld.idx.msk [tilespmem:v21+s17+$0x0], $0xffff  }
0xc0: {  	v21 =	vadd.s32 v8, v19  }
0xc1: {  	p0 =	sne.s32 s30, $0x1  }
.Ltmp10:
0xc2: {  	_ = 	snop;
	(pc) =	sbr.rel @!p0 .LBB2_11-.Ltmp10, $4  }
0xc3: {  	_ = 	snop  }
0xc4: {  	[tilespmem:s31+$0xFFFFFFF0] =	vst v20  }
0xc5: {  	v20 =	vld.idx.msk [tilespmem:v21+s17+$0x0], $0xffff  }
0xc6: {  	s5 =	simm.s32 $0x1;
	v19 =	vadd.s32 v9, v19  }
.LBB2_10:
0xc7: {  	v21 =	vmov s5;
	s5 =	sadd.s32 $0x1, s5  }
0xc8: {  	v21 =	vperm.xlane v18, v21;
	p0 =	sne.s32 s30, s5;
	_ =	sdelay $0x1  }
0xc9: {  	v22 =	vshll.u32 v21, $0x3;
	[tilespmem:s31+$0x0] =	vst v20  }
0xca: {  	v20 =	vand.u32 $0x7F, v21;
	v21 =	vand.u32 $0xFFFFFC00, v22;
	v19 =	vld.idx.msk [tilespmem:v19+s17+$0x0], $0xffff  }
0xcb: {  	v21 =	vor.u32 v20, v21  }
0xcc: {  	v20 =	vadd.s32 v6, v21;
	_ =	sdelay $0x3  }
0xcd: {  	[tilespmem:s31+$0x10] =	vst v19  }
0xce: {  	v19 =	vld.idx.msk [tilespmem:v20+s17+$0x0], $0xffff;
	_ =	sdelay $0x1  }
0xcf: {  	v20 =	vadd.s32 v7, v21;
	_ =	sdelay $0x2  }
0xd0: {  	s31 =	sadd.s32 $0x80, s31  }
0xd1: {  	[tilespmem:s31+$0xFFFFFFE0] =	vst v19  }
0xd2: {  	v19 =	vld.idx.msk [tilespmem:v20+s17+$0x0], $0xffff;
	_ =	sdelay $0x1  }
0xd3: {  	v20 =	vadd.s32 v8, v21;
	_ =	sdelay $0x2  }
.Ltmp11:
0xd4: {  	(pc) =	sbr.rel @p0 .LBB2_10-.Ltmp11, $3  }
0xd5: {  	[tilespmem:s31+$0xFFFFFFF0] =	vst v19  }
0xd6: {  	v20 =	vld.idx.msk [tilespmem:v20+s17+$0x0], $0xffff;
	_ =	sdelay $0x1  }
0xd7: {  	v19 =	vadd.s32 v9, v21  }
.Ltmp12:
0xd8: {  	_ = 	snop;
	(pc) =	sbr.rel .LBB2_11-.Ltmp12, $1  }
0xd9: {  	_ =	sdelay $0x3  }
.LBB2_13:
0xda: {  	s5 =	sadd.s32 $0x2, s23  }
0xdb: {  	p0 =	sge.u32 s5, s2  }
0xdc: {  	s5 =	sadd.s32 @!p0 s1, s5  }
0xdd: {  	s5 =	sshll.u32 @!p0 s5, $0x9  }
0xde: {  	s24 =	simm.s32 @!p0 $0x1000;
	s5 =	smin.u32 @!p0 s5, $0xF4080  }
0xdf: {  	s25 =	simm.s32 @!p0 $0x7A1400;
	s26 =	simm.s32 @!p0 $0xA100;
	s5 =	sadd.s32 @!p0 s4, s5  }
0xe0: {  	[tilespmem:s26], [sflag:$0x1] =	stream.strided.gather @!p0 [hbm4b:s5+s24], $0x8000, s25, s24, $0x38;
	[tilespmem:$0x1E100] =	vst v63  }
0xe1: {  	s5 =	sor.u32 $0x1, s23  }
0xe2: {  	p0 =	sge.u32 s5, s2  }
0xe3: {  	s24 =	simm.s32 @!p0 $0x2  }
0xe4: {  	_ =	swait.ge @!p0 [sflag:s24], $0x8000  }
0xe5: {  	s29 =	sshll.u32 s5, $0x4;
	[sflag:s24] =	ssyncset.done @!p0 $0x0  }
0xe6: {  	s30 =	sand.u32 $0x3FFFFFF0, s29;
	[sflag:s24] =	ssyncadd.s32 @!p0 $0xFFFF8000  }
0xe7: {  	v14 =	vld [tilespmem:s30+$0x4000];
	_ =	sdelay $0x4  }
0xe8: {  	v15 =	vxor.u32 $0x80000000, v14  }
0xe9: {  	(xrf0) =	vmax.scan.msk.u32 $0xffff, v15;
	_ =	sdelay $0x5  }
0xea: {  	v15, _, _ =	vpop (xrf0)  }
0xeb: {  	(v2sf) =	vpush v15, $0xF;
	_ =	sdelay $0xe  }
0xec: {  	s31 =	spop (v2sf)  }
0xed: {  	s24 =	sxor.u32 $0x80000000, s31  }
0xee: {  	p0 =	slt.s32 s24, $0x1  }
.Ltmp13:
0xef: {  	_ = 	snop;
	(pc) =	sbr.rel @p0 .LBB2_20-.Ltmp13, $1  }
0xf0: {  	_ =	sdelay $0x3  }
.Ltmp14:
0xf1: {  	(pc) =	sbr.rel .LBB2_15-.Ltmp14, $4  }
0xf2: {  	s25 =	sadd.s32 s1, s5  }
0xf3: {  	s25 =	sshll.u32 s25, $0x9  }
0xf4: {  	s28 =	smov.u32 s21;
	s26 =	smin.u32 s25, $0xF4080  }
0xf5: {  	s29 =	simm.s32 $0x0;
	s25 =	smul.u32 $0xC, s5;
	v15 =	vmov s26;
	s26 =	simm.s32 $0x0  }
.LBB2_18:
0xf6: {  	_ =	sdelay $0x2  }
0xf7: {  	[tilespmem:s31+$0x0] =	vst v20  }
0xf8: {  	v18 =	vld.idx.msk [tilespmem:v19+s17+$0x0], $0xffff;
	_ =	sdelay $0x4  }
0xf9: {  	[tilespmem:s31+$0x10] =	vst v18  }
.LBB2_19:
0xfa: {  	v16 =	vbroadcast v16, $0xF;
	_ =	sdelay $0x1  }
0xfb: {  	vm1 =	vgt.s32 v16, v4  }
0xfc: {  	v16 =	vsel vm1, v17, v2  }
0xfd: {  	s5 =	sand.u32 $0x7, s21  }
0xfe: {  	s30 =	sshll.u32 s5, $0xD  }
0xff: {  	p0 =	sne.s32 s5, $0x7;
	s30 =	sshrl.u32 s30, $0x2  }
0x100: {  	s5 =	simm.s32 @!p0 $0x3;
	s30 =	sadd.s32 $0x1A100, s30  }
0x101: {  	[hbm4b:s7+s6] =	stream.indirect_vreg.scatter [tilespmem:s30], [sflag:$0x3], $0x80, v16, vm0, $0xb8;
	[tilespmem:$0x1E100] =	vst v63  }
0x102: {  	_ =	swait.ge @!p0 [sflag:s5], $0x800  }
0x103: {  	[sflag:s5] =	ssyncset.done @!p0 $0x0  }
0x104: {  	[sflag:s5] =	ssyncadd.s32 @!p0 $0xFFFFF800  }
0x105: {  	_ =	swait.ge @!p0 [sflag:s5], $0x800  }
0x106: {  	[sflag:s5] =	ssyncset.done @!p0 $0x0  }
0x107: {  	[sflag:s5] =	ssyncadd.s32 @!p0 $0xFFFFF800  }
0x108: {  	_ =	swait.ge @!p0 [sflag:s5], $0x800  }
0x109: {  	[sflag:s5] =	ssyncset.done @!p0 $0x0  }
0x10a: {  	[sflag:s5] =	ssyncadd.s32 @!p0 $0xFFFFF800  }
0x10b: {  	_ =	swait.ge @!p0 [sflag:s5], $0x800  }
0x10c: {  	[sflag:s5] =	ssyncset.done @!p0 $0x0  }
0x10d: {  	[sflag:s5] =	ssyncadd.s32 @!p0 $0xFFFFF800  }
0x10e: {  	_ =	swait.ge @!p0 [sflag:s5], $0x800  }
0x10f: {  	[sflag:s5] =	ssyncset.done @!p0 $0x0  }
0x110: {  	[sflag:s5] =	ssyncadd.s32 @!p0 $0xFFFFF800  }
0x111: {  	_ =	swait.ge @!p0 [sflag:s5], $0x800  }
0x112: {  	[sflag:s5] =	ssyncset.done @!p0 $0x0  }
0x113: {  	s29 =	sadd.s32 $0x1, s29;
	[sflag:s5] =	ssyncadd.s32 @!p0 $0xFFFFF800  }
0x114: {  	p1 =	sne.s32 s29, s24;
	_ =	swait.ge @!p0 [sflag:s5], $0x800  }
.Ltmp15:
0x115: {  	[sflag:s5] =	ssyncset.done @!p0 $0x0;
	(pc) =	sbr.rel @!p1 .LBB2_20-.Ltmp15, $4  }
0x116: {  	[sflag:s5] =	ssyncadd.s32 @!p0 $0xFFFFF800  }
0x117: {  	_ =	swait.ge @!p0 [sflag:s5], $0x800  }
0x118: {  	[sflag:s5] =	ssyncset.done @!p0 $0x0  }
0x119: {  	s21 =	sadd.s32 $0x1, s21;
	s28 =	sadd.s32 $0x1, s28;
	[sflag:s5] =	ssyncadd.s32 @!p0 $0xFFFFF800  }
.LBB2_15:
0x11a: {  	vm1 =	vgt.s32 v14, s29  }
0x11b: {  	v16 =	vsel vm1, $0x1, v3  }
0x11c: {  	(xrf0) =	vadd.scan.msk.s32 $0xffff, v16;
	_ =	sdelay $0x5  }
0x11d: {  	s5 =	sadd.s32 s25, s29;
	v16, _, _ =	vpop (xrf0)  }
0x11e: {  	s5 =	sshll.u32 s5, $0x4;
	(v2sf) =	vpush v16, $0xF  }
0x11f: {  	v17 =	vld [tilespmem:s5+$0x4400]  }
0x120: {  	v18 =	vld [tilespmem:s5+$0x7280]  }
0x121: {  	vm1 =	vle.s32 v14, s29  }
0x122: {  	v19 =	vsel vm1, $0x1, v3  }
0x123: {  	v19 =	vor.u32 $0x80000000, v19  }
0x124: {  	(xrf1) =	vsort.ascd.msk.u32 $0xffff, v19, v17  }
0x125: {  	(xrf1) =	vsort.ascd.msk.u32 $0xffff, v19, v18;
	_ =	sdelay $0x7  }
0x126: {  	s30 =	spop (v2sf)  }
0x127: {  	p0 =	slt.s32 s30, $0x1  }
.Ltmp16:
0x128: {  	_ = 	snop;
	(pc) =	sbr.rel @p0 .LBB2_19-.Ltmp16, $3  }
0x129: {  	_ =	sdelay $0x1  }
0x12a: {  	_, v18, _ =	vpop (xrf1)  }
0x12b: {  	_, v17, _ =	vpop (xrf1)  }
0x12c: {  	v18 =	vsub.s32 v18, v15  }
0x12d: {  	vm1 =	vgt.s32 v18, $0x0  }
0x12e: {  	v18 =	vnsel vm1, $0x0, v18  }
0x12f: {  	v19 =	vmov s26;
	v18 =	vmin.u32 v18, $0x1FF  }
0x130: {  	v19 =	vperm.xlane v18, v19;
	_ =	sdelay $0x1  }
0x131: {  	v20 =	vshll.u32 v19, $0x3  }
0x132: {  	v19 =	vand.u32 $0x7F, v19;
	v20 =	vand.u32 $0xFFFFFC00, v20  }
0x133: {  	v19 =	vor.u32 v19, v20  }
0x134: {  	v20 =	vadd.s32 v10, v19;
	_ =	sdelay $0x4  }
0x135: {  	v20 =	vld.idx.msk [tilespmem:v20+s17+$0x0], $0xffff  }
0x136: {  	v21 =	vadd.s32 v11, v19  }
0x137: {  	s5 =	sand.u32 $0x7, s28  }
0x138: {  	s5 =	sshll.u32 s5, $0xB  }
0x139: {  	s31 =	sadd.s32 $0x1A120, s5  }
0x13a: {  	[tilespmem:s31+$0xFFFFFFE0] =	vst v20  }
0x13b: {  	v20 =	vld.idx.msk [tilespmem:v21+s17+$0x0], $0xffff  }
0x13c: {  	v21 =	vadd.s32 v12, v19  }
0x13d: {  	p0 =	sne.s32 s30, $0x1  }
.Ltmp17:
0x13e: {  	_ = 	snop;
	(pc) =	sbr.rel @!p0 .LBB2_18-.Ltmp17, $4  }
0x13f: {  	_ = 	snop  }
0x140: {  	[tilespmem:s31+$0xFFFFFFF0] =	vst v20  }
0x141: {  	v20 =	vld.idx.msk [tilespmem:v21+s17+$0x0], $0xffff  }
0x142: {  	s5 =	simm.s32 $0x1;
	v19 =	vadd.s32 v13, v19  }
.LBB2_17:
0x143: {  	v21 =	vmov s5;
	s5 =	sadd.s32 $0x1, s5  }
0x144: {  	v21 =	vperm.xlane v18, v21;
	p0 =	sne.s32 s30, s5;
	_ =	sdelay $0x1  }
0x145: {  	v22 =	vshll.u32 v21, $0x3;
	[tilespmem:s31+$0x0] =	vst v20  }
0x146: {  	v20 =	vand.u32 $0x7F, v21;
	v21 =	vand.u32 $0xFFFFFC00, v22;
	v19 =	vld.idx.msk [tilespmem:v19+s17+$0x0], $0xffff  }
0x147: {  	v21 =	vor.u32 v20, v21  }
0x148: {  	v20 =	vadd.s32 v10, v21;
	_ =	sdelay $0x3  }
0x149: {  	[tilespmem:s31+$0x10] =	vst v19  }
0x14a: {  	v19 =	vld.idx.msk [tilespmem:v20+s17+$0x0], $0xffff;
	_ =	sdelay $0x1  }
0x14b: {  	v20 =	vadd.s32 v11, v21;
	_ =	sdelay $0x2  }
0x14c: {  	s31 =	sadd.s32 $0x80, s31  }
0x14d: {  	[tilespmem:s31+$0xFFFFFFE0] =	vst v19  }
0x14e: {  	v19 =	vld.idx.msk [tilespmem:v20+s17+$0x0], $0xffff;
	_ =	sdelay $0x1  }
0x14f: {  	v20 =	vadd.s32 v12, v21;
	_ =	sdelay $0x2  }
.Ltmp18:
0x150: {  	(pc) =	sbr.rel @p0 .LBB2_17-.Ltmp18, $3  }
0x151: {  	[tilespmem:s31+$0xFFFFFFF0] =	vst v19  }
0x152: {  	v20 =	vld.idx.msk [tilespmem:v20+s17+$0x0], $0xffff;
	_ =	sdelay $0x1  }
0x153: {  	v19 =	vadd.s32 v13, v21  }
.Ltmp19:
0x154: {  	_ = 	snop;
	(pc) =	sbr.rel .LBB2_18-.Ltmp19, $1  }
0x155: {  	_ =	sdelay $0x3  }
.LBB2_21:
0x156: {  	s5 =	sand.u32 $0x7, s21  }
0x157: {  	p0 =	seq.s32 s5, $0x0  }
.Ltmp20:
0x158: {  	_ = 	snop;
	(pc) =	sbr.rel @p0 .LBB2_25-.Ltmp20, $1  }
0x159: {  	_ =	sdelay $0x3  }
0x15a: {  	p0 =	sne.s32 s5, $0x1  }
.Ltmp21:
0x15b: {  	_ = 	snop;
	(pc) =	sbr.rel @!p0 .LBB2_24-.Ltmp21, $3  }
0x15c: {  	_ =	sdelay $0x1  }
0x15d: {  	_ =	swait.ge [sflag:s19], $0x800  }
0x15e: {  	s5 =	sadd.s32 $0xFFFFFFFF, s5;
	[sflag:s19] =	ssyncset.done $0x0  }
.LBB2_23:
0x15f: {  	p0 =	sne.s32 s5, $0x1;
	s5 =	sadd.s32 $0xFFFFFFFF, s5;
	[sflag:s19] =	ssyncadd.s32 $0xFFFFF800  }
.Ltmp22:
0x160: {  	(pc) =	sbr.rel @p0 .LBB2_23-.Ltmp22, $3  }
0x161: {  	_ =	sdelay $0x1  }
0x162: {  	_ =	swait.ge [sflag:s19], $0x800  }
0x163: {  	[sflag:s19] =	ssyncset.done $0x0  }
.Ltmp23:
0x164: {  	_ = 	snop;
	(pc) =	sbr.rel .LBB2_24-.Ltmp23, $1  }
0x165: {  	_ =	sdelay $0x3  }
.LBB2_26:
0x166: {  	_ =	sfence.sel $0x180000  }
0x167: {  	[bflag:$0x0] =	sbarrier.arrive $0xFFFF  }
0x168: {  	_ =	strace $0x9000004A  }
0x169: {  	[bflag:$0x2] =	sbarrier.arrive $0xFFFF  }
0x16a: {  	p0 =	sne.s32 s0, $0x0;
	s0 =	rddreg [dreg:$0x3]  }
0x16b: {  	s0 =	sadd.s32 @!p0 $0x100000, s0  }
0x16c: {  	[sflag:s0] =	ssyncadd.tile.s32 @!p0 $0x1;
	_ =	shalt  }
.Lfunc_end2:
_tile_overlayer_lowered:
.L_overlay_start_2:
0x16d: {  	(tag) =	ssettag $0x2  }
0x16e: {  	s0 =	rddreg [dreg:$0x0];
	s2 =	stileid.u32  }
0x16f: {  	s1 =	rddreg [dreg:$0x1];
	p0 =	sne.s32 s2, $0x0  }
0x170: {  	s3 =	rddreg [dreg:$0x2];
	[bflag:$0x3] =	sbarrier.arrive $0xFFFF;
	s2 =	simm.s32 @!p0 $0x1C04  }
0x171: {  	[timem:s3], [sflag:s2] =	dma.local @!p0 [hbm:s0], s1  }
0x172: {  	s0 =	simm.s32 @!p0 $0x4  }
0x173: {  	_ =	swait.ge @!p0 [sflag:s0], s1  }
0x174: {  	s1 =	ssub.s32 @!p0 $0x0, s1;
	[sflag:s0] =	ssyncset.done @!p0 $0x0  }
0x175: {  	[sflag:s0] =	ssyncadd.s32 @!p0 s1  }
0x176: {  	[bflag:$0x3] =	sbarrier.arrive $0xFFFF  }
0x177: {  	_ =	shalt  }

</sc_bundles>
